<compile_context>
chip_gen: v7x
topology: tpu7x:2x2x1
jax: 0.10.2.dev20260603
libtpu: 0.0.44.dev20260713+nightly
codegen_flags: <defaults>
</compile_context>

<pallas_src>
import functools

import jax
import jax.numpy as jnp
from jax import lax
from jax.experimental import pallas as pl
from jax.experimental.pallas import tpu as pltpu
from jax.experimental.pallas import tpu_sc as plsc

N = 10000
D = 128
C = 64
C2 = C // 2
E = 320000
NC = 2
NS = 16
NW = NC * NS
CH = 125
NCHUNK = E // CH // NW
NCH_CS = E // CH // NS
NPAD = 10240
TROWS = NPAD // NS
ZR = 128

_mesh = plsc.VectorSubcoreMesh(
    core_axis_name="c", subcore_axis_name="s", num_cores=NC, num_subcores=NS
)
_sc_params = pltpu.CompilerParams(use_tc_tiling_on_sc=False)


def _fill_rows(ref, nrows, ncol16, val):
    v16 = jnp.full((16,), val, jnp.float32)

    def body(i, carry):
        for j in range(ncol16):
            ref[i, pl.ds(j * 16, 16)] = v16
        return carry

    lax.fori_loop(0, nrows, body, 0)


@functools.partial(
    pl.kernel,
    out_type=jax.ShapeDtypeStruct((NC, NPAD, 16), jnp.float32),
    mesh=_mesh,
    compiler_params=_sc_params,
    scratch_types=[
        pltpu.VMEM((NCHUNK, CH), jnp.int32),
        pltpu.VMEM((CH, 16), jnp.float32),
        pltpu.VMEM((TROWS, 16), jnp.float32),
        pltpu.VMEM_SHARED((NPAD, 16), jnp.float32),
    ],
)
def _deg_kernel(dst_hbm, out_hbm, dst_v, ones_v, zero_v, acc):
    cid = lax.axis_index("c")
    sid = lax.axis_index("s")
    wid = sid * NC + cid
    _fill_rows(ones_v, CH, 1, 1.0)
    _fill_rows(zero_v, TROWS, 1, 0.0)
    pltpu.sync_copy(dst_hbm.at[pl.ds(wid * NCHUNK, NCHUNK)], dst_v)
    pltpu.sync_copy(zero_v, acc.at[pl.ds(sid * TROWS, TROWS)])
    plsc.subcore_barrier()

    def chunk(g, carry):
        pltpu.sync_copy(ones_v, acc.at[dst_v.at[g]], add=True)
        return carry

    lax.fori_loop(0, NCHUNK, chunk, 0)
    plsc.subcore_barrier()
    pltpu.sync_copy(
        acc.at[pl.ds(sid * TROWS, TROWS)], out_hbm.at[cid, pl.ds(sid * TROWS, TROWS)]
    )


NBUF = 4
NGROUP = NCH_CS // NBUF


@functools.partial(
    pl.kernel,
    out_type=jax.ShapeDtypeStruct((NC, NPAD, C2), jnp.float32),
    mesh=_mesh,
    compiler_params=_sc_params,
    scratch_types=[
        pltpu.VMEM((NCH_CS, CH), jnp.int32),
        pltpu.VMEM((NCH_CS, CH), jnp.int32),
        pltpu.VMEM((NBUF, CH, C2), jnp.float32),
        pltpu.VMEM((ZR, C2), jnp.float32),
        pltpu.VMEM_SHARED((NPAD, C2), jnp.float32),
        pltpu.VMEM_SHARED((NPAD, C2), jnp.float32),
        [pltpu.SemaphoreType.DMA] * NBUF,
        [pltpu.SemaphoreType.DMA] * NBUF,
    ],
)
def _hop(z_hbm, src_hbm, dst_hbm, out_hbm, src_v, dst_v, rows_v, zero_v, z_sp,
         acc, gsem, ssem):
    cid = lax.axis_index("c")
    sid = lax.axis_index("s")
    _fill_rows(zero_v, ZR, C2 // 16, 0.0)
    pltpu.sync_copy(src_hbm.at[pl.ds(sid * NCH_CS, NCH_CS)], src_v)
    pltpu.sync_copy(dst_hbm.at[pl.ds(sid * NCH_CS, NCH_CS)], dst_v)
    pltpu.sync_copy(
        z_hbm.at[cid, pl.ds(sid * TROWS, TROWS)],
        z_sp.at[pl.ds(sid * TROWS, TROWS)],
    )
    for r in range(TROWS // ZR):
        pltpu.sync_copy(zero_v, acc.at[pl.ds(sid * TROWS + r * ZR, ZR)])
    plsc.subcore_barrier()

    for b in range(NBUF):
        pltpu.async_copy(z_sp.at[src_v.at[b]], rows_v.at[b], gsem[b])

    def group(k, carry):
        base = k * NBUF
        for b in range(NBUF):
            g = base + b
            pltpu.make_async_copy(z_sp.at[src_v.at[g]], rows_v.at[b], gsem[b]).wait()
            pltpu.async_copy(rows_v.at[b], acc.at[dst_v.at[g]], ssem[b], add=True)

        @pl.when(k < NGROUP - 1)
        def _():
            for b in range(NBUF):
                g = base + b
                pltpu.make_async_copy(
                    rows_v.at[b], acc.at[dst_v.at[g]], ssem[b]
                ).wait()
                pltpu.async_copy(z_sp.at[src_v.at[g + NBUF]], rows_v.at[b], gsem[b])

        return carry

    lax.fori_loop(0, NGROUP, group, 0)
    for b in range(NBUF):
        g = NCH_CS - NBUF + b
        pltpu.make_async_copy(rows_v.at[b], acc.at[dst_v.at[g]], ssem[b]).wait()
    plsc.subcore_barrier()
    pltpu.sync_copy(
        acc.at[pl.ds(sid * TROWS, TROWS)], out_hbm.at[cid, pl.ds(sid * TROWS, TROWS)]
    )


BLK = 640


def _proj_body(deg_ref, x_ref, w_ref, z_ref):
    deg = deg_ref[0, :, 0:1] + deg_ref[1, :, 0:1] + 1.0
    dinv = lax.rsqrt(deg)
    m = lax.dot_general(
        x_ref[...], w_ref[...], (((1,), (1,)), ((), ())),
        preferred_element_type=jnp.float32,
    )
    zs = dinv * m
    z_ref[0] = zs[:, :C2]
    z_ref[1] = zs[:, C2:]


def _mid_body(deg_ref, z_ref, p_ref, o_ref):
    deg = deg_ref[0, :, 0:1] + deg_ref[1, :, 0:1] + 1.0
    o_ref[...] = (z_ref[...] + p_ref[...]) / deg[None]


def _final_body(deg_ref, z2_ref, q_ref, b_ref, o_ref):
    deg = deg_ref[0, :, 0:1] + deg_ref[1, :, 0:1] + 1.0
    dinv = lax.rsqrt(deg)
    t0 = (z2_ref[0] + q_ref[0]) * dinv + b_ref[0:1, :C2]
    t1 = (z2_ref[1] + q_ref[1]) * dinv + b_ref[0:1, C2:]
    t = jnp.concatenate([t0, t1], axis=1)
    mx = jnp.max(t, axis=1, keepdims=True)
    s = t - mx
    lse = jnp.log(jnp.sum(jnp.exp(s), axis=1, keepdims=True))
    o_ref[...] = s - lse


def _deg_spec():
    return pl.BlockSpec((2, BLK, 16), lambda i: (0, i, 0))


def _cs_spec():
    return pl.BlockSpec((2, BLK, C2), lambda i: (0, i, 0))


_proj = pl.pallas_call(
    _proj_body,
    grid=(NPAD // BLK,),
    in_specs=[
        _deg_spec(),
        pl.BlockSpec((BLK, D), lambda i: (i, 0)),
        pl.BlockSpec((C, D), lambda i: (0, 0)),
    ],
    out_specs=_cs_spec(),
    out_shape=jax.ShapeDtypeStruct((2, NPAD, C2), jnp.float32),
)

_mid = pl.pallas_call(
    _mid_body,
    grid=(NPAD // BLK,),
    in_specs=[_deg_spec(), _cs_spec(), _cs_spec()],
    out_specs=_cs_spec(),
    out_shape=jax.ShapeDtypeStruct((2, NPAD, C2), jnp.float32),
)

_final = pl.pallas_call(
    _final_body,
    grid=(NPAD // BLK,),
    in_specs=[
        _deg_spec(),
        _cs_spec(),
        _cs_spec(),
        pl.BlockSpec((1, C), lambda i: (0, 0)),
    ],
    out_specs=pl.BlockSpec((BLK, C), lambda i: (i, 0)),
    out_shape=jax.ShapeDtypeStruct((NPAD, C), jnp.float32),
)


def kernel(x, edge_index, W, b):
    src = edge_index[0].astype(jnp.int32).reshape(E // CH, CH)
    dst = edge_index[1].astype(jnp.int32).reshape(E // CH, CH)
    x_pad = jnp.pad(x, ((0, NPAD - N), (0, 0)))
    degp = _deg_kernel(dst)
    z = _proj(degp, x_pad, W)
    p = _hop(z, src, dst)
    z2 = _mid(degp, z, p)
    q = _hop(z2, src, dst)
    out = _final(degp, z2, q, b.reshape(1, C))
    return out[:N]

# --- scband reference (transcript-rebuilt; emitter-appended) ---
"""Pipeline reference for scband-sgc-4569845203315 (READ-ONLY COPY).

The authoritative reference and input builder live on the scoring server;
editing this copy changes nothing except your own understanding.
"""

import jax, jax.numpy as jnp
import numpy as np

N_NODES = 10000
D_FEAT = 128
N_CLASSES = 64
N_EDGES = 320000
K_HOPS = 2


def setup_inputs(seed: int = 0) -> dict:
    key = jax.random.key(seed)
    k1, k2, k3, k4 = jax.random.split(key, 4)
    x = jax.random.normal(k1, (N_NODES, D_FEAT), dtype=jnp.float32)
    edge_index = jax.random.randint(k2, (2, N_EDGES), 0, N_NODES, dtype=jnp.int64)
    # SGConv linear layer params (PyG Linear: out = x @ W.T + b)
    scale = 1.0 / np.sqrt(D_FEAT)
    W = jax.random.uniform(k3, (N_CLASSES, D_FEAT), dtype=jnp.float32, minval=-scale, maxval=scale)
    b = jax.random.uniform(k4, (N_CLASSES,), dtype=jnp.float32, minval=-scale, maxval=scale)
    return {"x": x, "edge_index": edge_index, "W": W, "b": b}


def reference(x, edge_index, W, b):
    N = x.shape[0]
    src = edge_index[0]
    dst = edge_index[1]
    # gcn_norm with self-loops (PyG SGConv default: add_self_loops=True)
    loop = jnp.arange(N, dtype=edge_index.dtype)
    src = jnp.concatenate([src, loop])
    dst = jnp.concatenate([dst, loop])
    deg = jax.ops.segment_sum(jnp.ones(src.shape[0], dtype=x.dtype), dst, num_segments=N)
    deg_inv_sqrt = jnp.where(deg > 0, deg ** -0.5, 0.0)
    norm = deg_inv_sqrt[src] * deg_inv_sqrt[dst]
    # K-hop propagation: x <- D^-1/2 (A+I) D^-1/2 x, repeated K times
    h = x
    for _ in range(K_HOPS):
        msgs = norm[:, None] * h[src]
        h = jax.ops.segment_sum(msgs, dst, num_segments=N)
    out = h @ W.T + b
    return jax.nn.log_softmax(out, axis=1)

if __name__ == "__main__":
    import jax
    _d = setup_inputs()
    print(jax.jit(kernel)(*tuple(_d.values())))

</pallas_src>

<mosaic_0001>
#map = affine_map<(d0, d1) -> (0, 0)>
#map1 = affine_map<(d0, d1) -> (0, 0, 0)>
module attributes {stable_mosaic.version = 14 : i64} {
  func.func @_deg_kernel(%arg0: i32, %arg1: i32, %arg2: memref<2560x125xi32, #tpu.memory_space<hbm>>, %arg3: memref<2x10240x16xf32, #tpu.memory_space<hbm>>, %arg4: memref<80x125xi32, #tpu.memory_space<vmem>>, %arg5: memref<125x16xf32, #tpu.memory_space<vmem>>, %arg6: memref<640x16xf32, #tpu.memory_space<vmem>>, %arg7: memref<10240x16xf32, #tpu.memory_space<vmem_shared>>) attributes {dimension_semantics = [#tpu.dimension_semantics<core_parallel>, #tpu.dimension_semantics<subcore_parallel>], iteration_bounds = array<i64: 2, 16>, scalar_prefetch = 0 : i64, scratch_operands = 4 : i64, tpu.core_type = #tpu.core_type<sc_vector_subcore>, window_params = [{transform_indices = #map}, {transform_indices = #map1}]} {
    %mul3A = arith.constant 2 : i32
    %mul3A_0 = arith.muli %arg1, %mul3A : i32
    %add3A = arith.addi %mul3A_0, %arg0 : i32
    %broadcast_in_dim3A = arith.constant 1.000000e+00 : f32
    %broadcast_in_dim3A_1 = vector.broadcast %broadcast_in_dim3A : f32 to vector<16xf32>
    %scan3A = arith.constant 0 : i32
    %scan3A_2 = arith.constant 0 : i32
    %scan3A_3 = arith.constant 125 : i32
    %scan3A_4 = arith.addi %scan3A_2, %scan3A_3 : i32
    %scan3A_5 = arith.constant 1 : i32
    scf.for %scan3A_30 = %scan3A_2 to %scan3A_4 step %scan3A_5  : i32 {
      %swap3A = arith.index_cast %scan3A_30 : i32 to index
      %swap3A_31 = arith.constant 0 : index
      %swap3A_32 = tpu.vector_load %arg5[%swap3A, %swap3A_31] {strides = array<i32>} : memref<125x16xf32, #tpu.memory_space<vmem>>, vector<1x16xf32>,
      %swap3A_33 = vector.shape_cast %swap3A_32 : vector<1x16xf32> to vector<16xf32>
      %swap3A_34 = vector.shape_cast %broadcast_in_dim3A_1 : vector<16xf32> to vector<1x16xf32>
      tpu.vector_store %arg5[%swap3A, %swap3A_31], %swap3A_34 {strides = array<i32>} : memref<125x16xf32, #tpu.memory_space<vmem>>, vector<1x16xf32>,
    }
    %scan3A_6 = arith.constant 125 : i32
    %broadcast_in_dim3A_7 = arith.constant 0.000000e+00 : f32
    %broadcast_in_dim3A_8 = vector.broadcast %broadcast_in_dim3A_7 : f32 to vector<16xf32>
    %scan3A_9 = arith.constant 0 : i32
    %scan3A_10 = arith.constant 0 : i32
    %scan3A_11 = arith.constant 640 : i32
    %scan3A_12 = arith.addi %scan3A_10, %scan3A_11 : i32
    %scan3A_13 = arith.constant 1 : i32
    scf.for %scan3A_30 = %scan3A_10 to %scan3A_12 step %scan3A_13  : i32 {
      %swap3A = arith.index_cast %scan3A_30 : i32 to index
      %swap3A_31 = arith.constant 0 : index
      %swap3A_32 = tpu.vector_load %arg6[%swap3A, %swap3A_31] {strides = array<i32>} : memref<640x16xf32, #tpu.memory_space<vmem>>, vector<1x16xf32>,
      %swap3A_33 = vector.shape_cast %swap3A_32 : vector<1x16xf32> to vector<16xf32>
      %swap3A_34 = vector.shape_cast %broadcast_in_dim3A_8 : vector<16xf32> to vector<1x16xf32>
      tpu.vector_store %arg6[%swap3A, %swap3A_31], %swap3A_34 {strides = array<i32>} : memref<640x16xf32, #tpu.memory_space<vmem>>, vector<1x16xf32>,
    }
    %scan3A_14 = arith.constant 640 : i32
    %mul3A_15 = arith.constant 80 : i32
    %mul3A_16 = arith.muli %add3A, %mul3A_15 : i32
    "tpu.region"() ({
      %run_scoped3A = tpu.sem_alloc : memref<!tpu.dma_semaphore, #tpu.memory_space<semaphore_mem>>
      %dma_start3A = arith.constant 0 : i32
      %dma_start3A_30 = tpu.memref_slice %arg2[%mul3A_16, %dma_start3A] : memref<2560x125xi32, #tpu.memory_space<hbm>> -> memref<80x125xi32, #tpu.memory_space<hbm>>
      %dma_start3A_31 = arith.constant 0 : i32
      %dma_start3A_32 = tpu.memref_slice %arg2[%mul3A_16, %dma_start3A_31] : memref<2560x125xi32, #tpu.memory_space<hbm>> -> memref<80x125xi32, #tpu.memory_space<hbm>>
      tpu.enqueue_dma source(%dma_start3A_32 : memref<80x125xi32, #tpu.memory_space<hbm>>) target(%arg4 : memref<80x125xi32, #tpu.memory_space<vmem>>) target_semaphore(%run_scoped3A : memref<!tpu.dma_semaphore, #tpu.memory_space<semaphore_mem>>)
      %dma_wait3A = arith.constant 0 : i32
      %dma_wait3A_33 = tpu.memref_slice %arg2[%mul3A_16, %dma_wait3A] : memref<2560x125xi32, #tpu.memory_space<hbm>> -> memref<80x125xi32, #tpu.memory_space<hbm>>
      %dma_wait3A_34 = arith.constant 0 : i32
      %dma_wait3A_35 = tpu.memref_slice %arg2[%mul3A_16, %dma_wait3A_34] : memref<2560x125xi32, #tpu.memory_space<hbm>> -> memref<80x125xi32, #tpu.memory_space<hbm>>
      tpu.wait_dma2 semaphore(%run_scoped3A : memref<!tpu.dma_semaphore, #tpu.memory_space<semaphore_mem>>) src(%dma_wait3A_35 : memref<80x125xi32, #tpu.memory_space<hbm>>) dst(%arg4 : memref<80x125xi32, #tpu.memory_space<vmem>>)
      tpu.yield
    }) : () -> ()
    %mul3A_17 = arith.constant 640 : i32
    %mul3A_18 = arith.muli %arg1, %mul3A_17 : i32
    "tpu.region"() ({
      %run_scoped3A = tpu.sem_alloc : memref<!tpu.dma_semaphore, #tpu.memory_space<semaphore_mem>>
      %dma_start3A = arith.constant 0 : i32
      %dma_start3A_30 = tpu.memref_slice %arg7[%mul3A_18, %dma_start3A] : memref<10240x16xf32, #tpu.memory_space<vmem_shared>> -> memref<640x16xf32, #tpu.memory_space<vmem_shared>>
      %dma_start3A_31 = arith.constant 0 : i32
      %dma_start3A_32 = tpu.memref_slice %arg7[%mul3A_18, %dma_start3A_31] : memref<10240x16xf32, #tpu.memory_space<vmem_shared>> -> memref<640x16xf32, #tpu.memory_space<vmem_shared>>
      tpu.enqueue_dma source(%arg6 : memref<640x16xf32, #tpu.memory_space<vmem>>) target(%dma_start3A_32 : memref<640x16xf32, #tpu.memory_space<vmem_shared>>) target_semaphore(%run_scoped3A : memref<!tpu.dma_semaphore, #tpu.memory_space<semaphore_mem>>)
      %dma_wait3A = arith.constant 0 : i32
      %dma_wait3A_33 = tpu.memref_slice %arg7[%mul3A_18, %dma_wait3A] : memref<10240x16xf32, #tpu.memory_space<vmem_shared>> -> memref<640x16xf32, #tpu.memory_space<vmem_shared>>
      %dma_wait3A_34 = arith.constant 0 : i32
      %dma_wait3A_35 = tpu.memref_slice %arg7[%mul3A_18, %dma_wait3A_34] : memref<10240x16xf32, #tpu.memory_space<vmem_shared>> -> memref<640x16xf32, #tpu.memory_space<vmem_shared>>
      tpu.wait_dma2 semaphore(%run_scoped3A : memref<!tpu.dma_semaphore, #tpu.memory_space<semaphore_mem>>) src(%arg6 : memref<640x16xf32, #tpu.memory_space<vmem>>) dst(%dma_wait3A_35 : memref<640x16xf32, #tpu.memory_space<vmem_shared>>)
      tpu.yield
    }) : () -> ()
    %barrier3A = arith.constant 0 : index
    tpu.barrier barrier_id(%barrier3A)
    %scan3A_19 = arith.constant 0 : i32
    %scan3A_20 = arith.constant 0 : i32
    %scan3A_21 = arith.constant 80 : i32
    %scan3A_22 = arith.addi %scan3A_20, %scan3A_21 : i32
    %scan3A_23 = arith.constant 1 : i32
    scf.for %scan3A_30 = %scan3A_20 to %scan3A_22 step %scan3A_23  : i32 {
      "tpu.region"() ({
        %run_scoped3A = tpu.sem_alloc : memref<!tpu.dma_semaphore, #tpu.memory_space<semaphore_mem>>
        %dma_start3A = arith.constant 0 : i32
        %dma_start3A_31 = tpu.memref_slice %arg4[%scan3A_30, %dma_start3A] : memref<80x125xi32, #tpu.memory_space<vmem>> -> memref<1x125xi32, #tpu.memory_space<vmem>>
        %dma_start3A_32 = tpu.memref_squeeze %dma_start3A_31 : memref<1x125xi32, #tpu.memory_space<vmem>> -> memref<125xi32, #tpu.memory_space<vmem>>
        %dma_start3A_33 = arith.constant 0 : i32
        %dma_start3A_34 = arith.constant 0 : i32
        %dma_start3A_35 = tpu.memref_slice %arg7[%dma_start3A_33, %dma_start3A_34] : memref<10240x16xf32, #tpu.memory_space<vmem_shared>> -> memref<10240x16xf32, #tpu.memory_space<vmem_shared>>
        tpu.enqueue_indirect_dma source(%arg5 : memref<125x16xf32, #tpu.memory_space<vmem>>) target(%dma_start3A_35 : memref<10240x16xf32, #tpu.memory_space<vmem_shared>>) offsets(%dma_start3A_32 : memref<125xi32, #tpu.memory_space<vmem>>) semaphore(%run_scoped3A : memref<!tpu.dma_semaphore, #tpu.memory_space<semaphore_mem>>) {add = true}
        %dma_wait3A = arith.constant 0 : i32
        %dma_wait3A_36 = tpu.memref_slice %arg4[%scan3A_30, %dma_wait3A] : memref<80x125xi32, #tpu.memory_space<vmem>> -> memref<1x125xi32, #tpu.memory_space<vmem>>
        %dma_wait3A_37 = tpu.memref_squeeze %dma_wait3A_36 : memref<1x125xi32, #tpu.memory_space<vmem>> -> memref<125xi32, #tpu.memory_space<vmem>>
        %dma_wait3A_38 = arith.constant 0 : i32
        %dma_wait3A_39 = arith.constant 0 : i32
        %dma_wait3A_40 = tpu.memref_slice %arg7[%dma_wait3A_38, %dma_wait3A_39] : memref<10240x16xf32, #tpu.memory_space<vmem_shared>> -> memref<10240x16xf32, #tpu.memory_space<vmem_shared>>
        tpu.wait_indirect_dma semaphore(%run_scoped3A : memref<!tpu.dma_semaphore, #tpu.memory_space<semaphore_mem>>) src(%arg5 : memref<125x16xf32, #tpu.memory_space<vmem>>) dst(%dma_wait3A_40 : memref<10240x16xf32, #tpu.memory_space<vmem_shared>>)
        tpu.yield
      }) : () -> ()
    }
    %scan3A_24 = arith.constant 80 : i32
    %barrier3A_25 = arith.constant 0 : index
    tpu.barrier barrier_id(%barrier3A_25)
    %mul3A_26 = arith.constant 640 : i32
    %mul3A_27 = arith.muli %arg1, %mul3A_26 : i32
    %mul3A_28 = arith.constant 640 : i32
    %mul3A_29 = arith.muli %arg1, %mul3A_28 : i32
    "tpu.region"() ({
      %run_scoped3A = tpu.sem_alloc : memref<!tpu.dma_semaphore, #tpu.memory_space<semaphore_mem>>
      %dma_start3A = arith.constant 0 : i32
      %dma_start3A_30 = tpu.memref_slice %arg3[%arg0, %mul3A_29, %dma_start3A] : memref<2x10240x16xf32, #tpu.memory_space<hbm>> -> memref<1x640x16xf32, #tpu.memory_space<hbm>>
      %dma_start3A_31 = tpu.memref_squeeze %dma_start3A_30 : memref<1x640x16xf32, #tpu.memory_space<hbm>> -> memref<640x16xf32, #tpu.memory_space<hbm>>
      %dma_start3A_32 = arith.constant 0 : i32
      %dma_start3A_33 = tpu.memref_slice %arg7[%mul3A_27, %dma_start3A_32] : memref<10240x16xf32, #tpu.memory_space<vmem_shared>> -> memref<640x16xf32, #tpu.memory_space<vmem_shared>>
      tpu.enqueue_dma source(%dma_start3A_33 : memref<640x16xf32, #tpu.memory_space<vmem_shared>>) target(%dma_start3A_31 : memref<640x16xf32, #tpu.memory_space<hbm>>) target_semaphore(%run_scoped3A : memref<!tpu.dma_semaphore, #tpu.memory_space<semaphore_mem>>)
      %dma_wait3A = arith.constant 0 : i32
      %dma_wait3A_34 = tpu.memref_slice %arg3[%arg0, %mul3A_29, %dma_wait3A] : memref<2x10240x16xf32, #tpu.memory_space<hbm>> -> memref<1x640x16xf32, #tpu.memory_space<hbm>>
      %dma_wait3A_35 = tpu.memref_squeeze %dma_wait3A_34 : memref<1x640x16xf32, #tpu.memory_space<hbm>> -> memref<640x16xf32, #tpu.memory_space<hbm>>
      %dma_wait3A_36 = arith.constant 0 : i32
      %dma_wait3A_37 = tpu.memref_slice %arg7[%mul3A_27, %dma_wait3A_36] : memref<10240x16xf32, #tpu.memory_space<vmem_shared>> -> memref<640x16xf32, #tpu.memory_space<vmem_shared>>
      tpu.wait_dma2 semaphore(%run_scoped3A : memref<!tpu.dma_semaphore, #tpu.memory_space<semaphore_mem>>) src(%dma_wait3A_37 : memref<640x16xf32, #tpu.memory_space<vmem_shared>>) dst(%dma_wait3A_35 : memref<640x16xf32, #tpu.memory_space<hbm>>)
      tpu.yield
    }) : () -> ()
    return
  }
}

#map = affine_map<(d0, d1) -> (0, 0, 0)>
#map1 = affine_map<(d0, d1) -> (0, 0)>
module attributes {stable_mosaic.version = 14 : i64} {
  func.func @_hop(%arg0: i32, %arg1: i32, %arg2: memref<2x10240x32xf32, #tpu.memory_space<hbm>>, %arg3: memref<2560x125xi32, #tpu.memory_space<hbm>>, %arg4: memref<2560x125xi32, #tpu.memory_space<hbm>>, %arg5: memref<2x10240x32xf32, #tpu.memory_space<hbm>>, %arg6: memref<160x125xi32, #tpu.memory_space<vmem>>, %arg7: memref<160x125xi32, #tpu.memory_space<vmem>>, %arg8: memref<4x125x32xf32, #tpu.memory_space<vmem>>, %arg9: memref<128x32xf32, #tpu.memory_space<vmem>>, %arg10: memref<10240x32xf32, #tpu.memory_space<vmem_shared>>, %arg11: memref<10240x32xf32, #tpu.memory_space<vmem_shared>>, %arg12: memref<!tpu.dma_semaphore, #tpu.memory_space<semaphore_mem>>, %arg13: memref<!tpu.dma_semaphore, #tpu.memory_space<semaphore_mem>>, %arg14: memref<!tpu.dma_semaphore, #tpu.memory_space<semaphore_mem>>, %arg15: memref<!tpu.dma_semaphore, #tpu.memory_space<semaphore_mem>>, %arg16: memref<!tpu.dma_semaphore, #tpu.memory_space<semaphore_mem>>, %arg17: memref<!tpu.dma_semaphore, #tpu.memory_space<semaphore_mem>>, %arg18: memref<!tpu.dma_semaphore, #tpu.memory_space<semaphore_mem>>, %arg19: memref<!tpu.dma_semaphore, #tpu.memory_space<semaphore_mem>>) attributes {dimension_semantics = [#tpu.dimension_semantics<core_parallel>, #tpu.dimension_semantics<subcore_parallel>], iteration_bounds = array<i64: 2, 16>, scalar_prefetch = 0 : i64, scratch_operands = 14 : i64, tpu.core_type = #tpu.core_type<sc_vector_subcore>, window_params = [{transform_indices = #map}, {transform_indices = #map1}, {transform_indices = #map1}, {transform_indices = #map}]} {
    %broadcast_in_dim3A = arith.constant 0.000000e+00 : f32
    %broadcast_in_dim3A_0 = vector.broadcast %broadcast_in_dim3A : f32 to vector<16xf32>
    %scan3A = arith.constant 0 : i32
    %scan3A_1 = arith.constant 0 : i32
    %scan3A_2 = arith.constant 128 : i32
    %scan3A_3 = arith.addi %scan3A_1, %scan3A_2 : i32
    %scan3A_4 = arith.constant 1 : i32
    scf.for %scan3A_137 = %scan3A_1 to %scan3A_3 step %scan3A_4  : i32 {
      %swap3A = arith.index_cast %scan3A_137 : i32 to index
      %swap3A_138 = arith.constant 0 : index
      %swap3A_139 = tpu.vector_load %arg9[%swap3A, %swap3A_138] {strides = array<i32>} : memref<128x32xf32, #tpu.memory_space<vmem>>, vector<1x16xf32>,
      %swap3A_140 = vector.shape_cast %swap3A_139 : vector<1x16xf32> to vector<16xf32>
      %swap3A_141 = vector.shape_cast %broadcast_in_dim3A_0 : vector<16xf32> to vector<1x16xf32>
      tpu.vector_store %arg9[%swap3A, %swap3A_138], %swap3A_141 {strides = array<i32>} : memref<128x32xf32, #tpu.memory_space<vmem>>, vector<1x16xf32>,
      %swap3A_142 = arith.index_cast %scan3A_137 : i32 to index
      %swap3A_143 = arith.constant 16 : index
      %swap3A_144 = tpu.vector_load %arg9[%swap3A_142, %swap3A_143] {strides = array<i32>} : memref<128x32xf32, #tpu.memory_space<vmem>>, vector<1x16xf32>,
      %swap3A_145 = vector.shape_cast %swap3A_144 : vector<1x16xf32> to vector<16xf32>
      %swap3A_146 = vector.shape_cast %broadcast_in_dim3A_0 : vector<16xf32> to vector<1x16xf32>
      tpu.vector_store %arg9[%swap3A_142, %swap3A_143], %swap3A_146 {strides = array<i32>} : memref<128x32xf32, #tpu.memory_space<vmem>>, vector<1x16xf32>,
    }
    %scan3A_5 = arith.constant 128 : i32
    %mul3A = arith.constant 160 : i32
    %mul3A_6 = arith.muli %arg1, %mul3A : i32
    "tpu.region"() ({
      %run_scoped3A = tpu.sem_alloc : memref<!tpu.dma_semaphore, #tpu.memory_space<semaphore_mem>>
      %dma_start3A_137 = arith.constant 0 : i32
      %dma_start3A_138 = tpu.memref_slice %arg3[%mul3A_6, %dma_start3A_137] : memref<2560x125xi32, #tpu.memory_space<hbm>> -> memref<160x125xi32, #tpu.memory_space<hbm>>
      %dma_start3A_139 = arith.constant 0 : i32
      %dma_start3A_140 = tpu.memref_slice %arg3[%mul3A_6, %dma_start3A_139] : memref<2560x125xi32, #tpu.memory_space<hbm>> -> memref<160x125xi32, #tpu.memory_space<hbm>>
      tpu.enqueue_dma source(%dma_start3A_140 : memref<160x125xi32, #tpu.memory_space<hbm>>) target(%arg6 : memref<160x125xi32, #tpu.memory_space<vmem>>) target_semaphore(%run_scoped3A : memref<!tpu.dma_semaphore, #tpu.memory_space<semaphore_mem>>)
      %dma_wait3A_141 = arith.constant 0 : i32
      %dma_wait3A_142 = tpu.memref_slice %arg3[%mul3A_6, %dma_wait3A_141] : memref<2560x125xi32, #tpu.memory_space<hbm>> -> memref<160x125xi32, #tpu.memory_space<hbm>>
      %dma_wait3A_143 = arith.constant 0 : i32
      %dma_wait3A_144 = tpu.memref_slice %arg3[%mul3A_6, %dma_wait3A_143] : memref<2560x125xi32, #tpu.memory_space<hbm>> -> memref<160x125xi32, #tpu.memory_space<hbm>>
      tpu.wait_dma2 semaphore(%run_scoped3A : memref<!tpu.dma_semaphore, #tpu.memory_space<semaphore_mem>>) src(%dma_wait3A_144 : memref<160x125xi32, #tpu.memory_space<hbm>>) dst(%arg6 : memref<160x125xi32, #tpu.memory_space<vmem>>)
      tpu.yield
    }) : () -> ()
    %mul3A_7 = arith.constant 160 : i32
    %mul3A_8 = arith.muli %arg1, %mul3A_7 : i32
    "tpu.region"() ({
      %run_scoped3A = tpu.sem_alloc : memref<!tpu.dma_semaphore, #tpu.memory_space<semaphore_mem>>
      %dma_start3A_137 = arith.constant 0 : i32
      %dma_start3A_138 = tpu.memref_slice %arg4[%mul3A_8, %dma_start3A_137] : memref<2560x125xi32, #tpu.memory_space<hbm>> -> memref<160x125xi32, #tpu.memory_space<hbm>>
      %dma_start3A_139 = arith.constant 0 : i32
      %dma_start3A_140 = tpu.memref_slice %arg4[%mul3A_8, %dma_start3A_139] : memref<2560x125xi32, #tpu.memory_space<hbm>> -> memref<160x125xi32, #tpu.memory_space<hbm>>
      tpu.enqueue_dma source(%dma_start3A_140 : memref<160x125xi32, #tpu.memory_space<hbm>>) target(%arg7 : memref<160x125xi32, #tpu.memory_space<vmem>>) target_semaphore(%run_scoped3A : memref<!tpu.dma_semaphore, #tpu.memory_space<semaphore_mem>>)
      %dma_wait3A_141 = arith.constant 0 : i32
      %dma_wait3A_142 = tpu.memref_slice %arg4[%mul3A_8, %dma_wait3A_141] : memref<2560x125xi32, #tpu.memory_space<hbm>> -> memref<160x125xi32, #tpu.memory_space<hbm>>
      %dma_wait3A_143 = arith.constant 0 : i32
      %dma_wait3A_144 = tpu.memref_slice %arg4[%mul3A_8, %dma_wait3A_143] : memref<2560x125xi32, #tpu.memory_space<hbm>> -> memref<160x125xi32, #tpu.memory_space<hbm>>
      tpu.wait_dma2 semaphore(%run_scoped3A : memref<!tpu.dma_semaphore, #tpu.memory_space<semaphore_mem>>) src(%dma_wait3A_144 : memref<160x125xi32, #tpu.memory_space<hbm>>) dst(%arg7 : memref<160x125xi32, #tpu.memory_space<vmem>>)
      tpu.yield
    }) : () -> ()
    %mul3A_9 = arith.constant 640 : i32
    %mul3A_10 = arith.muli %arg1, %mul3A_9 : i32
    %mul3A_11 = arith.constant 640 : i32
    %mul3A_12 = arith.muli %arg1, %mul3A_11 : i32
    "tpu.region"() ({
      %run_scoped3A = tpu.sem_alloc : memref<!tpu.dma_semaphore, #tpu.memory_space<semaphore_mem>>
      %dma_start3A_137 = arith.constant 0 : i32
      %dma_start3A_138 = tpu.memref_slice %arg10[%mul3A_12, %dma_start3A_137] : memref<10240x32xf32, #tpu.memory_space<vmem_shared>> -> memref<640x32xf32, #tpu.memory_space<vmem_shared>>
      %dma_start3A_139 = arith.constant 0 : i32
      %dma_start3A_140 = tpu.memref_slice %arg2[%arg0, %mul3A_10, %dma_start3A_139] : memref<2x10240x32xf32, #tpu.memory_space<hbm>> -> memref<1x640x32xf32, #tpu.memory_space<hbm>>
      %dma_start3A_141 = tpu.memref_squeeze %dma_start3A_140 : memref<1x640x32xf32, #tpu.memory_space<hbm>> -> memref<640x32xf32, #tpu.memory_space<hbm>>
      tpu.enqueue_dma source(%dma_start3A_141 : memref<640x32xf32, #tpu.memory_space<hbm>>) target(%dma_start3A_138 : memref<640x32xf32, #tpu.memory_space<vmem_shared>>) target_semaphore(%run_scoped3A : memref<!tpu.dma_semaphore, #tpu.memory_space<semaphore_mem>>)
      %dma_wait3A_142 = arith.constant 0 : i32
      %dma_wait3A_143 = tpu.memref_slice %arg10[%mul3A_12, %dma_wait3A_142] : memref<10240x32xf32, #tpu.memory_space<vmem_shared>> -> memref<640x32xf32, #tpu.memory_space<vmem_shared>>
      %dma_wait3A_144 = arith.constant 0 : i32
      %dma_wait3A_145 = tpu.memref_slice %arg2[%arg0, %mul3A_10, %dma_wait3A_144] : memref<2x10240x32xf32, #tpu.memory_space<hbm>> -> memref<1x640x32xf32, #tpu.memory_space<hbm>>
      %dma_wait3A_146 = tpu.memref_squeeze %dma_wait3A_145 : memref<1x640x32xf32, #tpu.memory_space<hbm>> -> memref<640x32xf32, #tpu.memory_space<hbm>>
      tpu.wait_dma2 semaphore(%run_scoped3A : memref<!tpu.dma_semaphore, #tpu.memory_space<semaphore_mem>>) src(%dma_wait3A_146 : memref<640x32xf32, #tpu.memory_space<hbm>>) dst(%dma_wait3A_143 : memref<640x32xf32, #tpu.memory_space<vmem_shared>>)
      tpu.yield
    }) : () -> ()
    %mul3A_13 = arith.constant 640 : i32
    %mul3A_14 = arith.muli %arg1, %mul3A_13 : i32
    %add3A = arith.constant 0 : i32
    %add3A_15 = arith.addi %mul3A_14, %add3A : i32
    "tpu.region"() ({
      %run_scoped3A = tpu.sem_alloc : memref<!tpu.dma_semaphore, #tpu.memory_space<semaphore_mem>>
      %dma_start3A_137 = arith.constant 0 : i32
      %dma_start3A_138 = tpu.memref_slice %arg11[%add3A_15, %dma_start3A_137] : memref<10240x32xf32, #tpu.memory_space<vmem_shared>> -> memref<128x32xf32, #tpu.memory_space<vmem_shared>>
      %dma_start3A_139 = arith.constant 0 : i32
      %dma_start3A_140 = tpu.memref_slice %arg11[%add3A_15, %dma_start3A_139] : memref<10240x32xf32, #tpu.memory_space<vmem_shared>> -> memref<128x32xf32, #tpu.memory_space<vmem_shared>>
      tpu.enqueue_dma source(%arg9 : memref<128x32xf32, #tpu.memory_space<vmem>>) target(%dma_start3A_140 : memref<128x32xf32, #tpu.memory_space<vmem_shared>>) target_semaphore(%run_scoped3A : memref<!tpu.dma_semaphore, #tpu.memory_space<semaphore_mem>>)
      %dma_wait3A_141 = arith.constant 0 : i32
      %dma_wait3A_142 = tpu.memref_slice %arg11[%add3A_15, %dma_wait3A_141] : memref<10240x32xf32, #tpu.memory_space<vmem_shared>> -> memref<128x32xf32, #tpu.memory_space<vmem_shared>>
      %dma_wait3A_143 = arith.constant 0 : i32
      %dma_wait3A_144 = tpu.memref_slice %arg11[%add3A_15, %dma_wait3A_143] : memref<10240x32xf32, #tpu.memory_space<vmem_shared>> -> memref<128x32xf32, #tpu.memory_space<vmem_shared>>
      tpu.wait_dma2 semaphore(%run_scoped3A : memref<!tpu.dma_semaphore, #tpu.memory_space<semaphore_mem>>) src(%arg9 : memref<128x32xf32, #tpu.memory_space<vmem>>) dst(%dma_wait3A_144 : memref<128x32xf32, #tpu.memory_space<vmem_shared>>)
      tpu.yield
    }) : () -> ()
    %mul3A_16 = arith.constant 640 : i32
    %mul3A_17 = arith.muli %arg1, %mul3A_16 : i32
    %add3A_18 = arith.constant 128 : i32
    %add3A_19 = arith.addi %mul3A_17, %add3A_18 : i32
    "tpu.region"() ({
      %run_scoped3A = tpu.sem_alloc : memref<!tpu.dma_semaphore, #tpu.memory_space<semaphore_mem>>
      %dma_start3A_137 = arith.constant 0 : i32
      %dma_start3A_138 = tpu.memref_slice %arg11[%add3A_19, %dma_start3A_137] : memref<10240x32xf32, #tpu.memory_space<vmem_shared>> -> memref<128x32xf32, #tpu.memory_space<vmem_shared>>
      %dma_start3A_139 = arith.constant 0 : i32
      %dma_start3A_140 = tpu.memref_slice %arg11[%add3A_19, %dma_start3A_139] : memref<10240x32xf32, #tpu.memory_space<vmem_shared>> -> memref<128x32xf32, #tpu.memory_space<vmem_shared>>
      tpu.enqueue_dma source(%arg9 : memref<128x32xf32, #tpu.memory_space<vmem>>) target(%dma_start3A_140 : memref<128x32xf32, #tpu.memory_space<vmem_shared>>) target_semaphore(%run_scoped3A : memref<!tpu.dma_semaphore, #tpu.memory_space<semaphore_mem>>)
      %dma_wait3A_141 = arith.constant 0 : i32
      %dma_wait3A_142 = tpu.memref_slice %arg11[%add3A_19, %dma_wait3A_141] : memref<10240x32xf32, #tpu.memory_space<vmem_shared>> -> memref<128x32xf32, #tpu.memory_space<vmem_shared>>
      %dma_wait3A_143 = arith.constant 0 : i32
      %dma_wait3A_144 = tpu.memref_slice %arg11[%add3A_19, %dma_wait3A_143] : memref<10240x32xf32, #tpu.memory_space<vmem_shared>> -> memref<128x32xf32, #tpu.memory_space<vmem_shared>>
      tpu.wait_dma2 semaphore(%run_scoped3A : memref<!tpu.dma_semaphore, #tpu.memory_space<semaphore_mem>>) src(%arg9 : memref<128x32xf32, #tpu.memory_space<vmem>>) dst(%dma_wait3A_144 : memref<128x32xf32, #tpu.memory_space<vmem_shared>>)
      tpu.yield
    }) : () -> ()
    %mul3A_20 = arith.constant 640 : i32
    %mul3A_21 = arith.muli %arg1, %mul3A_20 : i32
    %add3A_22 = arith.constant 256 : i32
    %add3A_23 = arith.addi %mul3A_21, %add3A_22 : i32
    "tpu.region"() ({
      %run_scoped3A = tpu.sem_alloc : memref<!tpu.dma_semaphore, #tpu.memory_space<semaphore_mem>>
      %dma_start3A_137 = arith.constant 0 : i32
      %dma_start3A_138 = tpu.memref_slice %arg11[%add3A_23, %dma_start3A_137] : memref<10240x32xf32, #tpu.memory_space<vmem_shared>> -> memref<128x32xf32, #tpu.memory_space<vmem_shared>>
      %dma_start3A_139 = arith.constant 0 : i32
      %dma_start3A_140 = tpu.memref_slice %arg11[%add3A_23, %dma_start3A_139] : memref<10240x32xf32, #tpu.memory_space<vmem_shared>> -> memref<128x32xf32, #tpu.memory_space<vmem_shared>>
      tpu.enqueue_dma source(%arg9 : memref<128x32xf32, #tpu.memory_space<vmem>>) target(%dma_start3A_140 : memref<128x32xf32, #tpu.memory_space<vmem_shared>>) target_semaphore(%run_scoped3A : memref<!tpu.dma_semaphore, #tpu.memory_space<semaphore_mem>>)
      %dma_wait3A_141 = arith.constant 0 : i32
      %dma_wait3A_142 = tpu.memref_slice %arg11[%add3A_23, %dma_wait3A_141] : memref<10240x32xf32, #tpu.memory_space<vmem_shared>> -> memref<128x32xf32, #tpu.memory_space<vmem_shared>>
      %dma_wait3A_143 = arith.constant 0 : i32
      %dma_wait3A_144 = tpu.memref_slice %arg11[%add3A_23, %dma_wait3A_143] : memref<10240x32xf32, #tpu.memory_space<vmem_shared>> -> memref<128x32xf32, #tpu.memory_space<vmem_shared>>
      tpu.wait_dma2 semaphore(%run_scoped3A : memref<!tpu.dma_semaphore, #tpu.memory_space<semaphore_mem>>) src(%arg9 : memref<128x32xf32, #tpu.memory_space<vmem>>) dst(%dma_wait3A_144 : memref<128x32xf32, #tpu.memory_space<vmem_shared>>)
      tpu.yield
    }) : () -> ()
    %mul3A_24 = arith.constant 640 : i32
    %mul3A_25 = arith.muli %arg1, %mul3A_24 : i32
    %add3A_26 = arith.constant 384 : i32
    %add3A_27 = arith.addi %mul3A_25, %add3A_26 : i32
    "tpu.region"() ({
      %run_scoped3A = tpu.sem_alloc : memref<!tpu.dma_semaphore, #tpu.memory_space<semaphore_mem>>
      %dma_start3A_137 = arith.constant 0 : i32
      %dma_start3A_138 = tpu.memref_slice %arg11[%add3A_27, %dma_start3A_137] : memref<10240x32xf32, #tpu.memory_space<vmem_shared>> -> memref<128x32xf32, #tpu.memory_space<vmem_shared>>
      %dma_start3A_139 = arith.constant 0 : i32
      %dma_start3A_140 = tpu.memref_slice %arg11[%add3A_27, %dma_start3A_139] : memref<10240x32xf32, #tpu.memory_space<vmem_shared>> -> memref<128x32xf32, #tpu.memory_space<vmem_shared>>
      tpu.enqueue_dma source(%arg9 : memref<128x32xf32, #tpu.memory_space<vmem>>) target(%dma_start3A_140 : memref<128x32xf32, #tpu.memory_space<vmem_shared>>) target_semaphore(%run_scoped3A : memref<!tpu.dma_semaphore, #tpu.memory_space<semaphore_mem>>)
      %dma_wait3A_141 = arith.constant 0 : i32
      %dma_wait3A_142 = tpu.memref_slice %arg11[%add3A_27, %dma_wait3A_141] : memref<10240x32xf32, #tpu.memory_space<vmem_shared>> -> memref<128x32xf32, #tpu.memory_space<vmem_shared>>
      %dma_wait3A_143 = arith.constant 0 : i32
      %dma_wait3A_144 = tpu.memref_slice %arg11[%add3A_27, %dma_wait3A_143] : memref<10240x32xf32, #tpu.memory_space<vmem_shared>> -> memref<128x32xf32, #tpu.memory_space<vmem_shared>>
      tpu.wait_dma2 semaphore(%run_scoped3A : memref<!tpu.dma_semaphore, #tpu.memory_space<semaphore_mem>>) src(%arg9 : memref<128x32xf32, #tpu.memory_space<vmem>>) dst(%dma_wait3A_144 : memref<128x32xf32, #tpu.memory_space<vmem_shared>>)
      tpu.yield
    }) : () -> ()
    %mul3A_28 = arith.constant 640 : i32
    %mul3A_29 = arith.muli %arg1, %mul3A_28 : i32
    %add3A_30 = arith.constant 512 : i32
    %add3A_31 = arith.addi %mul3A_29, %add3A_30 : i32
    "tpu.region"() ({
      %run_scoped3A = tpu.sem_alloc : memref<!tpu.dma_semaphore, #tpu.memory_space<semaphore_mem>>
      %dma_start3A_137 = arith.constant 0 : i32
      %dma_start3A_138 = tpu.memref_slice %arg11[%add3A_31, %dma_start3A_137] : memref<10240x32xf32, #tpu.memory_space<vmem_shared>> -> memref<128x32xf32, #tpu.memory_space<vmem_shared>>
      %dma_start3A_139 = arith.constant 0 : i32
      %dma_start3A_140 = tpu.memref_slice %arg11[%add3A_31, %dma_start3A_139] : memref<10240x32xf32, #tpu.memory_space<vmem_shared>> -> memref<128x32xf32, #tpu.memory_space<vmem_shared>>
      tpu.enqueue_dma source(%arg9 : memref<128x32xf32, #tpu.memory_space<vmem>>) target(%dma_start3A_140 : memref<128x32xf32, #tpu.memory_space<vmem_shared>>) target_semaphore(%run_scoped3A : memref<!tpu.dma_semaphore, #tpu.memory_space<semaphore_mem>>)
      %dma_wait3A_141 = arith.constant 0 : i32
      %dma_wait3A_142 = tpu.memref_slice %arg11[%add3A_31, %dma_wait3A_141] : memref<10240x32xf32, #tpu.memory_space<vmem_shared>> -> memref<128x32xf32, #tpu.memory_space<vmem_shared>>
      %dma_wait3A_143 = arith.constant 0 : i32
      %dma_wait3A_144 = tpu.memref_slice %arg11[%add3A_31, %dma_wait3A_143] : memref<10240x32xf32, #tpu.memory_space<vmem_shared>> -> memref<128x32xf32, #tpu.memory_space<vmem_shared>>
      tpu.wait_dma2 semaphore(%run_scoped3A : memref<!tpu.dma_semaphore, #tpu.memory_space<semaphore_mem>>) src(%arg9 : memref<128x32xf32, #tpu.memory_space<vmem>>) dst(%dma_wait3A_144 : memref<128x32xf32, #tpu.memory_space<vmem_shared>>)
      tpu.yield
    }) : () -> ()
    %barrier3A = arith.constant 0 : index
    tpu.barrier barrier_id(%barrier3A)
    %dma_start3A = arith.constant 0 : i32
    %dma_start3A_32 = arith.constant 0 : i32
    %dma_start3A_33 = arith.constant 0 : i32
    %dma_start3A_34 = arith.constant 0 : i32
    %dma_start3A_35 = tpu.memref_slice %arg8[%dma_start3A_32, %dma_start3A_33, %dma_start3A_34] : memref<4x125x32xf32, #tpu.memory_space<vmem>> -> memref<1x125x32xf32, #tpu.memory_space<vmem>>
    %dma_start3A_36 = tpu.memref_squeeze %dma_start3A_35 : memref<1x125x32xf32, #tpu.memory_space<vmem>> -> memref<125x32xf32, #tpu.memory_space<vmem>>
    %dma_start3A_37 = arith.constant 0 : i32
    %dma_start3A_38 = tpu.memref_slice %arg6[%dma_start3A, %dma_start3A_37] : memref<160x125xi32, #tpu.memory_space<vmem>> -> memref<1x125xi32, #tpu.memory_space<vmem>>
    %dma_start3A_39 = tpu.memref_squeeze %dma_start3A_38 : memref<1x125xi32, #tpu.memory_space<vmem>> -> memref<125xi32, #tpu.memory_space<vmem>>
    %dma_start3A_40 = arith.constant 0 : i32
    %dma_start3A_41 = arith.constant 0 : i32
    %dma_start3A_42 = tpu.memref_slice %arg10[%dma_start3A_40, %dma_start3A_41] : memref<10240x32xf32, #tpu.memory_space<vmem_shared>> -> memref<10240x32xf32, #tpu.memory_space<vmem_shared>>
    tpu.enqueue_indirect_dma source(%dma_start3A_42 : memref<10240x32xf32, #tpu.memory_space<vmem_shared>>) target(%dma_start3A_36 : memref<125x32xf32, #tpu.memory_space<vmem>>) offsets(%dma_start3A_39 : memref<125xi32, #tpu.memory_space<vmem>>) semaphore(%arg12 : memref<!tpu.dma_semaphore, #tpu.memory_space<semaphore_mem>>)
    %dma_start3A_43 = arith.constant 1 : i32
    %dma_start3A_44 = arith.constant 1 : i32
    %dma_start3A_45 = arith.constant 0 : i32
    %dma_start3A_46 = arith.constant 0 : i32
    %dma_start3A_47 = tpu.memref_slice %arg8[%dma_start3A_44, %dma_start3A_45, %dma_start3A_46] : memref<4x125x32xf32, #tpu.memory_space<vmem>> -> memref<1x125x32xf32, #tpu.memory_space<vmem>>
    %dma_start3A_48 = tpu.memref_squeeze %dma_start3A_47 : memref<1x125x32xf32, #tpu.memory_space<vmem>> -> memref<125x32xf32, #tpu.memory_space<vmem>>
    %dma_start3A_49 = arith.constant 0 : i32
    %dma_start3A_50 = tpu.memref_slice %arg6[%dma_start3A_43, %dma_start3A_49] : memref<160x125xi32, #tpu.memory_space<vmem>> -> memref<1x125xi32, #tpu.memory_space<vmem>>
    %dma_start3A_51 = tpu.memref_squeeze %dma_start3A_50 : memref<1x125xi32, #tpu.memory_space<vmem>> -> memref<125xi32, #tpu.memory_space<vmem>>
    %dma_start3A_52 = arith.constant 0 : i32
    %dma_start3A_53 = arith.constant 0 : i32
    %dma_start3A_54 = tpu.memref_slice %arg10[%dma_start3A_52, %dma_start3A_53] : memref<10240x32xf32, #tpu.memory_space<vmem_shared>> -> memref<10240x32xf32, #tpu.memory_space<vmem_shared>>
    tpu.enqueue_indirect_dma source(%dma_start3A_54 : memref<10240x32xf32, #tpu.memory_space<vmem_shared>>) target(%dma_start3A_48 : memref<125x32xf32, #tpu.memory_space<vmem>>) offsets(%dma_start3A_51 : memref<125xi32, #tpu.memory_space<vmem>>) semaphore(%arg13 : memref<!tpu.dma_semaphore, #tpu.memory_space<semaphore_mem>>)
    %dma_start3A_55 = arith.constant 2 : i32
    %dma_start3A_56 = arith.constant 2 : i32
    %dma_start3A_57 = arith.constant 0 : i32
    %dma_start3A_58 = arith.constant 0 : i32
    %dma_start3A_59 = tpu.memref_slice %arg8[%dma_start3A_56, %dma_start3A_57, %dma_start3A_58] : memref<4x125x32xf32, #tpu.memory_space<vmem>> -> memref<1x125x32xf32, #tpu.memory_space<vmem>>
    %dma_start3A_60 = tpu.memref_squeeze %dma_start3A_59 : memref<1x125x32xf32, #tpu.memory_space<vmem>> -> memref<125x32xf32, #tpu.memory_space<vmem>>
    %dma_start3A_61 = arith.constant 0 : i32
    %dma_start3A_62 = tpu.memref_slice %arg6[%dma_start3A_55, %dma_start3A_61] : memref<160x125xi32, #tpu.memory_space<vmem>> -> memref<1x125xi32, #tpu.memory_space<vmem>>
    %dma_start3A_63 = tpu.memref_squeeze %dma_start3A_62 : memref<1x125xi32, #tpu.memory_space<vmem>> -> memref<125xi32, #tpu.memory_space<vmem>>
    %dma_start3A_64 = arith.constant 0 : i32
    %dma_start3A_65 = arith.constant 0 : i32
    %dma_start3A_66 = tpu.memref_slice %arg10[%dma_start3A_64, %dma_start3A_65] : memref<10240x32xf32, #tpu.memory_space<vmem_shared>> -> memref<10240x32xf32, #tpu.memory_space<vmem_shared>>
    tpu.enqueue_indirect_dma source(%dma_start3A_66 : memref<10240x32xf32, #tpu.memory_space<vmem_shared>>) target(%dma_start3A_60 : memref<125x32xf32, #tpu.memory_space<vmem>>) offsets(%dma_start3A_63 : memref<125xi32, #tpu.memory_space<vmem>>) semaphore(%arg14 : memref<!tpu.dma_semaphore, #tpu.memory_space<semaphore_mem>>)
    %dma_start3A_67 = arith.constant 3 : i32
    %dma_start3A_68 = arith.constant 3 : i32
    %dma_start3A_69 = arith.constant 0 : i32
    %dma_start3A_70 = arith.constant 0 : i32
    %dma_start3A_71 = tpu.memref_slice %arg8[%dma_start3A_68, %dma_start3A_69, %dma_start3A_70] : memref<4x125x32xf32, #tpu.memory_space<vmem>> -> memref<1x125x32xf32, #tpu.memory_space<vmem>>
    %dma_start3A_72 = tpu.memref_squeeze %dma_start3A_71 : memref<1x125x32xf32, #tpu.memory_space<vmem>> -> memref<125x32xf32, #tpu.memory_space<vmem>>
    %dma_start3A_73 = arith.constant 0 : i32
    %dma_start3A_74 = tpu.memref_slice %arg6[%dma_start3A_67, %dma_start3A_73] : memref<160x125xi32, #tpu.memory_space<vmem>> -> memref<1x125xi32, #tpu.memory_space<vmem>>
    %dma_start3A_75 = tpu.memref_squeeze %dma_start3A_74 : memref<1x125xi32, #tpu.memory_space<vmem>> -> memref<125xi32, #tpu.memory_space<vmem>>
    %dma_start3A_76 = arith.constant 0 : i32
    %dma_start3A_77 = arith.constant 0 : i32
    %dma_start3A_78 = tpu.memref_slice %arg10[%dma_start3A_76, %dma_start3A_77] : memref<10240x32xf32, #tpu.memory_space<vmem_shared>> -> memref<10240x32xf32, #tpu.memory_space<vmem_shared>>
    tpu.enqueue_indirect_dma source(%dma_start3A_78 : memref<10240x32xf32, #tpu.memory_space<vmem_shared>>) target(%dma_start3A_72 : memref<125x32xf32, #tpu.memory_space<vmem>>) offsets(%dma_start3A_75 : memref<125xi32, #tpu.memory_space<vmem>>) semaphore(%arg15 : memref<!tpu.dma_semaphore, #tpu.memory_space<semaphore_mem>>)
    %scan3A_79 = arith.constant 0 : i32
    %scan3A_80 = arith.constant 0 : i32
    %scan3A_81 = arith.constant 40 : i32
    %scan3A_82 = arith.addi %scan3A_80, %scan3A_81 : i32
    %scan3A_83 = arith.constant 1 : i32
    scf.for %scan3A_137 = %scan3A_80 to %scan3A_82 step %scan3A_83  : i32 {
      %mul3A_138 = arith.constant 4 : i32
      %mul3A_139 = arith.muli %scan3A_137, %mul3A_138 : i32
      %add3A_140 = arith.constant 0 : i32
      %add3A_141 = arith.addi %mul3A_139, %add3A_140 : i32
      %dma_wait3A_142 = arith.constant 0 : i32
      %dma_wait3A_143 = arith.constant 0 : i32
      %dma_wait3A_144 = arith.constant 0 : i32
      %dma_wait3A_145 = tpu.memref_slice %arg8[%dma_wait3A_142, %dma_wait3A_143, %dma_wait3A_144] : memref<4x125x32xf32, #tpu.memory_space<vmem>> -> memref<1x125x32xf32, #tpu.memory_space<vmem>>
      %dma_wait3A_146 = tpu.memref_squeeze %dma_wait3A_145 : memref<1x125x32xf32, #tpu.memory_space<vmem>> -> memref<125x32xf32, #tpu.memory_space<vmem>>
      %dma_wait3A_147 = arith.constant 0 : i32
      %dma_wait3A_148 = tpu.memref_slice %arg6[%add3A_141, %dma_wait3A_147] : memref<160x125xi32, #tpu.memory_space<vmem>> -> memref<1x125xi32, #tpu.memory_space<vmem>>
      %dma_wait3A_149 = tpu.memref_squeeze %dma_wait3A_148 : memref<1x125xi32, #tpu.memory_space<vmem>> -> memref<125xi32, #tpu.memory_space<vmem>>
      %dma_wait3A_150 = arith.constant 0 : i32
      %dma_wait3A_151 = arith.constant 0 : i32
      %dma_wait3A_152 = tpu.memref_slice %arg10[%dma_wait3A_150, %dma_wait3A_151] : memref<10240x32xf32, #tpu.memory_space<vmem_shared>> -> memref<10240x32xf32, #tpu.memory_space<vmem_shared>>
      tpu.wait_indirect_dma semaphore(%arg12 : memref<!tpu.dma_semaphore, #tpu.memory_space<semaphore_mem>>) src(%dma_wait3A_152 : memref<10240x32xf32, #tpu.memory_space<vmem_shared>>) dst(%dma_wait3A_146 : memref<125x32xf32, #tpu.memory_space<vmem>>)
      %dma_start3A_153 = arith.constant 0 : i32
      %dma_start3A_154 = arith.constant 0 : i32
      %dma_start3A_155 = arith.constant 0 : i32
      %dma_start3A_156 = tpu.memref_slice %arg8[%dma_start3A_153, %dma_start3A_154, %dma_start3A_155] : memref<4x125x32xf32, #tpu.memory_space<vmem>> -> memref<1x125x32xf32, #tpu.memory_space<vmem>>
      %dma_start3A_157 = tpu.memref_squeeze %dma_start3A_156 : memref<1x125x32xf32, #tpu.memory_space<vmem>> -> memref<125x32xf32, #tpu.memory_space<vmem>>
      %dma_start3A_158 = arith.constant 0 : i32
      %dma_start3A_159 = tpu.memref_slice %arg7[%add3A_141, %dma_start3A_158] : memref<160x125xi32, #tpu.memory_space<vmem>> -> memref<1x125xi32, #tpu.memory_space<vmem>>
      %dma_start3A_160 = tpu.memref_squeeze %dma_start3A_159 : memref<1x125xi32, #tpu.memory_space<vmem>> -> memref<125xi32, #tpu.memory_space<vmem>>
      %dma_start3A_161 = arith.constant 0 : i32
      %dma_start3A_162 = arith.constant 0 : i32
      %dma_start3A_163 = tpu.memref_slice %arg11[%dma_start3A_161, %dma_start3A_162] : memref<10240x32xf32, #tpu.memory_space<vmem_shared>> -> memref<10240x32xf32, #tpu.memory_space<vmem_shared>>
      tpu.enqueue_indirect_dma source(%dma_start3A_157 : memref<125x32xf32, #tpu.memory_space<vmem>>) target(%dma_start3A_163 : memref<10240x32xf32, #tpu.memory_space<vmem_shared>>) offsets(%dma_start3A_160 : memref<125xi32, #tpu.memory_space<vmem>>) semaphore(%arg16 : memref<!tpu.dma_semaphore, #tpu.memory_space<semaphore_mem>>) {add = true}
      %add3A_164 = arith.constant 1 : i32
      %add3A_165 = arith.addi %mul3A_139, %add3A_164 : i32
      %dma_wait3A_166 = arith.constant 1 : i32
      %dma_wait3A_167 = arith.constant 0 : i32
      %dma_wait3A_168 = arith.constant 0 : i32
      %dma_wait3A_169 = tpu.memref_slice %arg8[%dma_wait3A_166, %dma_wait3A_167, %dma_wait3A_168] : memref<4x125x32xf32, #tpu.memory_space<vmem>> -> memref<1x125x32xf32, #tpu.memory_space<vmem>>
      %dma_wait3A_170 = tpu.memref_squeeze %dma_wait3A_169 : memref<1x125x32xf32, #tpu.memory_space<vmem>> -> memref<125x32xf32, #tpu.memory_space<vmem>>
      %dma_wait3A_171 = arith.constant 0 : i32
      %dma_wait3A_172 = tpu.memref_slice %arg6[%add3A_165, %dma_wait3A_171] : memref<160x125xi32, #tpu.memory_space<vmem>> -> memref<1x125xi32, #tpu.memory_space<vmem>>
      %dma_wait3A_173 = tpu.memref_squeeze %dma_wait3A_172 : memref<1x125xi32, #tpu.memory_space<vmem>> -> memref<125xi32, #tpu.memory_space<vmem>>
      %dma_wait3A_174 = arith.constant 0 : i32
      %dma_wait3A_175 = arith.constant 0 : i32
      %dma_wait3A_176 = tpu.memref_slice %arg10[%dma_wait3A_174, %dma_wait3A_175] : memref<10240x32xf32, #tpu.memory_space<vmem_shared>> -> memref<10240x32xf32, #tpu.memory_space<vmem_shared>>
      tpu.wait_indirect_dma semaphore(%arg13 : memref<!tpu.dma_semaphore, #tpu.memory_space<semaphore_mem>>) src(%dma_wait3A_176 : memref<10240x32xf32, #tpu.memory_space<vmem_shared>>) dst(%dma_wait3A_170 : memref<125x32xf32, #tpu.memory_space<vmem>>)
      %dma_start3A_177 = arith.constant 1 : i32
      %dma_start3A_178 = arith.constant 0 : i32
      %dma_start3A_179 = arith.constant 0 : i32
      %dma_start3A_180 = tpu.memref_slice %arg8[%dma_start3A_177, %dma_start3A_178, %dma_start3A_179] : memref<4x125x32xf32, #tpu.memory_space<vmem>> -> memref<1x125x32xf32, #tpu.memory_space<vmem>>
      %dma_start3A_181 = tpu.memref_squeeze %dma_start3A_180 : memref<1x125x32xf32, #tpu.memory_space<vmem>> -> memref<125x32xf32, #tpu.memory_space<vmem>>
      %dma_start3A_182 = arith.constant 0 : i32
      %dma_start3A_183 = tpu.memref_slice %arg7[%add3A_165, %dma_start3A_182] : memref<160x125xi32, #tpu.memory_space<vmem>> -> memref<1x125xi32, #tpu.memory_space<vmem>>
      %dma_start3A_184 = tpu.memref_squeeze %dma_start3A_183 : memref<1x125xi32, #tpu.memory_space<vmem>> -> memref<125xi32, #tpu.memory_space<vmem>>
      %dma_start3A_185 = arith.constant 0 : i32
      %dma_start3A_186 = arith.constant 0 : i32
      %dma_start3A_187 = tpu.memref_slice %arg11[%dma_start3A_185, %dma_start3A_186] : memref<10240x32xf32, #tpu.memory_space<vmem_shared>> -> memref<10240x32xf32, #tpu.memory_space<vmem_shared>>
      tpu.enqueue_indirect_dma source(%dma_start3A_181 : memref<125x32xf32, #tpu.memory_space<vmem>>) target(%dma_start3A_187 : memref<10240x32xf32, #tpu.memory_space<vmem_shared>>) offsets(%dma_start3A_184 : memref<125xi32, #tpu.memory_space<vmem>>) semaphore(%arg17 : memref<!tpu.dma_semaphore, #tpu.memory_space<semaphore_mem>>) {add = true}
      %add3A_188 = arith.constant 2 : i32
      %add3A_189 = arith.addi %mul3A_139, %add3A_188 : i32
      %dma_wait3A_190 = arith.constant 2 : i32
      %dma_wait3A_191 = arith.constant 0 : i32
      %dma_wait3A_192 = arith.constant 0 : i32
      %dma_wait3A_193 = tpu.memref_slice %arg8[%dma_wait3A_190, %dma_wait3A_191, %dma_wait3A_192] : memref<4x125x32xf32, #tpu.memory_space<vmem>> -> memref<1x125x32xf32, #tpu.memory_space<vmem>>
      %dma_wait3A_194 = tpu.memref_squeeze %dma_wait3A_193 : memref<1x125x32xf32, #tpu.memory_space<vmem>> -> memref<125x32xf32, #tpu.memory_space<vmem>>
      %dma_wait3A_195 = arith.constant 0 : i32
      %dma_wait3A_196 = tpu.memref_slice %arg6[%add3A_189, %dma_wait3A_195] : memref<160x125xi32, #tpu.memory_space<vmem>> -> memref<1x125xi32, #tpu.memory_space<vmem>>
      %dma_wait3A_197 = tpu.memref_squeeze %dma_wait3A_196 : memref<1x125xi32, #tpu.memory_space<vmem>> -> memref<125xi32, #tpu.memory_space<vmem>>
      %dma_wait3A_198 = arith.constant 0 : i32
      %dma_wait3A_199 = arith.constant 0 : i32
      %dma_wait3A_200 = tpu.memref_slice %arg10[%dma_wait3A_198, %dma_wait3A_199] : memref<10240x32xf32, #tpu.memory_space<vmem_shared>> -> memref<10240x32xf32, #tpu.memory_space<vmem_shared>>
      tpu.wait_indirect_dma semaphore(%arg14 : memref<!tpu.dma_semaphore, #tpu.memory_space<semaphore_mem>>) src(%dma_wait3A_200 : memref<10240x32xf32, #tpu.memory_space<vmem_shared>>) dst(%dma_wait3A_194 : memref<125x32xf32, #tpu.memory_space<vmem>>)
      %dma_start3A_201 = arith.constant 2 : i32
      %dma_start3A_202 = arith.constant 0 : i32
      %dma_start3A_203 = arith.constant 0 : i32
      %dma_start3A_204 = tpu.memref_slice %arg8[%dma_start3A_201, %dma_start3A_202, %dma_start3A_203] : memref<4x125x32xf32, #tpu.memory_space<vmem>> -> memref<1x125x32xf32, #tpu.memory_space<vmem>>
      %dma_start3A_205 = tpu.memref_squeeze %dma_start3A_204 : memref<1x125x32xf32, #tpu.memory_space<vmem>> -> memref<125x32xf32, #tpu.memory_space<vmem>>
      %dma_start3A_206 = arith.constant 0 : i32
      %dma_start3A_207 = tpu.memref_slice %arg7[%add3A_189, %dma_start3A_206] : memref<160x125xi32, #tpu.memory_space<vmem>> -> memref<1x125xi32, #tpu.memory_space<vmem>>
      %dma_start3A_208 = tpu.memref_squeeze %dma_start3A_207 : memref<1x125xi32, #tpu.memory_space<vmem>> -> memref<125xi32, #tpu.memory_space<vmem>>
      %dma_start3A_209 = arith.constant 0 : i32
      %dma_start3A_210 = arith.constant 0 : i32
      %dma_start3A_211 = tpu.memref_slice %arg11[%dma_start3A_209, %dma_start3A_210] : memref<10240x32xf32, #tpu.memory_space<vmem_shared>> -> memref<10240x32xf32, #tpu.memory_space<vmem_shared>>
      tpu.enqueue_indirect_dma source(%dma_start3A_205 : memref<125x32xf32, #tpu.memory_space<vmem>>) target(%dma_start3A_211 : memref<10240x32xf32, #tpu.memory_space<vmem_shared>>) offsets(%dma_start3A_208 : memref<125xi32, #tpu.memory_space<vmem>>) semaphore(%arg18 : memref<!tpu.dma_semaphore, #tpu.memory_space<semaphore_mem>>) {add = true}
      %add3A_212 = arith.constant 3 : i32
      %add3A_213 = arith.addi %mul3A_139, %add3A_212 : i32
      %dma_wait3A_214 = arith.constant 3 : i32
      %dma_wait3A_215 = arith.constant 0 : i32
      %dma_wait3A_216 = arith.constant 0 : i32
      %dma_wait3A_217 = tpu.memref_slice %arg8[%dma_wait3A_214, %dma_wait3A_215, %dma_wait3A_216] : memref<4x125x32xf32, #tpu.memory_space<vmem>> -> memref<1x125x32xf32, #tpu.memory_space<vmem>>
      %dma_wait3A_218 = tpu.memref_squeeze %dma_wait3A_217 : memref<1x125x32xf32, #tpu.memory_space<vmem>> -> memref<125x32xf32, #tpu.memory_space<vmem>>
      %dma_wait3A_219 = arith.constant 0 : i32
      %dma_wait3A_220 = tpu.memref_slice %arg6[%add3A_213, %dma_wait3A_219] : memref<160x125xi32, #tpu.memory_space<vmem>> -> memref<1x125xi32, #tpu.memory_space<vmem>>
      %dma_wait3A_221 = tpu.memref_squeeze %dma_wait3A_220 : memref<1x125xi32, #tpu.memory_space<vmem>> -> memref<125xi32, #tpu.memory_space<vmem>>
      %dma_wait3A_222 = arith.constant 0 : i32
      %dma_wait3A_223 = arith.constant 0 : i32
      %dma_wait3A_224 = tpu.memref_slice %arg10[%dma_wait3A_222, %dma_wait3A_223] : memref<10240x32xf32, #tpu.memory_space<vmem_shared>> -> memref<10240x32xf32, #tpu.memory_space<vmem_shared>>
      tpu.wait_indirect_dma semaphore(%arg15 : memref<!tpu.dma_semaphore, #tpu.memory_space<semaphore_mem>>) src(%dma_wait3A_224 : memref<10240x32xf32, #tpu.memory_space<vmem_shared>>) dst(%dma_wait3A_218 : memref<125x32xf32, #tpu.memory_space<vmem>>)
      %dma_start3A_225 = arith.constant 3 : i32
      %dma_start3A_226 = arith.constant 0 : i32
      %dma_start3A_227 = arith.constant 0 : i32
      %dma_start3A_228 = tpu.memref_slice %arg8[%dma_start3A_225, %dma_start3A_226, %dma_start3A_227] : memref<4x125x32xf32, #tpu.memory_space<vmem>> -> memref<1x125x32xf32, #tpu.memory_space<vmem>>
      %dma_start3A_229 = tpu.memref_squeeze %dma_start3A_228 : memref<1x125x32xf32, #tpu.memory_space<vmem>> -> memref<125x32xf32, #tpu.memory_space<vmem>>
      %dma_start3A_230 = arith.constant 0 : i32
      %dma_start3A_231 = tpu.memref_slice %arg7[%add3A_213, %dma_start3A_230] : memref<160x125xi32, #tpu.memory_space<vmem>> -> memref<1x125xi32, #tpu.memory_space<vmem>>
      %dma_start3A_232 = tpu.memref_squeeze %dma_start3A_231 : memref<1x125xi32, #tpu.memory_space<vmem>> -> memref<125xi32, #tpu.memory_space<vmem>>
      %dma_start3A_233 = arith.constant 0 : i32
      %dma_start3A_234 = arith.constant 0 : i32
      %dma_start3A_235 = tpu.memref_slice %arg11[%dma_start3A_233, %dma_start3A_234] : memref<10240x32xf32, #tpu.memory_space<vmem_shared>> -> memref<10240x32xf32, #tpu.memory_space<vmem_shared>>
      tpu.enqueue_indirect_dma source(%dma_start3A_229 : memref<125x32xf32, #tpu.memory_space<vmem>>) target(%dma_start3A_235 : memref<10240x32xf32, #tpu.memory_space<vmem_shared>>) offsets(%dma_start3A_232 : memref<125xi32, #tpu.memory_space<vmem>>) semaphore(%arg19 : memref<!tpu.dma_semaphore, #tpu.memory_space<semaphore_mem>>) {add = true}
      %lt3A = arith.constant 39 : i32
      %lt3A_236 = arith.cmpi slt, %scan3A_137, %lt3A : i32
      %convert_element_type3A = arith.extui %lt3A_236 : i1 to i32
      %cond3A = arith.constant 0 : i32
      %cond3A_237 = arith.cmpi ne, %convert_element_type3A, %cond3A : i32
      scf.if %cond3A_237 {
        %add3A_238 = arith.constant 0 : i32
        %add3A_239 = arith.addi %mul3A_139, %add3A_238 : i32
        %dma_wait3A_240 = arith.constant 0 : i32
        %dma_wait3A_241 = arith.constant 0 : i32
        %dma_wait3A_242 = arith.constant 0 : i32
        %dma_wait3A_243 = tpu.memref_slice %arg8[%dma_wait3A_240, %dma_wait3A_241, %dma_wait3A_242] : memref<4x125x32xf32, #tpu.memory_space<vmem>> -> memref<1x125x32xf32, #tpu.memory_space<vmem>>
        %dma_wait3A_244 = tpu.memref_squeeze %dma_wait3A_243 : memref<1x125x32xf32, #tpu.memory_space<vmem>> -> memref<125x32xf32, #tpu.memory_space<vmem>>
        %dma_wait3A_245 = arith.constant 0 : i32
        %dma_wait3A_246 = tpu.memref_slice %arg7[%add3A_239, %dma_wait3A_245] : memref<160x125xi32, #tpu.memory_space<vmem>> -> memref<1x125xi32, #tpu.memory_space<vmem>>
        %dma_wait3A_247 = tpu.memref_squeeze %dma_wait3A_246 : memref<1x125xi32, #tpu.memory_space<vmem>> -> memref<125xi32, #tpu.memory_space<vmem>>
        %dma_wait3A_248 = arith.constant 0 : i32
        %dma_wait3A_249 = arith.constant 0 : i32
        %dma_wait3A_250 = tpu.memref_slice %arg11[%dma_wait3A_248, %dma_wait3A_249] : memref<10240x32xf32, #tpu.memory_space<vmem_shared>> -> memref<10240x32xf32, #tpu.memory_space<vmem_shared>>
        tpu.wait_indirect_dma semaphore(%arg16 : memref<!tpu.dma_semaphore, #tpu.memory_space<semaphore_mem>>) src(%dma_wait3A_244 : memref<125x32xf32, #tpu.memory_space<vmem>>) dst(%dma_wait3A_250 : memref<10240x32xf32, #tpu.memory_space<vmem_shared>>)
        %add3A_251 = arith.constant 4 : i32
        %add3A_252 = arith.addi %add3A_239, %add3A_251 : i32
        %dma_start3A_253 = arith.constant 0 : i32
        %dma_start3A_254 = arith.constant 0 : i32
        %dma_start3A_255 = arith.constant 0 : i32
        %dma_start3A_256 = tpu.memref_slice %arg8[%dma_start3A_253, %dma_start3A_254, %dma_start3A_255] : memref<4x125x32xf32, #tpu.memory_space<vmem>> -> memref<1x125x32xf32, #tpu.memory_space<vmem>>
        %dma_start3A_257 = tpu.memref_squeeze %dma_start3A_256 : memref<1x125x32xf32, #tpu.memory_space<vmem>> -> memref<125x32xf32, #tpu.memory_space<vmem>>
        %dma_start3A_258 = arith.constant 0 : i32
        %dma_start3A_259 = tpu.memref_slice %arg6[%add3A_252, %dma_start3A_258] : memref<160x125xi32, #tpu.memory_space<vmem>> -> memref<1x125xi32, #tpu.memory_space<vmem>>
        %dma_start3A_260 = tpu.memref_squeeze %dma_start3A_259 : memref<1x125xi32, #tpu.memory_space<vmem>> -> memref<125xi32, #tpu.memory_space<vmem>>
        %dma_start3A_261 = arith.constant 0 : i32
        %dma_start3A_262 = arith.constant 0 : i32
        %dma_start3A_263 = tpu.memref_slice %arg10[%dma_start3A_261, %dma_start3A_262] : memref<10240x32xf32, #tpu.memory_space<vmem_shared>> -> memref<10240x32xf32, #tpu.memory_space<vmem_shared>>
        tpu.enqueue_indirect_dma source(%dma_start3A_263 : memref<10240x32xf32, #tpu.memory_space<vmem_shared>>) target(%dma_start3A_257 : memref<125x32xf32, #tpu.memory_space<vmem>>) offsets(%dma_start3A_260 : memref<125xi32, #tpu.memory_space<vmem>>) semaphore(%arg12 : memref<!tpu.dma_semaphore, #tpu.memory_space<semaphore_mem>>)
        %add3A_264 = arith.constant 1 : i32
        %add3A_265 = arith.addi %mul3A_139, %add3A_264 : i32
        %dma_wait3A_266 = arith.constant 1 : i32
        %dma_wait3A_267 = arith.constant 0 : i32
        %dma_wait3A_268 = arith.constant 0 : i32
        %dma_wait3A_269 = tpu.memref_slice %arg8[%dma_wait3A_266, %dma_wait3A_267, %dma_wait3A_268] : memref<4x125x32xf32, #tpu.memory_space<vmem>> -> memref<1x125x32xf32, #tpu.memory_space<vmem>>
        %dma_wait3A_270 = tpu.memref_squeeze %dma_wait3A_269 : memref<1x125x32xf32, #tpu.memory_space<vmem>> -> memref<125x32xf32, #tpu.memory_space<vmem>>
        %dma_wait3A_271 = arith.constant 0 : i32
        %dma_wait3A_272 = tpu.memref_slice %arg7[%add3A_265, %dma_wait3A_271] : memref<160x125xi32, #tpu.memory_space<vmem>> -> memref<1x125xi32, #tpu.memory_space<vmem>>
        %dma_wait3A_273 = tpu.memref_squeeze %dma_wait3A_272 : memref<1x125xi32, #tpu.memory_space<vmem>> -> memref<125xi32, #tpu.memory_space<vmem>>
        %dma_wait3A_274 = arith.constant 0 : i32
        %dma_wait3A_275 = arith.constant 0 : i32
        %dma_wait3A_276 = tpu.memref_slice %arg11[%dma_wait3A_274, %dma_wait3A_275] : memref<10240x32xf32, #tpu.memory_space<vmem_shared>> -> memref<10240x32xf32, #tpu.memory_space<vmem_shared>>
        tpu.wait_indirect_dma semaphore(%arg17 : memref<!tpu.dma_semaphore, #tpu.memory_space<semaphore_mem>>) src(%dma_wait3A_270 : memref<125x32xf32, #tpu.memory_space<vmem>>) dst(%dma_wait3A_276 : memref<10240x32xf32, #tpu.memory_space<vmem_shared>>)
        %add3A_277 = arith.constant 4 : i32
        %add3A_278 = arith.addi %add3A_265, %add3A_277 : i32
        %dma_start3A_279 = arith.constant 1 : i32
        %dma_start3A_280 = arith.constant 0 : i32
        %dma_start3A_281 = arith.constant 0 : i32
        %dma_start3A_282 = tpu.memref_slice %arg8[%dma_start3A_279, %dma_start3A_280, %dma_start3A_281] : memref<4x125x32xf32, #tpu.memory_space<vmem>> -> memref<1x125x32xf32, #tpu.memory_space<vmem>>
        %dma_start3A_283 = tpu.memref_squeeze %dma_start3A_282 : memref<1x125x32xf32, #tpu.memory_space<vmem>> -> memref<125x32xf32, #tpu.memory_space<vmem>>
        %dma_start3A_284 = arith.constant 0 : i32
        %dma_start3A_285 = tpu.memref_slice %arg6[%add3A_278, %dma_start3A_284] : memref<160x125xi32, #tpu.memory_space<vmem>> -> memref<1x125xi32, #tpu.memory_space<vmem>>
        %dma_start3A_286 = tpu.memref_squeeze %dma_start3A_285 : memref<1x125xi32, #tpu.memory_space<vmem>> -> memref<125xi32, #tpu.memory_space<vmem>>
        %dma_start3A_287 = arith.constant 0 : i32
        %dma_start3A_288 = arith.constant 0 : i32
        %dma_start3A_289 = tpu.memref_slice %arg10[%dma_start3A_287, %dma_start3A_288] : memref<10240x32xf32, #tpu.memory_space<vmem_shared>> -> memref<10240x32xf32, #tpu.memory_space<vmem_shared>>
        tpu.enqueue_indirect_dma source(%dma_start3A_289 : memref<10240x32xf32, #tpu.memory_space<vmem_shared>>) target(%dma_start3A_283 : memref<125x32xf32, #tpu.memory_space<vmem>>) offsets(%dma_start3A_286 : memref<125xi32, #tpu.memory_space<vmem>>) semaphore(%arg13 : memref<!tpu.dma_semaphore, #tpu.memory_space<semaphore_mem>>)
        %add3A_290 = arith.constant 2 : i32
        %add3A_291 = arith.addi %mul3A_139, %add3A_290 : i32
        %dma_wait3A_292 = arith.constant 2 : i32
        %dma_wait3A_293 = arith.constant 0 : i32
        %dma_wait3A_294 = arith.constant 0 : i32
        %dma_wait3A_295 = tpu.memref_slice %arg8[%dma_wait3A_292, %dma_wait3A_293, %dma_wait3A_294] : memref<4x125x32xf32, #tpu.memory_space<vmem>> -> memref<1x125x32xf32, #tpu.memory_space<vmem>>
        %dma_wait3A_296 = tpu.memref_squeeze %dma_wait3A_295 : memref<1x125x32xf32, #tpu.memory_space<vmem>> -> memref<125x32xf32, #tpu.memory_space<vmem>>
        %dma_wait3A_297 = arith.constant 0 : i32
        %dma_wait3A_298 = tpu.memref_slice %arg7[%add3A_291, %dma_wait3A_297] : memref<160x125xi32, #tpu.memory_space<vmem>> -> memref<1x125xi32, #tpu.memory_space<vmem>>
        %dma_wait3A_299 = tpu.memref_squeeze %dma_wait3A_298 : memref<1x125xi32, #tpu.memory_space<vmem>> -> memref<125xi32, #tpu.memory_space<vmem>>
        %dma_wait3A_300 = arith.constant 0 : i32
        %dma_wait3A_301 = arith.constant 0 : i32
        %dma_wait3A_302 = tpu.memref_slice %arg11[%dma_wait3A_300, %dma_wait3A_301] : memref<10240x32xf32, #tpu.memory_space<vmem_shared>> -> memref<10240x32xf32, #tpu.memory_space<vmem_shared>>
        tpu.wait_indirect_dma semaphore(%arg18 : memref<!tpu.dma_semaphore, #tpu.memory_space<semaphore_mem>>) src(%dma_wait3A_296 : memref<125x32xf32, #tpu.memory_space<vmem>>) dst(%dma_wait3A_302 : memref<10240x32xf32, #tpu.memory_space<vmem_shared>>)
        %add3A_303 = arith.constant 4 : i32
        %add3A_304 = arith.addi %add3A_291, %add3A_303 : i32
        %dma_start3A_305 = arith.constant 2 : i32
        %dma_start3A_306 = arith.constant 0 : i32
        %dma_start3A_307 = arith.constant 0 : i32
        %dma_start3A_308 = tpu.memref_slice %arg8[%dma_start3A_305, %dma_start3A_306, %dma_start3A_307] : memref<4x125x32xf32, #tpu.memory_space<vmem>> -> memref<1x125x32xf32, #tpu.memory_space<vmem>>
        %dma_start3A_309 = tpu.memref_squeeze %dma_start3A_308 : memref<1x125x32xf32, #tpu.memory_space<vmem>> -> memref<125x32xf32, #tpu.memory_space<vmem>>
        %dma_start3A_310 = arith.constant 0 : i32
        %dma_start3A_311 = tpu.memref_slice %arg6[%add3A_304, %dma_start3A_310] : memref<160x125xi32, #tpu.memory_space<vmem>> -> memref<1x125xi32, #tpu.memory_space<vmem>>
        %dma_start3A_312 = tpu.memref_squeeze %dma_start3A_311 : memref<1x125xi32, #tpu.memory_space<vmem>> -> memref<125xi32, #tpu.memory_space<vmem>>
        %dma_start3A_313 = arith.constant 0 : i32
        %dma_start3A_314 = arith.constant 0 : i32
        %dma_start3A_315 = tpu.memref_slice %arg10[%dma_start3A_313, %dma_start3A_314] : memref<10240x32xf32, #tpu.memory_space<vmem_shared>> -> memref<10240x32xf32, #tpu.memory_space<vmem_shared>>
        tpu.enqueue_indirect_dma source(%dma_start3A_315 : memref<10240x32xf32, #tpu.memory_space<vmem_shared>>) target(%dma_start3A_309 : memref<125x32xf32, #tpu.memory_space<vmem>>) offsets(%dma_start3A_312 : memref<125xi32, #tpu.memory_space<vmem>>) semaphore(%arg14 : memref<!tpu.dma_semaphore, #tpu.memory_space<semaphore_mem>>)
        %add3A_316 = arith.constant 3 : i32
        %add3A_317 = arith.addi %mul3A_139, %add3A_316 : i32
        %dma_wait3A_318 = arith.constant 3 : i32
        %dma_wait3A_319 = arith.constant 0 : i32
        %dma_wait3A_320 = arith.constant 0 : i32
        %dma_wait3A_321 = tpu.memref_slice %arg8[%dma_wait3A_318, %dma_wait3A_319, %dma_wait3A_320] : memref<4x125x32xf32, #tpu.memory_space<vmem>> -> memref<1x125x32xf32, #tpu.memory_space<vmem>>
        %dma_wait3A_322 = tpu.memref_squeeze %dma_wait3A_321 : memref<1x125x32xf32, #tpu.memory_space<vmem>> -> memref<125x32xf32, #tpu.memory_space<vmem>>
        %dma_wait3A_323 = arith.constant 0 : i32
        %dma_wait3A_324 = tpu.memref_slice %arg7[%add3A_317, %dma_wait3A_323] : memref<160x125xi32, #tpu.memory_space<vmem>> -> memref<1x125xi32, #tpu.memory_space<vmem>>
        %dma_wait3A_325 = tpu.memref_squeeze %dma_wait3A_324 : memref<1x125xi32, #tpu.memory_space<vmem>> -> memref<125xi32, #tpu.memory_space<vmem>>
        %dma_wait3A_326 = arith.constant 0 : i32
        %dma_wait3A_327 = arith.constant 0 : i32
        %dma_wait3A_328 = tpu.memref_slice %arg11[%dma_wait3A_326, %dma_wait3A_327] : memref<10240x32xf32, #tpu.memory_space<vmem_shared>> -> memref<10240x32xf32, #tpu.memory_space<vmem_shared>>
        tpu.wait_indirect_dma semaphore(%arg19 : memref<!tpu.dma_semaphore, #tpu.memory_space<semaphore_mem>>) src(%dma_wait3A_322 : memref<125x32xf32, #tpu.memory_space<vmem>>) dst(%dma_wait3A_328 : memref<10240x32xf32, #tpu.memory_space<vmem_shared>>)
        %add3A_329 = arith.constant 4 : i32
        %add3A_330 = arith.addi %add3A_317, %add3A_329 : i32
        %dma_start3A_331 = arith.constant 3 : i32
        %dma_start3A_332 = arith.constant 0 : i32
        %dma_start3A_333 = arith.constant 0 : i32
        %dma_start3A_334 = tpu.memref_slice %arg8[%dma_start3A_331, %dma_start3A_332, %dma_start3A_333] : memref<4x125x32xf32, #tpu.memory_space<vmem>> -> memref<1x125x32xf32, #tpu.memory_space<vmem>>
        %dma_start3A_335 = tpu.memref_squeeze %dma_start3A_334 : memref<1x125x32xf32, #tpu.memory_space<vmem>> -> memref<125x32xf32, #tpu.memory_space<vmem>>
        %dma_start3A_336 = arith.constant 0 : i32
        %dma_start3A_337 = tpu.memref_slice %arg6[%add3A_330, %dma_start3A_336] : memref<160x125xi32, #tpu.memory_space<vmem>> -> memref<1x125xi32, #tpu.memory_space<vmem>>
        %dma_start3A_338 = tpu.memref_squeeze %dma_start3A_337 : memref<1x125xi32, #tpu.memory_space<vmem>> -> memref<125xi32, #tpu.memory_space<vmem>>
        %dma_start3A_339 = arith.constant 0 : i32
        %dma_start3A_340 = arith.constant 0 : i32
        %dma_start3A_341 = tpu.memref_slice %arg10[%dma_start3A_339, %dma_start3A_340] : memref<10240x32xf32, #tpu.memory_space<vmem_shared>> -> memref<10240x32xf32, #tpu.memory_space<vmem_shared>>
        tpu.enqueue_indirect_dma source(%dma_start3A_341 : memref<10240x32xf32, #tpu.memory_space<vmem_shared>>) target(%dma_start3A_335 : memref<125x32xf32, #tpu.memory_space<vmem>>) offsets(%dma_start3A_338 : memref<125xi32, #tpu.memory_space<vmem>>) semaphore(%arg15 : memref<!tpu.dma_semaphore, #tpu.memory_space<semaphore_mem>>)
      } else {
      }
    }
    %scan3A_84 = arith.constant 40 : i32
    %dma_wait3A = arith.constant 0 : i32
    %dma_wait3A_85 = arith.constant 156 : i32
    %dma_wait3A_86 = arith.constant 0 : i32
    %dma_wait3A_87 = arith.constant 0 : i32
    %dma_wait3A_88 = tpu.memref_slice %arg8[%dma_wait3A, %dma_wait3A_86, %dma_wait3A_87] : memref<4x125x32xf32, #tpu.memory_space<vmem>> -> memref<1x125x32xf32, #tpu.memory_space<vmem>>
    %dma_wait3A_89 = tpu.memref_squeeze %dma_wait3A_88 : memref<1x125x32xf32, #tpu.memory_space<vmem>> -> memref<125x32xf32, #tpu.memory_space<vmem>>
    %dma_wait3A_90 = arith.constant 0 : i32
    %dma_wait3A_91 = tpu.memref_slice %arg7[%dma_wait3A_85, %dma_wait3A_90] : memref<160x125xi32, #tpu.memory_space<vmem>> -> memref<1x125xi32, #tpu.memory_space<vmem>>
    %dma_wait3A_92 = tpu.memref_squeeze %dma_wait3A_91 : memref<1x125xi32, #tpu.memory_space<vmem>> -> memref<125xi32, #tpu.memory_space<vmem>>
    %dma_wait3A_93 = arith.constant 0 : i32
    %dma_wait3A_94 = arith.constant 0 : i32
    %dma_wait3A_95 = tpu.memref_slice %arg11[%dma_wait3A_93, %dma_wait3A_94] : memref<10240x32xf32, #tpu.memory_space<vmem_shared>> -> memref<10240x32xf32, #tpu.memory_space<vmem_shared>>
    tpu.wait_indirect_dma semaphore(%arg16 : memref<!tpu.dma_semaphore, #tpu.memory_space<semaphore_mem>>) src(%dma_wait3A_89 : memref<125x32xf32, #tpu.memory_space<vmem>>) dst(%dma_wait3A_95 : memref<10240x32xf32, #tpu.memory_space<vmem_shared>>)
    %dma_wait3A_96 = arith.constant 1 : i32
    %dma_wait3A_97 = arith.constant 157 : i32
    %dma_wait3A_98 = arith.constant 0 : i32
    %dma_wait3A_99 = arith.constant 0 : i32
    %dma_wait3A_100 = tpu.memref_slice %arg8[%dma_wait3A_96, %dma_wait3A_98, %dma_wait3A_99] : memref<4x125x32xf32, #tpu.memory_space<vmem>> -> memref<1x125x32xf32, #tpu.memory_space<vmem>>
    %dma_wait3A_101 = tpu.memref_squeeze %dma_wait3A_100 : memref<1x125x32xf32, #tpu.memory_space<vmem>> -> memref<125x32xf32, #tpu.memory_space<vmem>>
    %dma_wait3A_102 = arith.constant 0 : i32
    %dma_wait3A_103 = tpu.memref_slice %arg7[%dma_wait3A_97, %dma_wait3A_102] : memref<160x125xi32, #tpu.memory_space<vmem>> -> memref<1x125xi32, #tpu.memory_space<vmem>>
    %dma_wait3A_104 = tpu.memref_squeeze %dma_wait3A_103 : memref<1x125xi32, #tpu.memory_space<vmem>> -> memref<125xi32, #tpu.memory_space<vmem>>
    %dma_wait3A_105 = arith.constant 0 : i32
    %dma_wait3A_106 = arith.constant 0 : i32
    %dma_wait3A_107 = tpu.memref_slice %arg11[%dma_wait3A_105, %dma_wait3A_106] : memref<10240x32xf32, #tpu.memory_space<vmem_shared>> -> memref<10240x32xf32, #tpu.memory_space<vmem_shared>>
    tpu.wait_indirect_dma semaphore(%arg17 : memref<!tpu.dma_semaphore, #tpu.memory_space<semaphore_mem>>) src(%dma_wait3A_101 : memref<125x32xf32, #tpu.memory_space<vmem>>) dst(%dma_wait3A_107 : memref<10240x32xf32, #tpu.memory_space<vmem_shared>>)
    %dma_wait3A_108 = arith.constant 2 : i32
    %dma_wait3A_109 = arith.constant 158 : i32
    %dma_wait3A_110 = arith.constant 0 : i32
    %dma_wait3A_111 = arith.constant 0 : i32
    %dma_wait3A_112 = tpu.memref_slice %arg8[%dma_wait3A_108, %dma_wait3A_110, %dma_wait3A_111] : memref<4x125x32xf32, #tpu.memory_space<vmem>> -> memref<1x125x32xf32, #tpu.memory_space<vmem>>
    %dma_wait3A_113 = tpu.memref_squeeze %dma_wait3A_112 : memref<1x125x32xf32, #tpu.memory_space<vmem>> -> memref<125x32xf32, #tpu.memory_space<vmem>>
    %dma_wait3A_114 = arith.constant 0 : i32
    %dma_wait3A_115 = tpu.memref_slice %arg7[%dma_wait3A_109, %dma_wait3A_114] : memref<160x125xi32, #tpu.memory_space<vmem>> -> memref<1x125xi32, #tpu.memory_space<vmem>>
    %dma_wait3A_116 = tpu.memref_squeeze %dma_wait3A_115 : memref<1x125xi32, #tpu.memory_space<vmem>> -> memref<125xi32, #tpu.memory_space<vmem>>
    %dma_wait3A_117 = arith.constant 0 : i32
    %dma_wait3A_118 = arith.constant 0 : i32
    %dma_wait3A_119 = tpu.memref_slice %arg11[%dma_wait3A_117, %dma_wait3A_118] : memref<10240x32xf32, #tpu.memory_space<vmem_shared>> -> memref<10240x32xf32, #tpu.memory_space<vmem_shared>>
    tpu.wait_indirect_dma semaphore(%arg18 : memref<!tpu.dma_semaphore, #tpu.memory_space<semaphore_mem>>) src(%dma_wait3A_113 : memref<125x32xf32, #tpu.memory_space<vmem>>) dst(%dma_wait3A_119 : memref<10240x32xf32, #tpu.memory_space<vmem_shared>>)
    %dma_wait3A_120 = arith.constant 3 : i32
    %dma_wait3A_121 = arith.constant 159 : i32
    %dma_wait3A_122 = arith.constant 0 : i32
    %dma_wait3A_123 = arith.constant 0 : i32
    %dma_wait3A_124 = tpu.memref_slice %arg8[%dma_wait3A_120, %dma_wait3A_122, %dma_wait3A_123] : memref<4x125x32xf32, #tpu.memory_space<vmem>> -> memref<1x125x32xf32, #tpu.memory_space<vmem>>
    %dma_wait3A_125 = tpu.memref_squeeze %dma_wait3A_124 : memref<1x125x32xf32, #tpu.memory_space<vmem>> -> memref<125x32xf32, #tpu.memory_space<vmem>>
    %dma_wait3A_126 = arith.constant 0 : i32
    %dma_wait3A_127 = tpu.memref_slice %arg7[%dma_wait3A_121, %dma_wait3A_126] : memref<160x125xi32, #tpu.memory_space<vmem>> -> memref<1x125xi32, #tpu.memory_space<vmem>>
    %dma_wait3A_128 = tpu.memref_squeeze %dma_wait3A_127 : memref<1x125xi32, #tpu.memory_space<vmem>> -> memref<125xi32, #tpu.memory_space<vmem>>
    %dma_wait3A_129 = arith.constant 0 : i32
    %dma_wait3A_130 = arith.constant 0 : i32
    %dma_wait3A_131 = tpu.memref_slice %arg11[%dma_wait3A_129, %dma_wait3A_130] : memref<10240x32xf32, #tpu.memory_space<vmem_shared>> -> memref<10240x32xf32, #tpu.memory_space<vmem_shared>>
    tpu.wait_indirect_dma semaphore(%arg19 : memref<!tpu.dma_semaphore, #tpu.memory_space<semaphore_mem>>) src(%dma_wait3A_125 : memref<125x32xf32, #tpu.memory_space<vmem>>) dst(%dma_wait3A_131 : memref<10240x32xf32, #tpu.memory_space<vmem_shared>>)
    %barrier3A_132 = arith.constant 0 : index
    tpu.barrier barrier_id(%barrier3A_132)
    %mul3A_133 = arith.constant 640 : i32
    %mul3A_134 = arith.muli %arg1, %mul3A_133 : i32
    %mul3A_135 = arith.constant 640 : i32
    %mul3A_136 = arith.muli %arg1, %mul3A_135 : i32
    "tpu.region"() ({
      %run_scoped3A = tpu.sem_alloc : memref<!tpu.dma_semaphore, #tpu.memory_space<semaphore_mem>>
      %dma_start3A_137 = arith.constant 0 : i32
      %dma_start3A_138 = tpu.memref_slice %arg5[%arg0, %mul3A_136, %dma_start3A_137] : memref<2x10240x32xf32, #tpu.memory_space<hbm>> -> memref<1x640x32xf32, #tpu.memory_space<hbm>>
      %dma_start3A_139 = tpu.memref_squeeze %dma_start3A_138 : memref<1x640x32xf32, #tpu.memory_space<hbm>> -> memref<640x32xf32, #tpu.memory_space<hbm>>
      %dma_start3A_140 = arith.constant 0 : i32
      %dma_start3A_141 = tpu.memref_slice %arg11[%mul3A_134, %dma_start3A_140] : memref<10240x32xf32, #tpu.memory_space<vmem_shared>> -> memref<640x32xf32, #tpu.memory_space<vmem_shared>>
      tpu.enqueue_dma source(%dma_start3A_141 : memref<640x32xf32, #tpu.memory_space<vmem_shared>>) target(%dma_start3A_139 : memref<640x32xf32, #tpu.memory_space<hbm>>) target_semaphore(%run_scoped3A : memref<!tpu.dma_semaphore, #tpu.memory_space<semaphore_mem>>)
      %dma_wait3A_142 = arith.constant 0 : i32
      %dma_wait3A_143 = tpu.memref_slice %arg5[%arg0, %mul3A_136, %dma_wait3A_142] : memref<2x10240x32xf32, #tpu.memory_space<hbm>> -> memref<1x640x32xf32, #tpu.memory_space<hbm>>
      %dma_wait3A_144 = tpu.memref_squeeze %dma_wait3A_143 : memref<1x640x32xf32, #tpu.memory_space<hbm>> -> memref<640x32xf32, #tpu.memory_space<hbm>>
      %dma_wait3A_145 = arith.constant 0 : i32
      %dma_wait3A_146 = tpu.memref_slice %arg11[%mul3A_134, %dma_wait3A_145] : memref<10240x32xf32, #tpu.memory_space<vmem_shared>> -> memref<640x32xf32, #tpu.memory_space<vmem_shared>>
      tpu.wait_dma2 semaphore(%run_scoped3A : memref<!tpu.dma_semaphore, #tpu.memory_space<semaphore_mem>>) src(%dma_wait3A_146 : memref<640x32xf32, #tpu.memory_space<vmem_shared>>) dst(%dma_wait3A_144 : memref<640x32xf32, #tpu.memory_space<hbm>>)
      tpu.yield
    }) : () -> ()
    return
  }
}

#map = affine_map<(d0, d1) -> (0, 0, 0)>
#map1 = affine_map<(d0, d1) -> (0, 0)>
module attributes {stable_mosaic.version = 14 : i64} {
  func.func @_hop(%arg0: i32, %arg1: i32, %arg2: memref<2x10240x32xf32, #tpu.memory_space<hbm>>, %arg3: memref<2560x125xi32, #tpu.memory_space<hbm>>, %arg4: memref<2560x125xi32, #tpu.memory_space<hbm>>, %arg5: memref<2x10240x32xf32, #tpu.memory_space<hbm>>, %arg6: memref<160x125xi32, #tpu.memory_space<vmem>>, %arg7: memref<160x125xi32, #tpu.memory_space<vmem>>, %arg8: memref<4x125x32xf32, #tpu.memory_space<vmem>>, %arg9: memref<128x32xf32, #tpu.memory_space<vmem>>, %arg10: memref<10240x32xf32, #tpu.memory_space<vmem_shared>>, %arg11: memref<10240x32xf32, #tpu.memory_space<vmem_shared>>, %arg12: memref<!tpu.dma_semaphore, #tpu.memory_space<semaphore_mem>>, %arg13: memref<!tpu.dma_semaphore, #tpu.memory_space<semaphore_mem>>, %arg14: memref<!tpu.dma_semaphore, #tpu.memory_space<semaphore_mem>>, %arg15: memref<!tpu.dma_semaphore, #tpu.memory_space<semaphore_mem>>, %arg16: memref<!tpu.dma_semaphore, #tpu.memory_space<semaphore_mem>>, %arg17: memref<!tpu.dma_semaphore, #tpu.memory_space<semaphore_mem>>, %arg18: memref<!tpu.dma_semaphore, #tpu.memory_space<semaphore_mem>>, %arg19: memref<!tpu.dma_semaphore, #tpu.memory_space<semaphore_mem>>) attributes {dimension_semantics = [#tpu.dimension_semantics<core_parallel>, #tpu.dimension_semantics<subcore_parallel>], iteration_bounds = array<i64: 2, 16>, scalar_prefetch = 0 : i64, scratch_operands = 14 : i64, tpu.core_type = #tpu.core_type<sc_vector_subcore>, window_params = [{transform_indices = #map}, {transform_indices = #map1}, {transform_indices = #map1}, {transform_indices = #map}]} {
    %broadcast_in_dim3A = arith.constant 0.000000e+00 : f32
    %broadcast_in_dim3A_0 = vector.broadcast %broadcast_in_dim3A : f32 to vector<16xf32>
    %scan3A = arith.constant 0 : i32
    %scan3A_1 = arith.constant 0 : i32
    %scan3A_2 = arith.constant 128 : i32
    %scan3A_3 = arith.addi %scan3A_1, %scan3A_2 : i32
    %scan3A_4 = arith.constant 1 : i32
    scf.for %scan3A_137 = %scan3A_1 to %scan3A_3 step %scan3A_4  : i32 {
      %swap3A = arith.index_cast %scan3A_137 : i32 to index
      %swap3A_138 = arith.constant 0 : index
      %swap3A_139 = tpu.vector_load %arg9[%swap3A, %swap3A_138] {strides = array<i32>} : memref<128x32xf32, #tpu.memory_space<vmem>>, vector<1x16xf32>,
      %swap3A_140 = vector.shape_cast %swap3A_139 : vector<1x16xf32> to vector<16xf32>
      %swap3A_141 = vector.shape_cast %broadcast_in_dim3A_0 : vector<16xf32> to vector<1x16xf32>
      tpu.vector_store %arg9[%swap3A, %swap3A_138], %swap3A_141 {strides = array<i32>} : memref<128x32xf32, #tpu.memory_space<vmem>>, vector<1x16xf32>,
      %swap3A_142 = arith.index_cast %scan3A_137 : i32 to index
      %swap3A_143 = arith.constant 16 : index
      %swap3A_144 = tpu.vector_load %arg9[%swap3A_142, %swap3A_143] {strides = array<i32>} : memref<128x32xf32, #tpu.memory_space<vmem>>, vector<1x16xf32>,
      %swap3A_145 = vector.shape_cast %swap3A_144 : vector<1x16xf32> to vector<16xf32>
      %swap3A_146 = vector.shape_cast %broadcast_in_dim3A_0 : vector<16xf32> to vector<1x16xf32>
      tpu.vector_store %arg9[%swap3A_142, %swap3A_143], %swap3A_146 {strides = array<i32>} : memref<128x32xf32, #tpu.memory_space<vmem>>, vector<1x16xf32>,
    }
    %scan3A_5 = arith.constant 128 : i32
    %mul3A = arith.constant 160 : i32
    %mul3A_6 = arith.muli %arg1, %mul3A : i32
    "tpu.region"() ({
      %run_scoped3A = tpu.sem_alloc : memref<!tpu.dma_semaphore, #tpu.memory_space<semaphore_mem>>
      %dma_start3A_137 = arith.constant 0 : i32
      %dma_start3A_138 = tpu.memref_slice %arg3[%mul3A_6, %dma_start3A_137] : memref<2560x125xi32, #tpu.memory_space<hbm>> -> memref<160x125xi32, #tpu.memory_space<hbm>>
      %dma_start3A_139 = arith.constant 0 : i32
      %dma_start3A_140 = tpu.memref_slice %arg3[%mul3A_6, %dma_start3A_139] : memref<2560x125xi32, #tpu.memory_space<hbm>> -> memref<160x125xi32, #tpu.memory_space<hbm>>
      tpu.enqueue_dma source(%dma_start3A_140 : memref<160x125xi32, #tpu.memory_space<hbm>>) target(%arg6 : memref<160x125xi32, #tpu.memory_space<vmem>>) target_semaphore(%run_scoped3A : memref<!tpu.dma_semaphore, #tpu.memory_space<semaphore_mem>>)
      %dma_wait3A_141 = arith.constant 0 : i32
      %dma_wait3A_142 = tpu.memref_slice %arg3[%mul3A_6, %dma_wait3A_141] : memref<2560x125xi32, #tpu.memory_space<hbm>> -> memref<160x125xi32, #tpu.memory_space<hbm>>
      %dma_wait3A_143 = arith.constant 0 : i32
      %dma_wait3A_144 = tpu.memref_slice %arg3[%mul3A_6, %dma_wait3A_143] : memref<2560x125xi32, #tpu.memory_space<hbm>> -> memref<160x125xi32, #tpu.memory_space<hbm>>
      tpu.wait_dma2 semaphore(%run_scoped3A : memref<!tpu.dma_semaphore, #tpu.memory_space<semaphore_mem>>) src(%dma_wait3A_144 : memref<160x125xi32, #tpu.memory_space<hbm>>) dst(%arg6 : memref<160x125xi32, #tpu.memory_space<vmem>>)
      tpu.yield
    }) : () -> ()
    %mul3A_7 = arith.constant 160 : i32
    %mul3A_8 = arith.muli %arg1, %mul3A_7 : i32
    "tpu.region"() ({
      %run_scoped3A = tpu.sem_alloc : memref<!tpu.dma_semaphore, #tpu.memory_space<semaphore_mem>>
      %dma_start3A_137 = arith.constant 0 : i32
      %dma_start3A_138 = tpu.memref_slice %arg4[%mul3A_8, %dma_start3A_137] : memref<2560x125xi32, #tpu.memory_space<hbm>> -> memref<160x125xi32, #tpu.memory_space<hbm>>
      %dma_start3A_139 = arith.constant 0 : i32
      %dma_start3A_140 = tpu.memref_slice %arg4[%mul3A_8, %dma_start3A_139] : memref<2560x125xi32, #tpu.memory_space<hbm>> -> memref<160x125xi32, #tpu.memory_space<hbm>>
      tpu.enqueue_dma source(%dma_start3A_140 : memref<160x125xi32, #tpu.memory_space<hbm>>) target(%arg7 : memref<160x125xi32, #tpu.memory_space<vmem>>) target_semaphore(%run_scoped3A : memref<!tpu.dma_semaphore, #tpu.memory_space<semaphore_mem>>)
      %dma_wait3A_141 = arith.constant 0 : i32
      %dma_wait3A_142 = tpu.memref_slice %arg4[%mul3A_8, %dma_wait3A_141] : memref<2560x125xi32, #tpu.memory_space<hbm>> -> memref<160x125xi32, #tpu.memory_space<hbm>>
      %dma_wait3A_143 = arith.constant 0 : i32
      %dma_wait3A_144 = tpu.memref_slice %arg4[%mul3A_8, %dma_wait3A_143] : memref<2560x125xi32, #tpu.memory_space<hbm>> -> memref<160x125xi32, #tpu.memory_space<hbm>>
      tpu.wait_dma2 semaphore(%run_scoped3A : memref<!tpu.dma_semaphore, #tpu.memory_space<semaphore_mem>>) src(%dma_wait3A_144 : memref<160x125xi32, #tpu.memory_space<hbm>>) dst(%arg7 : memref<160x125xi32, #tpu.memory_space<vmem>>)
      tpu.yield
    }) : () -> ()
    %mul3A_9 = arith.constant 640 : i32
    %mul3A_10 = arith.muli %arg1, %mul3A_9 : i32
    %mul3A_11 = arith.constant 640 : i32
    %mul3A_12 = arith.muli %arg1, %mul3A_11 : i32
    "tpu.region"() ({
      %run_scoped3A = tpu.sem_alloc : memref<!tpu.dma_semaphore, #tpu.memory_space<semaphore_mem>>
      %dma_start3A_137 = arith.constant 0 : i32
      %dma_start3A_138 = tpu.memref_slice %arg10[%mul3A_12, %dma_start3A_137] : memref<10240x32xf32, #tpu.memory_space<vmem_shared>> -> memref<640x32xf32, #tpu.memory_space<vmem_shared>>
      %dma_start3A_139 = arith.constant 0 : i32
      %dma_start3A_140 = tpu.memref_slice %arg2[%arg0, %mul3A_10, %dma_start3A_139] : memref<2x10240x32xf32, #tpu.memory_space<hbm>> -> memref<1x640x32xf32, #tpu.memory_space<hbm>>
      %dma_start3A_141 = tpu.memref_squeeze %dma_start3A_140 : memref<1x640x32xf32, #tpu.memory_space<hbm>> -> memref<640x32xf32, #tpu.memory_space<hbm>>
      tpu.enqueue_dma source(%dma_start3A_141 : memref<640x32xf32, #tpu.memory_space<hbm>>) target(%dma_start3A_138 : memref<640x32xf32, #tpu.memory_space<vmem_shared>>) target_semaphore(%run_scoped3A : memref<!tpu.dma_semaphore, #tpu.memory_space<semaphore_mem>>)
      %dma_wait3A_142 = arith.constant 0 : i32
      %dma_wait3A_143 = tpu.memref_slice %arg10[%mul3A_12, %dma_wait3A_142] : memref<10240x32xf32, #tpu.memory_space<vmem_shared>> -> memref<640x32xf32, #tpu.memory_space<vmem_shared>>
      %dma_wait3A_144 = arith.constant 0 : i32
      %dma_wait3A_145 = tpu.memref_slice %arg2[%arg0, %mul3A_10, %dma_wait3A_144] : memref<2x10240x32xf32, #tpu.memory_space<hbm>> -> memref<1x640x32xf32, #tpu.memory_space<hbm>>
      %dma_wait3A_146 = tpu.memref_squeeze %dma_wait3A_145 : memref<1x640x32xf32, #tpu.memory_space<hbm>> -> memref<640x32xf32, #tpu.memory_space<hbm>>
      tpu.wait_dma2 semaphore(%run_scoped3A : memref<!tpu.dma_semaphore, #tpu.memory_space<semaphore_mem>>) src(%dma_wait3A_146 : memref<640x32xf32, #tpu.memory_space<hbm>>) dst(%dma_wait3A_143 : memref<640x32xf32, #tpu.memory_space<vmem_shared>>)
      tpu.yield
    }) : () -> ()
    %mul3A_13 = arith.constant 640 : i32
    %mul3A_14 = arith.muli %arg1, %mul3A_13 : i32
    %add3A = arith.constant 0 : i32
    %add3A_15 = arith.addi %mul3A_14, %add3A : i32
    "tpu.region"() ({
      %run_scoped3A = tpu.sem_alloc : memref<!tpu.dma_semaphore, #tpu.memory_space<semaphore_mem>>
      %dma_start3A_137 = arith.constant 0 : i32
      %dma_start3A_138 = tpu.memref_slice %arg11[%add3A_15, %dma_start3A_137] : memref<10240x32xf32, #tpu.memory_space<vmem_shared>> -> memref<128x32xf32, #tpu.memory_space<vmem_shared>>
      %dma_start3A_139 = arith.constant 0 : i32
      %dma_start3A_140 = tpu.memref_slice %arg11[%add3A_15, %dma_start3A_139] : memref<10240x32xf32, #tpu.memory_space<vmem_shared>> -> memref<128x32xf32, #tpu.memory_space<vmem_shared>>
      tpu.enqueue_dma source(%arg9 : memref<128x32xf32, #tpu.memory_space<vmem>>) target(%dma_start3A_140 : memref<128x32xf32, #tpu.memory_space<vmem_shared>>) target_semaphore(%run_scoped3A : memref<!tpu.dma_semaphore, #tpu.memory_space<semaphore_mem>>)
      %dma_wait3A_141 = arith.constant 0 : i32
      %dma_wait3A_142 = tpu.memref_slice %arg11[%add3A_15, %dma_wait3A_141] : memref<10240x32xf32, #tpu.memory_space<vmem_shared>> -> memref<128x32xf32, #tpu.memory_space<vmem_shared>>
      %dma_wait3A_143 = arith.constant 0 : i32
      %dma_wait3A_144 = tpu.memref_slice %arg11[%add3A_15, %dma_wait3A_143] : memref<10240x32xf32, #tpu.memory_space<vmem_shared>> -> memref<128x32xf32, #tpu.memory_space<vmem_shared>>
      tpu.wait_dma2 semaphore(%run_scoped3A : memref<!tpu.dma_semaphore, #tpu.memory_space<semaphore_mem>>) src(%arg9 : memref<128x32xf32, #tpu.memory_space<vmem>>) dst(%dma_wait3A_144 : memref<128x32xf32, #tpu.memory_space<vmem_shared>>)
      tpu.yield
    }) : () -> ()
    %mul3A_16 = arith.constant 640 : i32
    %mul3A_17 = arith.muli %arg1, %mul3A_16 : i32
    %add3A_18 = arith.constant 128 : i32
    %add3A_19 = arith.addi %mul3A_17, %add3A_18 : i32
    "tpu.region"() ({
      %run_scoped3A = tpu.sem_alloc : memref<!tpu.dma_semaphore, #tpu.memory_space<semaphore_mem>>
      %dma_start3A_137 = arith.constant 0 : i32
      %dma_start3A_138 = tpu.memref_slice %arg11[%add3A_19, %dma_start3A_137] : memref<10240x32xf32, #tpu.memory_space<vmem_shared>> -> memref<128x32xf32, #tpu.memory_space<vmem_shared>>
      %dma_start3A_139 = arith.constant 0 : i32
      %dma_start3A_140 = tpu.memref_slice %arg11[%add3A_19, %dma_start3A_139] : memref<10240x32xf32, #tpu.memory_space<vmem_shared>> -> memref<128x32xf32, #tpu.memory_space<vmem_shared>>
      tpu.enqueue_dma source(%arg9 : memref<128x32xf32, #tpu.memory_space<vmem>>) target(%dma_start3A_140 : memref<128x32xf32, #tpu.memory_space<vmem_shared>>) target_semaphore(%run_scoped3A : memref<!tpu.dma_semaphore, #tpu.memory_space<semaphore_mem>>)
      %dma_wait3A_141 = arith.constant 0 : i32
      %dma_wait3A_142 = tpu.memref_slice %arg11[%add3A_19, %dma_wait3A_141] : memref<10240x32xf32, #tpu.memory_space<vmem_shared>> -> memref<128x32xf32, #tpu.memory_space<vmem_shared>>
      %dma_wait3A_143 = arith.constant 0 : i32
      %dma_wait3A_144 = tpu.memref_slice %arg11[%add3A_19, %dma_wait3A_143] : memref<10240x32xf32, #tpu.memory_space<vmem_shared>> -> memref<128x32xf32, #tpu.memory_space<vmem_shared>>
      tpu.wait_dma2 semaphore(%run_scoped3A : memref<!tpu.dma_semaphore, #tpu.memory_space<semaphore_mem>>) src(%arg9 : memref<128x32xf32, #tpu.memory_space<vmem>>) dst(%dma_wait3A_144 : memref<128x32xf32, #tpu.memory_space<vmem_shared>>)
      tpu.yield
    }) : () -> ()
    %mul3A_20 = arith.constant 640 : i32
    %mul3A_21 = arith.muli %arg1, %mul3A_20 : i32
    %add3A_22 = arith.constant 256 : i32
    %add3A_23 = arith.addi %mul3A_21, %add3A_22 : i32
    "tpu.region"() ({
      %run_scoped3A = tpu.sem_alloc : memref<!tpu.dma_semaphore, #tpu.memory_space<semaphore_mem>>
      %dma_start3A_137 = arith.constant 0 : i32
      %dma_start3A_138 = tpu.memref_slice %arg11[%add3A_23, %dma_start3A_137] : memref<10240x32xf32, #tpu.memory_space<vmem_shared>> -> memref<128x32xf32, #tpu.memory_space<vmem_shared>>
      %dma_start3A_139 = arith.constant 0 : i32
      %dma_start3A_140 = tpu.memref_slice %arg11[%add3A_23, %dma_start3A_139] : memref<10240x32xf32, #tpu.memory_space<vmem_shared>> -> memref<128x32xf32, #tpu.memory_space<vmem_shared>>
      tpu.enqueue_dma source(%arg9 : memref<128x32xf32, #tpu.memory_space<vmem>>) target(%dma_start3A_140 : memref<128x32xf32, #tpu.memory_space<vmem_shared>>) target_semaphore(%run_scoped3A : memref<!tpu.dma_semaphore, #tpu.memory_space<semaphore_mem>>)
      %dma_wait3A_141 = arith.constant 0 : i32
      %dma_wait3A_142 = tpu.memref_slice %arg11[%add3A_23, %dma_wait3A_141] : memref<10240x32xf32, #tpu.memory_space<vmem_shared>> -> memref<128x32xf32, #tpu.memory_space<vmem_shared>>
      %dma_wait3A_143 = arith.constant 0 : i32
      %dma_wait3A_144 = tpu.memref_slice %arg11[%add3A_23, %dma_wait3A_143] : memref<10240x32xf32, #tpu.memory_space<vmem_shared>> -> memref<128x32xf32, #tpu.memory_space<vmem_shared>>
      tpu.wait_dma2 semaphore(%run_scoped3A : memref<!tpu.dma_semaphore, #tpu.memory_space<semaphore_mem>>) src(%arg9 : memref<128x32xf32, #tpu.memory_space<vmem>>) dst(%dma_wait3A_144 : memref<128x32xf32, #tpu.memory_space<vmem_shared>>)
      tpu.yield
    }) : () -> ()
    %mul3A_24 = arith.constant 640 : i32
    %mul3A_25 = arith.muli %arg1, %mul3A_24 : i32
    %add3A_26 = arith.constant 384 : i32
    %add3A_27 = arith.addi %mul3A_25, %add3A_26 : i32
    "tpu.region"() ({
      %run_scoped3A = tpu.sem_alloc : memref<!tpu.dma_semaphore, #tpu.memory_space<semaphore_mem>>
      %dma_start3A_137 = arith.constant 0 : i32
      %dma_start3A_138 = tpu.memref_slice %arg11[%add3A_27, %dma_start3A_137] : memref<10240x32xf32, #tpu.memory_space<vmem_shared>> -> memref<128x32xf32, #tpu.memory_space<vmem_shared>>
      %dma_start3A_139 = arith.constant 0 : i32
      %dma_start3A_140 = tpu.memref_slice %arg11[%add3A_27, %dma_start3A_139] : memref<10240x32xf32, #tpu.memory_space<vmem_shared>> -> memref<128x32xf32, #tpu.memory_space<vmem_shared>>
      tpu.enqueue_dma source(%arg9 : memref<128x32xf32, #tpu.memory_space<vmem>>) target(%dma_start3A_140 : memref<128x32xf32, #tpu.memory_space<vmem_shared>>) target_semaphore(%run_scoped3A : memref<!tpu.dma_semaphore, #tpu.memory_space<semaphore_mem>>)
      %dma_wait3A_141 = arith.constant 0 : i32
      %dma_wait3A_142 = tpu.memref_slice %arg11[%add3A_27, %dma_wait3A_141] : memref<10240x32xf32, #tpu.memory_space<vmem_shared>> -> memref<128x32xf32, #tpu.memory_space<vmem_shared>>
      %dma_wait3A_143 = arith.constant 0 : i32
      %dma_wait3A_144 = tpu.memref_slice %arg11[%add3A_27, %dma_wait3A_143] : memref<10240x32xf32, #tpu.memory_space<vmem_shared>> -> memref<128x32xf32, #tpu.memory_space<vmem_shared>>
      tpu.wait_dma2 semaphore(%run_scoped3A : memref<!tpu.dma_semaphore, #tpu.memory_space<semaphore_mem>>) src(%arg9 : memref<128x32xf32, #tpu.memory_space<vmem>>) dst(%dma_wait3A_144 : memref<128x32xf32, #tpu.memory_space<vmem_shared>>)
      tpu.yield
    }) : () -> ()
    %mul3A_28 = arith.constant 640 : i32
    %mul3A_29 = arith.muli %arg1, %mul3A_28 : i32
    %add3A_30 = arith.constant 512 : i32
    %add3A_31 = arith.addi %mul3A_29, %add3A_30 : i32
    "tpu.region"() ({
      %run_scoped3A = tpu.sem_alloc : memref<!tpu.dma_semaphore, #tpu.memory_space<semaphore_mem>>
      %dma_start3A_137 = arith.constant 0 : i32
      %dma_start3A_138 = tpu.memref_slice %arg11[%add3A_31, %dma_start3A_137] : memref<10240x32xf32, #tpu.memory_space<vmem_shared>> -> memref<128x32xf32, #tpu.memory_space<vmem_shared>>
      %dma_start3A_139 = arith.constant 0 : i32
      %dma_start3A_140 = tpu.memref_slice %arg11[%add3A_31, %dma_start3A_139] : memref<10240x32xf32, #tpu.memory_space<vmem_shared>> -> memref<128x32xf32, #tpu.memory_space<vmem_shared>>
      tpu.enqueue_dma source(%arg9 : memref<128x32xf32, #tpu.memory_space<vmem>>) target(%dma_start3A_140 : memref<128x32xf32, #tpu.memory_space<vmem_shared>>) target_semaphore(%run_scoped3A : memref<!tpu.dma_semaphore, #tpu.memory_space<semaphore_mem>>)
      %dma_wait3A_141 = arith.constant 0 : i32
      %dma_wait3A_142 = tpu.memref_slice %arg11[%add3A_31, %dma_wait3A_141] : memref<10240x32xf32, #tpu.memory_space<vmem_shared>> -> memref<128x32xf32, #tpu.memory_space<vmem_shared>>
      %dma_wait3A_143 = arith.constant 0 : i32
      %dma_wait3A_144 = tpu.memref_slice %arg11[%add3A_31, %dma_wait3A_143] : memref<10240x32xf32, #tpu.memory_space<vmem_shared>> -> memref<128x32xf32, #tpu.memory_space<vmem_shared>>
      tpu.wait_dma2 semaphore(%run_scoped3A : memref<!tpu.dma_semaphore, #tpu.memory_space<semaphore_mem>>) src(%arg9 : memref<128x32xf32, #tpu.memory_space<vmem>>) dst(%dma_wait3A_144 : memref<128x32xf32, #tpu.memory_space<vmem_shared>>)
      tpu.yield
    }) : () -> ()
    %barrier3A = arith.constant 0 : index
    tpu.barrier barrier_id(%barrier3A)
    %dma_start3A = arith.constant 0 : i32
    %dma_start3A_32 = arith.constant 0 : i32
    %dma_start3A_33 = arith.constant 0 : i32
    %dma_start3A_34 = arith.constant 0 : i32
    %dma_start3A_35 = tpu.memref_slice %arg8[%dma_start3A_32, %dma_start3A_33, %dma_start3A_34] : memref<4x125x32xf32, #tpu.memory_space<vmem>> -> memref<1x125x32xf32, #tpu.memory_space<vmem>>
    %dma_start3A_36 = tpu.memref_squeeze %dma_start3A_35 : memref<1x125x32xf32, #tpu.memory_space<vmem>> -> memref<125x32xf32, #tpu.memory_space<vmem>>
    %dma_start3A_37 = arith.constant 0 : i32
    %dma_start3A_38 = tpu.memref_slice %arg6[%dma_start3A, %dma_start3A_37] : memref<160x125xi32, #tpu.memory_space<vmem>> -> memref<1x125xi32, #tpu.memory_space<vmem>>
    %dma_start3A_39 = tpu.memref_squeeze %dma_start3A_38 : memref<1x125xi32, #tpu.memory_space<vmem>> -> memref<125xi32, #tpu.memory_space<vmem>>
    %dma_start3A_40 = arith.constant 0 : i32
    %dma_start3A_41 = arith.constant 0 : i32
    %dma_start3A_42 = tpu.memref_slice %arg10[%dma_start3A_40, %dma_start3A_41] : memref<10240x32xf32, #tpu.memory_space<vmem_shared>> -> memref<10240x32xf32, #tpu.memory_space<vmem_shared>>
    tpu.enqueue_indirect_dma source(%dma_start3A_42 : memref<10240x32xf32, #tpu.memory_space<vmem_shared>>) target(%dma_start3A_36 : memref<125x32xf32, #tpu.memory_space<vmem>>) offsets(%dma_start3A_39 : memref<125xi32, #tpu.memory_space<vmem>>) semaphore(%arg12 : memref<!tpu.dma_semaphore, #tpu.memory_space<semaphore_mem>>)
    %dma_start3A_43 = arith.constant 1 : i32
    %dma_start3A_44 = arith.constant 1 : i32
    %dma_start3A_45 = arith.constant 0 : i32
    %dma_start3A_46 = arith.constant 0 : i32
    %dma_start3A_47 = tpu.memref_slice %arg8[%dma_start3A_44, %dma_start3A_45, %dma_start3A_46] : memref<4x125x32xf32, #tpu.memory_space<vmem>> -> memref<1x125x32xf32, #tpu.memory_space<vmem>>
    %dma_start3A_48 = tpu.memref_squeeze %dma_start3A_47 : memref<1x125x32xf32, #tpu.memory_space<vmem>> -> memref<125x32xf32, #tpu.memory_space<vmem>>
    %dma_start3A_49 = arith.constant 0 : i32
    %dma_start3A_50 = tpu.memref_slice %arg6[%dma_start3A_43, %dma_start3A_49] : memref<160x125xi32, #tpu.memory_space<vmem>> -> memref<1x125xi32, #tpu.memory_space<vmem>>
    %dma_start3A_51 = tpu.memref_squeeze %dma_start3A_50 : memref<1x125xi32, #tpu.memory_space<vmem>> -> memref<125xi32, #tpu.memory_space<vmem>>
    %dma_start3A_52 = arith.constant 0 : i32
    %dma_start3A_53 = arith.constant 0 : i32
    %dma_start3A_54 = tpu.memref_slice %arg10[%dma_start3A_52, %dma_start3A_53] : memref<10240x32xf32, #tpu.memory_space<vmem_shared>> -> memref<10240x32xf32, #tpu.memory_space<vmem_shared>>
    tpu.enqueue_indirect_dma source(%dma_start3A_54 : memref<10240x32xf32, #tpu.memory_space<vmem_shared>>) target(%dma_start3A_48 : memref<125x32xf32, #tpu.memory_space<vmem>>) offsets(%dma_start3A_51 : memref<125xi32, #tpu.memory_space<vmem>>) semaphore(%arg13 : memref<!tpu.dma_semaphore, #tpu.memory_space<semaphore_mem>>)
    %dma_start3A_55 = arith.constant 2 : i32
    %dma_start3A_56 = arith.constant 2 : i32
    %dma_start3A_57 = arith.constant 0 : i32
    %dma_start3A_58 = arith.constant 0 : i32
    %dma_start3A_59 = tpu.memref_slice %arg8[%dma_start3A_56, %dma_start3A_57, %dma_start3A_58] : memref<4x125x32xf32, #tpu.memory_space<vmem>> -> memref<1x125x32xf32, #tpu.memory_space<vmem>>
    %dma_start3A_60 = tpu.memref_squeeze %dma_start3A_59 : memref<1x125x32xf32, #tpu.memory_space<vmem>> -> memref<125x32xf32, #tpu.memory_space<vmem>>
    %dma_start3A_61 = arith.constant 0 : i32
    %dma_start3A_62 = tpu.memref_slice %arg6[%dma_start3A_55, %dma_start3A_61] : memref<160x125xi32, #tpu.memory_space<vmem>> -> memref<1x125xi32, #tpu.memory_space<vmem>>
    %dma_start3A_63 = tpu.memref_squeeze %dma_start3A_62 : memref<1x125xi32, #tpu.memory_space<vmem>> -> memref<125xi32, #tpu.memory_space<vmem>>
    %dma_start3A_64 = arith.constant 0 : i32
    %dma_start3A_65 = arith.constant 0 : i32
    %dma_start3A_66 = tpu.memref_slice %arg10[%dma_start3A_64, %dma_start3A_65] : memref<10240x32xf32, #tpu.memory_space<vmem_shared>> -> memref<10240x32xf32, #tpu.memory_space<vmem_shared>>
    tpu.enqueue_indirect_dma source(%dma_start3A_66 : memref<10240x32xf32, #tpu.memory_space<vmem_shared>>) target(%dma_start3A_60 : memref<125x32xf32, #tpu.memory_space<vmem>>) offsets(%dma_start3A_63 : memref<125xi32, #tpu.memory_space<vmem>>) semaphore(%arg14 : memref<!tpu.dma_semaphore, #tpu.memory_space<semaphore_mem>>)
    %dma_start3A_67 = arith.constant 3 : i32
    %dma_start3A_68 = arith.constant 3 : i32
    %dma_start3A_69 = arith.constant 0 : i32
    %dma_start3A_70 = arith.constant 0 : i32
    %dma_start3A_71 = tpu.memref_slice %arg8[%dma_start3A_68, %dma_start3A_69, %dma_start3A_70] : memref<4x125x32xf32, #tpu.memory_space<vmem>> -> memref<1x125x32xf32, #tpu.memory_space<vmem>>
    %dma_start3A_72 = tpu.memref_squeeze %dma_start3A_71 : memref<1x125x32xf32, #tpu.memory_space<vmem>> -> memref<125x32xf32, #tpu.memory_space<vmem>>
    %dma_start3A_73 = arith.constant 0 : i32
    %dma_start3A_74 = tpu.memref_slice %arg6[%dma_start3A_67, %dma_start3A_73] : memref<160x125xi32, #tpu.memory_space<vmem>> -> memref<1x125xi32, #tpu.memory_space<vmem>>
    %dma_start3A_75 = tpu.memref_squeeze %dma_start3A_74 : memref<1x125xi32, #tpu.memory_space<vmem>> -> memref<125xi32, #tpu.memory_space<vmem>>
    %dma_start3A_76 = arith.constant 0 : i32
    %dma_start3A_77 = arith.constant 0 : i32
    %dma_start3A_78 = tpu.memref_slice %arg10[%dma_start3A_76, %dma_start3A_77] : memref<10240x32xf32, #tpu.memory_space<vmem_shared>> -> memref<10240x32xf32, #tpu.memory_space<vmem_shared>>
    tpu.enqueue_indirect_dma source(%dma_start3A_78 : memref<10240x32xf32, #tpu.memory_space<vmem_shared>>) target(%dma_start3A_72 : memref<125x32xf32, #tpu.memory_space<vmem>>) offsets(%dma_start3A_75 : memref<125xi32, #tpu.memory_space<vmem>>) semaphore(%arg15 : memref<!tpu.dma_semaphore, #tpu.memory_space<semaphore_mem>>)
    %scan3A_79 = arith.constant 0 : i32
    %scan3A_80 = arith.constant 0 : i32
    %scan3A_81 = arith.constant 40 : i32
    %scan3A_82 = arith.addi %scan3A_80, %scan3A_81 : i32
    %scan3A_83 = arith.constant 1 : i32
    scf.for %scan3A_137 = %scan3A_80 to %scan3A_82 step %scan3A_83  : i32 {
      %mul3A_138 = arith.constant 4 : i32
      %mul3A_139 = arith.muli %scan3A_137, %mul3A_138 : i32
      %add3A_140 = arith.constant 0 : i32
      %add3A_141 = arith.addi %mul3A_139, %add3A_140 : i32
      %dma_wait3A_142 = arith.constant 0 : i32
      %dma_wait3A_143 = arith.constant 0 : i32
      %dma_wait3A_144 = arith.constant 0 : i32
      %dma_wait3A_145 = tpu.memref_slice %arg8[%dma_wait3A_142, %dma_wait3A_143, %dma_wait3A_144] : memref<4x125x32xf32, #tpu.memory_space<vmem>> -> memref<1x125x32xf32, #tpu.memory_space<vmem>>
      %dma_wait3A_146 = tpu.memref_squeeze %dma_wait3A_145 : memref<1x125x32xf32, #tpu.memory_space<vmem>> -> memref<125x32xf32, #tpu.memory_space<vmem>>
      %dma_wait3A_147 = arith.constant 0 : i32
      %dma_wait3A_148 = tpu.memref_slice %arg6[%add3A_141, %dma_wait3A_147] : memref<160x125xi32, #tpu.memory_space<vmem>> -> memref<1x125xi32, #tpu.memory_space<vmem>>
      %dma_wait3A_149 = tpu.memref_squeeze %dma_wait3A_148 : memref<1x125xi32, #tpu.memory_space<vmem>> -> memref<125xi32, #tpu.memory_space<vmem>>
      %dma_wait3A_150 = arith.constant 0 : i32
      %dma_wait3A_151 = arith.constant 0 : i32
      %dma_wait3A_152 = tpu.memref_slice %arg10[%dma_wait3A_150, %dma_wait3A_151] : memref<10240x32xf32, #tpu.memory_space<vmem_shared>> -> memref<10240x32xf32, #tpu.memory_space<vmem_shared>>
      tpu.wait_indirect_dma semaphore(%arg12 : memref<!tpu.dma_semaphore, #tpu.memory_space<semaphore_mem>>) src(%dma_wait3A_152 : memref<10240x32xf32, #tpu.memory_space<vmem_shared>>) dst(%dma_wait3A_146 : memref<125x32xf32, #tpu.memory_space<vmem>>)
      %dma_start3A_153 = arith.constant 0 : i32
      %dma_start3A_154 = arith.constant 0 : i32
      %dma_start3A_155 = arith.constant 0 : i32
      %dma_start3A_156 = tpu.memref_slice %arg8[%dma_start3A_153, %dma_start3A_154, %dma_start3A_155] : memref<4x125x32xf32, #tpu.memory_space<vmem>> -> memref<1x125x32xf32, #tpu.memory_space<vmem>>
      %dma_start3A_157 = tpu.memref_squeeze %dma_start3A_156 : memref<1x125x32xf32, #tpu.memory_space<vmem>> -> memref<125x32xf32, #tpu.memory_space<vmem>>
      %dma_start3A_158 = arith.constant 0 : i32
      %dma_start3A_159 = tpu.memref_slice %arg7[%add3A_141, %dma_start3A_158] : memref<160x125xi32, #tpu.memory_space<vmem>> -> memref<1x125xi32, #tpu.memory_space<vmem>>
      %dma_start3A_160 = tpu.memref_squeeze %dma_start3A_159 : memref<1x125xi32, #tpu.memory_space<vmem>> -> memref<125xi32, #tpu.memory_space<vmem>>
      %dma_start3A_161 = arith.constant 0 : i32
      %dma_start3A_162 = arith.constant 0 : i32
      %dma_start3A_163 = tpu.memref_slice %arg11[%dma_start3A_161, %dma_start3A_162] : memref<10240x32xf32, #tpu.memory_space<vmem_shared>> -> memref<10240x32xf32, #tpu.memory_space<vmem_shared>>
      tpu.enqueue_indirect_dma source(%dma_start3A_157 : memref<125x32xf32, #tpu.memory_space<vmem>>) target(%dma_start3A_163 : memref<10240x32xf32, #tpu.memory_space<vmem_shared>>) offsets(%dma_start3A_160 : memref<125xi32, #tpu.memory_space<vmem>>) semaphore(%arg16 : memref<!tpu.dma_semaphore, #tpu.memory_space<semaphore_mem>>) {add = true}
      %add3A_164 = arith.constant 1 : i32
      %add3A_165 = arith.addi %mul3A_139, %add3A_164 : i32
      %dma_wait3A_166 = arith.constant 1 : i32
      %dma_wait3A_167 = arith.constant 0 : i32
      %dma_wait3A_168 = arith.constant 0 : i32
      %dma_wait3A_169 = tpu.memref_slice %arg8[%dma_wait3A_166, %dma_wait3A_167, %dma_wait3A_168] : memref<4x125x32xf32, #tpu.memory_space<vmem>> -> memref<1x125x32xf32, #tpu.memory_space<vmem>>
      %dma_wait3A_170 = tpu.memref_squeeze %dma_wait3A_169 : memref<1x125x32xf32, #tpu.memory_space<vmem>> -> memref<125x32xf32, #tpu.memory_space<vmem>>
      %dma_wait3A_171 = arith.constant 0 : i32
      %dma_wait3A_172 = tpu.memref_slice %arg6[%add3A_165, %dma_wait3A_171] : memref<160x125xi32, #tpu.memory_space<vmem>> -> memref<1x125xi32, #tpu.memory_space<vmem>>
      %dma_wait3A_173 = tpu.memref_squeeze %dma_wait3A_172 : memref<1x125xi32, #tpu.memory_space<vmem>> -> memref<125xi32, #tpu.memory_space<vmem>>
      %dma_wait3A_174 = arith.constant 0 : i32
      %dma_wait3A_175 = arith.constant 0 : i32
      %dma_wait3A_176 = tpu.memref_slice %arg10[%dma_wait3A_174, %dma_wait3A_175] : memref<10240x32xf32, #tpu.memory_space<vmem_shared>> -> memref<10240x32xf32, #tpu.memory_space<vmem_shared>>
      tpu.wait_indirect_dma semaphore(%arg13 : memref<!tpu.dma_semaphore, #tpu.memory_space<semaphore_mem>>) src(%dma_wait3A_176 : memref<10240x32xf32, #tpu.memory_space<vmem_shared>>) dst(%dma_wait3A_170 : memref<125x32xf32, #tpu.memory_space<vmem>>)
      %dma_start3A_177 = arith.constant 1 : i32
      %dma_start3A_178 = arith.constant 0 : i32
      %dma_start3A_179 = arith.constant 0 : i32
      %dma_start3A_180 = tpu.memref_slice %arg8[%dma_start3A_177, %dma_start3A_178, %dma_start3A_179] : memref<4x125x32xf32, #tpu.memory_space<vmem>> -> memref<1x125x32xf32, #tpu.memory_space<vmem>>
      %dma_start3A_181 = tpu.memref_squeeze %dma_start3A_180 : memref<1x125x32xf32, #tpu.memory_space<vmem>> -> memref<125x32xf32, #tpu.memory_space<vmem>>
      %dma_start3A_182 = arith.constant 0 : i32
      %dma_start3A_183 = tpu.memref_slice %arg7[%add3A_165, %dma_start3A_182] : memref<160x125xi32, #tpu.memory_space<vmem>> -> memref<1x125xi32, #tpu.memory_space<vmem>>
      %dma_start3A_184 = tpu.memref_squeeze %dma_start3A_183 : memref<1x125xi32, #tpu.memory_space<vmem>> -> memref<125xi32, #tpu.memory_space<vmem>>
      %dma_start3A_185 = arith.constant 0 : i32
      %dma_start3A_186 = arith.constant 0 : i32
      %dma_start3A_187 = tpu.memref_slice %arg11[%dma_start3A_185, %dma_start3A_186] : memref<10240x32xf32, #tpu.memory_space<vmem_shared>> -> memref<10240x32xf32, #tpu.memory_space<vmem_shared>>
      tpu.enqueue_indirect_dma source(%dma_start3A_181 : memref<125x32xf32, #tpu.memory_space<vmem>>) target(%dma_start3A_187 : memref<10240x32xf32, #tpu.memory_space<vmem_shared>>) offsets(%dma_start3A_184 : memref<125xi32, #tpu.memory_space<vmem>>) semaphore(%arg17 : memref<!tpu.dma_semaphore, #tpu.memory_space<semaphore_mem>>) {add = true}
      %add3A_188 = arith.constant 2 : i32
      %add3A_189 = arith.addi %mul3A_139, %add3A_188 : i32
      %dma_wait3A_190 = arith.constant 2 : i32
      %dma_wait3A_191 = arith.constant 0 : i32
      %dma_wait3A_192 = arith.constant 0 : i32
      %dma_wait3A_193 = tpu.memref_slice %arg8[%dma_wait3A_190, %dma_wait3A_191, %dma_wait3A_192] : memref<4x125x32xf32, #tpu.memory_space<vmem>> -> memref<1x125x32xf32, #tpu.memory_space<vmem>>
      %dma_wait3A_194 = tpu.memref_squeeze %dma_wait3A_193 : memref<1x125x32xf32, #tpu.memory_space<vmem>> -> memref<125x32xf32, #tpu.memory_space<vmem>>
      %dma_wait3A_195 = arith.constant 0 : i32
      %dma_wait3A_196 = tpu.memref_slice %arg6[%add3A_189, %dma_wait3A_195] : memref<160x125xi32, #tpu.memory_space<vmem>> -> memref<1x125xi32, #tpu.memory_space<vmem>>
      %dma_wait3A_197 = tpu.memref_squeeze %dma_wait3A_196 : memref<1x125xi32, #tpu.memory_space<vmem>> -> memref<125xi32, #tpu.memory_space<vmem>>
      %dma_wait3A_198 = arith.constant 0 : i32
      %dma_wait3A_199 = arith.constant 0 : i32
      %dma_wait3A_200 = tpu.memref_slice %arg10[%dma_wait3A_198, %dma_wait3A_199] : memref<10240x32xf32, #tpu.memory_space<vmem_shared>> -> memref<10240x32xf32, #tpu.memory_space<vmem_shared>>
      tpu.wait_indirect_dma semaphore(%arg14 : memref<!tpu.dma_semaphore, #tpu.memory_space<semaphore_mem>>) src(%dma_wait3A_200 : memref<10240x32xf32, #tpu.memory_space<vmem_shared>>) dst(%dma_wait3A_194 : memref<125x32xf32, #tpu.memory_space<vmem>>)
      %dma_start3A_201 = arith.constant 2 : i32
      %dma_start3A_202 = arith.constant 0 : i32
      %dma_start3A_203 = arith.constant 0 : i32
      %dma_start3A_204 = tpu.memref_slice %arg8[%dma_start3A_201, %dma_start3A_202, %dma_start3A_203] : memref<4x125x32xf32, #tpu.memory_space<vmem>> -> memref<1x125x32xf32, #tpu.memory_space<vmem>>
      %dma_start3A_205 = tpu.memref_squeeze %dma_start3A_204 : memref<1x125x32xf32, #tpu.memory_space<vmem>> -> memref<125x32xf32, #tpu.memory_space<vmem>>
      %dma_start3A_206 = arith.constant 0 : i32
      %dma_start3A_207 = tpu.memref_slice %arg7[%add3A_189, %dma_start3A_206] : memref<160x125xi32, #tpu.memory_space<vmem>> -> memref<1x125xi32, #tpu.memory_space<vmem>>
      %dma_start3A_208 = tpu.memref_squeeze %dma_start3A_207 : memref<1x125xi32, #tpu.memory_space<vmem>> -> memref<125xi32, #tpu.memory_space<vmem>>
      %dma_start3A_209 = arith.constant 0 : i32
      %dma_start3A_210 = arith.constant 0 : i32
      %dma_start3A_211 = tpu.memref_slice %arg11[%dma_start3A_209, %dma_start3A_210] : memref<10240x32xf32, #tpu.memory_space<vmem_shared>> -> memref<10240x32xf32, #tpu.memory_space<vmem_shared>>
      tpu.enqueue_indirect_dma source(%dma_start3A_205 : memref<125x32xf32, #tpu.memory_space<vmem>>) target(%dma_start3A_211 : memref<10240x32xf32, #tpu.memory_space<vmem_shared>>) offsets(%dma_start3A_208 : memref<125xi32, #tpu.memory_space<vmem>>) semaphore(%arg18 : memref<!tpu.dma_semaphore, #tpu.memory_space<semaphore_mem>>) {add = true}
      %add3A_212 = arith.constant 3 : i32
      %add3A_213 = arith.addi %mul3A_139, %add3A_212 : i32
      %dma_wait3A_214 = arith.constant 3 : i32
      %dma_wait3A_215 = arith.constant 0 : i32
      %dma_wait3A_216 = arith.constant 0 : i32
      %dma_wait3A_217 = tpu.memref_slice %arg8[%dma_wait3A_214, %dma_wait3A_215, %dma_wait3A_216] : memref<4x125x32xf32, #tpu.memory_space<vmem>> -> memref<1x125x32xf32, #tpu.memory_space<vmem>>
      %dma_wait3A_218 = tpu.memref_squeeze %dma_wait3A_217 : memref<1x125x32xf32, #tpu.memory_space<vmem>> -> memref<125x32xf32, #tpu.memory_space<vmem>>
      %dma_wait3A_219 = arith.constant 0 : i32
      %dma_wait3A_220 = tpu.memref_slice %arg6[%add3A_213, %dma_wait3A_219] : memref<160x125xi32, #tpu.memory_space<vmem>> -> memref<1x125xi32, #tpu.memory_space<vmem>>
      %dma_wait3A_221 = tpu.memref_squeeze %dma_wait3A_220 : memref<1x125xi32, #tpu.memory_space<vmem>> -> memref<125xi32, #tpu.memory_space<vmem>>
      %dma_wait3A_222 = arith.constant 0 : i32
      %dma_wait3A_223 = arith.constant 0 : i32
      %dma_wait3A_224 = tpu.memref_slice %arg10[%dma_wait3A_222, %dma_wait3A_223] : memref<10240x32xf32, #tpu.memory_space<vmem_shared>> -> memref<10240x32xf32, #tpu.memory_space<vmem_shared>>
      tpu.wait_indirect_dma semaphore(%arg15 : memref<!tpu.dma_semaphore, #tpu.memory_space<semaphore_mem>>) src(%dma_wait3A_224 : memref<10240x32xf32, #tpu.memory_space<vmem_shared>>) dst(%dma_wait3A_218 : memref<125x32xf32, #tpu.memory_space<vmem>>)
      %dma_start3A_225 = arith.constant 3 : i32
      %dma_start3A_226 = arith.constant 0 : i32
      %dma_start3A_227 = arith.constant 0 : i32
      %dma_start3A_228 = tpu.memref_slice %arg8[%dma_start3A_225, %dma_start3A_226, %dma_start3A_227] : memref<4x125x32xf32, #tpu.memory_space<vmem>> -> memref<1x125x32xf32, #tpu.memory_space<vmem>>
      %dma_start3A_229 = tpu.memref_squeeze %dma_start3A_228 : memref<1x125x32xf32, #tpu.memory_space<vmem>> -> memref<125x32xf32, #tpu.memory_space<vmem>>
      %dma_start3A_230 = arith.constant 0 : i32
      %dma_start3A_231 = tpu.memref_slice %arg7[%add3A_213, %dma_start3A_230] : memref<160x125xi32, #tpu.memory_space<vmem>> -> memref<1x125xi32, #tpu.memory_space<vmem>>
      %dma_start3A_232 = tpu.memref_squeeze %dma_start3A_231 : memref<1x125xi32, #tpu.memory_space<vmem>> -> memref<125xi32, #tpu.memory_space<vmem>>
      %dma_start3A_233 = arith.constant 0 : i32
      %dma_start3A_234 = arith.constant 0 : i32
      %dma_start3A_235 = tpu.memref_slice %arg11[%dma_start3A_233, %dma_start3A_234] : memref<10240x32xf32, #tpu.memory_space<vmem_shared>> -> memref<10240x32xf32, #tpu.memory_space<vmem_shared>>
      tpu.enqueue_indirect_dma source(%dma_start3A_229 : memref<125x32xf32, #tpu.memory_space<vmem>>) target(%dma_start3A_235 : memref<10240x32xf32, #tpu.memory_space<vmem_shared>>) offsets(%dma_start3A_232 : memref<125xi32, #tpu.memory_space<vmem>>) semaphore(%arg19 : memref<!tpu.dma_semaphore, #tpu.memory_space<semaphore_mem>>) {add = true}
      %lt3A = arith.constant 39 : i32
      %lt3A_236 = arith.cmpi slt, %scan3A_137, %lt3A : i32
      %convert_element_type3A = arith.extui %lt3A_236 : i1 to i32
      %cond3A = arith.constant 0 : i32
      %cond3A_237 = arith.cmpi ne, %convert_element_type3A, %cond3A : i32
      scf.if %cond3A_237 {
        %add3A_238 = arith.constant 0 : i32
        %add3A_239 = arith.addi %mul3A_139, %add3A_238 : i32
        %dma_wait3A_240 = arith.constant 0 : i32
        %dma_wait3A_241 = arith.constant 0 : i32
        %dma_wait3A_242 = arith.constant 0 : i32
        %dma_wait3A_243 = tpu.memref_slice %arg8[%dma_wait3A_240, %dma_wait3A_241, %dma_wait3A_242] : memref<4x125x32xf32, #tpu.memory_space<vmem>> -> memref<1x125x32xf32, #tpu.memory_space<vmem>>
        %dma_wait3A_244 = tpu.memref_squeeze %dma_wait3A_243 : memref<1x125x32xf32, #tpu.memory_space<vmem>> -> memref<125x32xf32, #tpu.memory_space<vmem>>
        %dma_wait3A_245 = arith.constant 0 : i32
        %dma_wait3A_246 = tpu.memref_slice %arg7[%add3A_239, %dma_wait3A_245] : memref<160x125xi32, #tpu.memory_space<vmem>> -> memref<1x125xi32, #tpu.memory_space<vmem>>
        %dma_wait3A_247 = tpu.memref_squeeze %dma_wait3A_246 : memref<1x125xi32, #tpu.memory_space<vmem>> -> memref<125xi32, #tpu.memory_space<vmem>>
        %dma_wait3A_248 = arith.constant 0 : i32
        %dma_wait3A_249 = arith.constant 0 : i32
        %dma_wait3A_250 = tpu.memref_slice %arg11[%dma_wait3A_248, %dma_wait3A_249] : memref<10240x32xf32, #tpu.memory_space<vmem_shared>> -> memref<10240x32xf32, #tpu.memory_space<vmem_shared>>
        tpu.wait_indirect_dma semaphore(%arg16 : memref<!tpu.dma_semaphore, #tpu.memory_space<semaphore_mem>>) src(%dma_wait3A_244 : memref<125x32xf32, #tpu.memory_space<vmem>>) dst(%dma_wait3A_250 : memref<10240x32xf32, #tpu.memory_space<vmem_shared>>)
        %add3A_251 = arith.constant 4 : i32
        %add3A_252 = arith.addi %add3A_239, %add3A_251 : i32
        %dma_start3A_253 = arith.constant 0 : i32
        %dma_start3A_254 = arith.constant 0 : i32
        %dma_start3A_255 = arith.constant 0 : i32
        %dma_start3A_256 = tpu.memref_slice %arg8[%dma_start3A_253, %dma_start3A_254, %dma_start3A_255] : memref<4x125x32xf32, #tpu.memory_space<vmem>> -> memref<1x125x32xf32, #tpu.memory_space<vmem>>
        %dma_start3A_257 = tpu.memref_squeeze %dma_start3A_256 : memref<1x125x32xf32, #tpu.memory_space<vmem>> -> memref<125x32xf32, #tpu.memory_space<vmem>>
        %dma_start3A_258 = arith.constant 0 : i32
        %dma_start3A_259 = tpu.memref_slice %arg6[%add3A_252, %dma_start3A_258] : memref<160x125xi32, #tpu.memory_space<vmem>> -> memref<1x125xi32, #tpu.memory_space<vmem>>
        %dma_start3A_260 = tpu.memref_squeeze %dma_start3A_259 : memref<1x125xi32, #tpu.memory_space<vmem>> -> memref<125xi32, #tpu.memory_space<vmem>>
        %dma_start3A_261 = arith.constant 0 : i32
        %dma_start3A_262 = arith.constant 0 : i32
        %dma_start3A_263 = tpu.memref_slice %arg10[%dma_start3A_261, %dma_start3A_262] : memref<10240x32xf32, #tpu.memory_space<vmem_shared>> -> memref<10240x32xf32, #tpu.memory_space<vmem_shared>>
        tpu.enqueue_indirect_dma source(%dma_start3A_263 : memref<10240x32xf32, #tpu.memory_space<vmem_shared>>) target(%dma_start3A_257 : memref<125x32xf32, #tpu.memory_space<vmem>>) offsets(%dma_start3A_260 : memref<125xi32, #tpu.memory_space<vmem>>) semaphore(%arg12 : memref<!tpu.dma_semaphore, #tpu.memory_space<semaphore_mem>>)
        %add3A_264 = arith.constant 1 : i32
        %add3A_265 = arith.addi %mul3A_139, %add3A_264 : i32
        %dma_wait3A_266 = arith.constant 1 : i32
        %dma_wait3A_267 = arith.constant 0 : i32
        %dma_wait3A_268 = arith.constant 0 : i32
        %dma_wait3A_269 = tpu.memref_slice %arg8[%dma_wait3A_266, %dma_wait3A_267, %dma_wait3A_268] : memref<4x125x32xf32, #tpu.memory_space<vmem>> -> memref<1x125x32xf32, #tpu.memory_space<vmem>>
        %dma_wait3A_270 = tpu.memref_squeeze %dma_wait3A_269 : memref<1x125x32xf32, #tpu.memory_space<vmem>> -> memref<125x32xf32, #tpu.memory_space<vmem>>
        %dma_wait3A_271 = arith.constant 0 : i32
        %dma_wait3A_272 = tpu.memref_slice %arg7[%add3A_265, %dma_wait3A_271] : memref<160x125xi32, #tpu.memory_space<vmem>> -> memref<1x125xi32, #tpu.memory_space<vmem>>
        %dma_wait3A_273 = tpu.memref_squeeze %dma_wait3A_272 : memref<1x125xi32, #tpu.memory_space<vmem>> -> memref<125xi32, #tpu.memory_space<vmem>>
        %dma_wait3A_274 = arith.constant 0 : i32
        %dma_wait3A_275 = arith.constant 0 : i32
        %dma_wait3A_276 = tpu.memref_slice %arg11[%dma_wait3A_274, %dma_wait3A_275] : memref<10240x32xf32, #tpu.memory_space<vmem_shared>> -> memref<10240x32xf32, #tpu.memory_space<vmem_shared>>
        tpu.wait_indirect_dma semaphore(%arg17 : memref<!tpu.dma_semaphore, #tpu.memory_space<semaphore_mem>>) src(%dma_wait3A_270 : memref<125x32xf32, #tpu.memory_space<vmem>>) dst(%dma_wait3A_276 : memref<10240x32xf32, #tpu.memory_space<vmem_shared>>)
        %add3A_277 = arith.constant 4 : i32
        %add3A_278 = arith.addi %add3A_265, %add3A_277 : i32
        %dma_start3A_279 = arith.constant 1 : i32
        %dma_start3A_280 = arith.constant 0 : i32
        %dma_start3A_281 = arith.constant 0 : i32
        %dma_start3A_282 = tpu.memref_slice %arg8[%dma_start3A_279, %dma_start3A_280, %dma_start3A_281] : memref<4x125x32xf32, #tpu.memory_space<vmem>> -> memref<1x125x32xf32, #tpu.memory_space<vmem>>
        %dma_start3A_283 = tpu.memref_squeeze %dma_start3A_282 : memref<1x125x32xf32, #tpu.memory_space<vmem>> -> memref<125x32xf32, #tpu.memory_space<vmem>>
        %dma_start3A_284 = arith.constant 0 : i32
        %dma_start3A_285 = tpu.memref_slice %arg6[%add3A_278, %dma_start3A_284] : memref<160x125xi32, #tpu.memory_space<vmem>> -> memref<1x125xi32, #tpu.memory_space<vmem>>
        %dma_start3A_286 = tpu.memref_squeeze %dma_start3A_285 : memref<1x125xi32, #tpu.memory_space<vmem>> -> memref<125xi32, #tpu.memory_space<vmem>>
        %dma_start3A_287 = arith.constant 0 : i32
        %dma_start3A_288 = arith.constant 0 : i32
        %dma_start3A_289 = tpu.memref_slice %arg10[%dma_start3A_287, %dma_start3A_288] : memref<10240x32xf32, #tpu.memory_space<vmem_shared>> -> memref<10240x32xf32, #tpu.memory_space<vmem_shared>>
        tpu.enqueue_indirect_dma source(%dma_start3A_289 : memref<10240x32xf32, #tpu.memory_space<vmem_shared>>) target(%dma_start3A_283 : memref<125x32xf32, #tpu.memory_space<vmem>>) offsets(%dma_start3A_286 : memref<125xi32, #tpu.memory_space<vmem>>) semaphore(%arg13 : memref<!tpu.dma_semaphore, #tpu.memory_space<semaphore_mem>>)
        %add3A_290 = arith.constant 2 : i32
        %add3A_291 = arith.addi %mul3A_139, %add3A_290 : i32
        %dma_wait3A_292 = arith.constant 2 : i32
        %dma_wait3A_293 = arith.constant 0 : i32
        %dma_wait3A_294 = arith.constant 0 : i32
        %dma_wait3A_295 = tpu.memref_slice %arg8[%dma_wait3A_292, %dma_wait3A_293, %dma_wait3A_294] : memref<4x125x32xf32, #tpu.memory_space<vmem>> -> memref<1x125x32xf32, #tpu.memory_space<vmem>>
        %dma_wait3A_296 = tpu.memref_squeeze %dma_wait3A_295 : memref<1x125x32xf32, #tpu.memory_space<vmem>> -> memref<125x32xf32, #tpu.memory_space<vmem>>
        %dma_wait3A_297 = arith.constant 0 : i32
        %dma_wait3A_298 = tpu.memref_slice %arg7[%add3A_291, %dma_wait3A_297] : memref<160x125xi32, #tpu.memory_space<vmem>> -> memref<1x125xi32, #tpu.memory_space<vmem>>
        %dma_wait3A_299 = tpu.memref_squeeze %dma_wait3A_298 : memref<1x125xi32, #tpu.memory_space<vmem>> -> memref<125xi32, #tpu.memory_space<vmem>>
        %dma_wait3A_300 = arith.constant 0 : i32
        %dma_wait3A_301 = arith.constant 0 : i32
        %dma_wait3A_302 = tpu.memref_slice %arg11[%dma_wait3A_300, %dma_wait3A_301] : memref<10240x32xf32, #tpu.memory_space<vmem_shared>> -> memref<10240x32xf32, #tpu.memory_space<vmem_shared>>
        tpu.wait_indirect_dma semaphore(%arg18 : memref<!tpu.dma_semaphore, #tpu.memory_space<semaphore_mem>>) src(%dma_wait3A_296 : memref<125x32xf32, #tpu.memory_space<vmem>>) dst(%dma_wait3A_302 : memref<10240x32xf32, #tpu.memory_space<vmem_shared>>)
        %add3A_303 = arith.constant 4 : i32
        %add3A_304 = arith.addi %add3A_291, %add3A_303 : i32
        %dma_start3A_305 = arith.constant 2 : i32
        %dma_start3A_306 = arith.constant 0 : i32
        %dma_start3A_307 = arith.constant 0 : i32
        %dma_start3A_308 = tpu.memref_slice %arg8[%dma_start3A_305, %dma_start3A_306, %dma_start3A_307] : memref<4x125x32xf32, #tpu.memory_space<vmem>> -> memref<1x125x32xf32, #tpu.memory_space<vmem>>
        %dma_start3A_309 = tpu.memref_squeeze %dma_start3A_308 : memref<1x125x32xf32, #tpu.memory_space<vmem>> -> memref<125x32xf32, #tpu.memory_space<vmem>>
        %dma_start3A_310 = arith.constant 0 : i32
        %dma_start3A_311 = tpu.memref_slice %arg6[%add3A_304, %dma_start3A_310] : memref<160x125xi32, #tpu.memory_space<vmem>> -> memref<1x125xi32, #tpu.memory_space<vmem>>
        %dma_start3A_312 = tpu.memref_squeeze %dma_start3A_311 : memref<1x125xi32, #tpu.memory_space<vmem>> -> memref<125xi32, #tpu.memory_space<vmem>>
        %dma_start3A_313 = arith.constant 0 : i32
        %dma_start3A_314 = arith.constant 0 : i32
        %dma_start3A_315 = tpu.memref_slice %arg10[%dma_start3A_313, %dma_start3A_314] : memref<10240x32xf32, #tpu.memory_space<vmem_shared>> -> memref<10240x32xf32, #tpu.memory_space<vmem_shared>>
        tpu.enqueue_indirect_dma source(%dma_start3A_315 : memref<10240x32xf32, #tpu.memory_space<vmem_shared>>) target(%dma_start3A_309 : memref<125x32xf32, #tpu.memory_space<vmem>>) offsets(%dma_start3A_312 : memref<125xi32, #tpu.memory_space<vmem>>) semaphore(%arg14 : memref<!tpu.dma_semaphore, #tpu.memory_space<semaphore_mem>>)
        %add3A_316 = arith.constant 3 : i32
        %add3A_317 = arith.addi %mul3A_139, %add3A_316 : i32
        %dma_wait3A_318 = arith.constant 3 : i32
        %dma_wait3A_319 = arith.constant 0 : i32
        %dma_wait3A_320 = arith.constant 0 : i32
        %dma_wait3A_321 = tpu.memref_slice %arg8[%dma_wait3A_318, %dma_wait3A_319, %dma_wait3A_320] : memref<4x125x32xf32, #tpu.memory_space<vmem>> -> memref<1x125x32xf32, #tpu.memory_space<vmem>>
        %dma_wait3A_322 = tpu.memref_squeeze %dma_wait3A_321 : memref<1x125x32xf32, #tpu.memory_space<vmem>> -> memref<125x32xf32, #tpu.memory_space<vmem>>
        %dma_wait3A_323 = arith.constant 0 : i32
        %dma_wait3A_324 = tpu.memref_slice %arg7[%add3A_317, %dma_wait3A_323] : memref<160x125xi32, #tpu.memory_space<vmem>> -> memref<1x125xi32, #tpu.memory_space<vmem>>
        %dma_wait3A_325 = tpu.memref_squeeze %dma_wait3A_324 : memref<1x125xi32, #tpu.memory_space<vmem>> -> memref<125xi32, #tpu.memory_space<vmem>>
        %dma_wait3A_326 = arith.constant 0 : i32
        %dma_wait3A_327 = arith.constant 0 : i32
        %dma_wait3A_328 = tpu.memref_slice %arg11[%dma_wait3A_326, %dma_wait3A_327] : memref<10240x32xf32, #tpu.memory_space<vmem_shared>> -> memref<10240x32xf32, #tpu.memory_space<vmem_shared>>
        tpu.wait_indirect_dma semaphore(%arg19 : memref<!tpu.dma_semaphore, #tpu.memory_space<semaphore_mem>>) src(%dma_wait3A_322 : memref<125x32xf32, #tpu.memory_space<vmem>>) dst(%dma_wait3A_328 : memref<10240x32xf32, #tpu.memory_space<vmem_shared>>)
        %add3A_329 = arith.constant 4 : i32
        %add3A_330 = arith.addi %add3A_317, %add3A_329 : i32
        %dma_start3A_331 = arith.constant 3 : i32
        %dma_start3A_332 = arith.constant 0 : i32
        %dma_start3A_333 = arith.constant 0 : i32
        %dma_start3A_334 = tpu.memref_slice %arg8[%dma_start3A_331, %dma_start3A_332, %dma_start3A_333] : memref<4x125x32xf32, #tpu.memory_space<vmem>> -> memref<1x125x32xf32, #tpu.memory_space<vmem>>
        %dma_start3A_335 = tpu.memref_squeeze %dma_start3A_334 : memref<1x125x32xf32, #tpu.memory_space<vmem>> -> memref<125x32xf32, #tpu.memory_space<vmem>>
        %dma_start3A_336 = arith.constant 0 : i32
        %dma_start3A_337 = tpu.memref_slice %arg6[%add3A_330, %dma_start3A_336] : memref<160x125xi32, #tpu.memory_space<vmem>> -> memref<1x125xi32, #tpu.memory_space<vmem>>
        %dma_start3A_338 = tpu.memref_squeeze %dma_start3A_337 : memref<1x125xi32, #tpu.memory_space<vmem>> -> memref<125xi32, #tpu.memory_space<vmem>>
        %dma_start3A_339 = arith.constant 0 : i32
        %dma_start3A_340 = arith.constant 0 : i32
        %dma_start3A_341 = tpu.memref_slice %arg10[%dma_start3A_339, %dma_start3A_340] : memref<10240x32xf32, #tpu.memory_space<vmem_shared>> -> memref<10240x32xf32, #tpu.memory_space<vmem_shared>>
        tpu.enqueue_indirect_dma source(%dma_start3A_341 : memref<10240x32xf32, #tpu.memory_space<vmem_shared>>) target(%dma_start3A_335 : memref<125x32xf32, #tpu.memory_space<vmem>>) offsets(%dma_start3A_338 : memref<125xi32, #tpu.memory_space<vmem>>) semaphore(%arg15 : memref<!tpu.dma_semaphore, #tpu.memory_space<semaphore_mem>>)
      } else {
      }
    }
    %scan3A_84 = arith.constant 40 : i32
    %dma_wait3A = arith.constant 0 : i32
    %dma_wait3A_85 = arith.constant 156 : i32
    %dma_wait3A_86 = arith.constant 0 : i32
    %dma_wait3A_87 = arith.constant 0 : i32
    %dma_wait3A_88 = tpu.memref_slice %arg8[%dma_wait3A, %dma_wait3A_86, %dma_wait3A_87] : memref<4x125x32xf32, #tpu.memory_space<vmem>> -> memref<1x125x32xf32, #tpu.memory_space<vmem>>
    %dma_wait3A_89 = tpu.memref_squeeze %dma_wait3A_88 : memref<1x125x32xf32, #tpu.memory_space<vmem>> -> memref<125x32xf32, #tpu.memory_space<vmem>>
    %dma_wait3A_90 = arith.constant 0 : i32
    %dma_wait3A_91 = tpu.memref_slice %arg7[%dma_wait3A_85, %dma_wait3A_90] : memref<160x125xi32, #tpu.memory_space<vmem>> -> memref<1x125xi32, #tpu.memory_space<vmem>>
    %dma_wait3A_92 = tpu.memref_squeeze %dma_wait3A_91 : memref<1x125xi32, #tpu.memory_space<vmem>> -> memref<125xi32, #tpu.memory_space<vmem>>
    %dma_wait3A_93 = arith.constant 0 : i32
    %dma_wait3A_94 = arith.constant 0 : i32
    %dma_wait3A_95 = tpu.memref_slice %arg11[%dma_wait3A_93, %dma_wait3A_94] : memref<10240x32xf32, #tpu.memory_space<vmem_shared>> -> memref<10240x32xf32, #tpu.memory_space<vmem_shared>>
    tpu.wait_indirect_dma semaphore(%arg16 : memref<!tpu.dma_semaphore, #tpu.memory_space<semaphore_mem>>) src(%dma_wait3A_89 : memref<125x32xf32, #tpu.memory_space<vmem>>) dst(%dma_wait3A_95 : memref<10240x32xf32, #tpu.memory_space<vmem_shared>>)
    %dma_wait3A_96 = arith.constant 1 : i32
    %dma_wait3A_97 = arith.constant 157 : i32
    %dma_wait3A_98 = arith.constant 0 : i32
    %dma_wait3A_99 = arith.constant 0 : i32
    %dma_wait3A_100 = tpu.memref_slice %arg8[%dma_wait3A_96, %dma_wait3A_98, %dma_wait3A_99] : memref<4x125x32xf32, #tpu.memory_space<vmem>> -> memref<1x125x32xf32, #tpu.memory_space<vmem>>
    %dma_wait3A_101 = tpu.memref_squeeze %dma_wait3A_100 : memref<1x125x32xf32, #tpu.memory_space<vmem>> -> memref<125x32xf32, #tpu.memory_space<vmem>>
    %dma_wait3A_102 = arith.constant 0 : i32
    %dma_wait3A_103 = tpu.memref_slice %arg7[%dma_wait3A_97, %dma_wait3A_102] : memref<160x125xi32, #tpu.memory_space<vmem>> -> memref<1x125xi32, #tpu.memory_space<vmem>>
    %dma_wait3A_104 = tpu.memref_squeeze %dma_wait3A_103 : memref<1x125xi32, #tpu.memory_space<vmem>> -> memref<125xi32, #tpu.memory_space<vmem>>
    %dma_wait3A_105 = arith.constant 0 : i32
    %dma_wait3A_106 = arith.constant 0 : i32
    %dma_wait3A_107 = tpu.memref_slice %arg11[%dma_wait3A_105, %dma_wait3A_106] : memref<10240x32xf32, #tpu.memory_space<vmem_shared>> -> memref<10240x32xf32, #tpu.memory_space<vmem_shared>>
    tpu.wait_indirect_dma semaphore(%arg17 : memref<!tpu.dma_semaphore, #tpu.memory_space<semaphore_mem>>) src(%dma_wait3A_101 : memref<125x32xf32, #tpu.memory_space<vmem>>) dst(%dma_wait3A_107 : memref<10240x32xf32, #tpu.memory_space<vmem_shared>>)
    %dma_wait3A_108 = arith.constant 2 : i32
    %dma_wait3A_109 = arith.constant 158 : i32
    %dma_wait3A_110 = arith.constant 0 : i32
    %dma_wait3A_111 = arith.constant 0 : i32
    %dma_wait3A_112 = tpu.memref_slice %arg8[%dma_wait3A_108, %dma_wait3A_110, %dma_wait3A_111] : memref<4x125x32xf32, #tpu.memory_space<vmem>> -> memref<1x125x32xf32, #tpu.memory_space<vmem>>
    %dma_wait3A_113 = tpu.memref_squeeze %dma_wait3A_112 : memref<1x125x32xf32, #tpu.memory_space<vmem>> -> memref<125x32xf32, #tpu.memory_space<vmem>>
    %dma_wait3A_114 = arith.constant 0 : i32
    %dma_wait3A_115 = tpu.memref_slice %arg7[%dma_wait3A_109, %dma_wait3A_114] : memref<160x125xi32, #tpu.memory_space<vmem>> -> memref<1x125xi32, #tpu.memory_space<vmem>>
    %dma_wait3A_116 = tpu.memref_squeeze %dma_wait3A_115 : memref<1x125xi32, #tpu.memory_space<vmem>> -> memref<125xi32, #tpu.memory_space<vmem>>
    %dma_wait3A_117 = arith.constant 0 : i32
    %dma_wait3A_118 = arith.constant 0 : i32
    %dma_wait3A_119 = tpu.memref_slice %arg11[%dma_wait3A_117, %dma_wait3A_118] : memref<10240x32xf32, #tpu.memory_space<vmem_shared>> -> memref<10240x32xf32, #tpu.memory_space<vmem_shared>>
    tpu.wait_indirect_dma semaphore(%arg18 : memref<!tpu.dma_semaphore, #tpu.memory_space<semaphore_mem>>) src(%dma_wait3A_113 : memref<125x32xf32, #tpu.memory_space<vmem>>) dst(%dma_wait3A_119 : memref<10240x32xf32, #tpu.memory_space<vmem_shared>>)
    %dma_wait3A_120 = arith.constant 3 : i32
    %dma_wait3A_121 = arith.constant 159 : i32
    %dma_wait3A_122 = arith.constant 0 : i32
    %dma_wait3A_123 = arith.constant 0 : i32
    %dma_wait3A_124 = tpu.memref_slice %arg8[%dma_wait3A_120, %dma_wait3A_122, %dma_wait3A_123] : memref<4x125x32xf32, #tpu.memory_space<vmem>> -> memref<1x125x32xf32, #tpu.memory_space<vmem>>
    %dma_wait3A_125 = tpu.memref_squeeze %dma_wait3A_124 : memref<1x125x32xf32, #tpu.memory_space<vmem>> -> memref<125x32xf32, #tpu.memory_space<vmem>>
    %dma_wait3A_126 = arith.constant 0 : i32
    %dma_wait3A_127 = tpu.memref_slice %arg7[%dma_wait3A_121, %dma_wait3A_126] : memref<160x125xi32, #tpu.memory_space<vmem>> -> memref<1x125xi32, #tpu.memory_space<vmem>>
    %dma_wait3A_128 = tpu.memref_squeeze %dma_wait3A_127 : memref<1x125xi32, #tpu.memory_space<vmem>> -> memref<125xi32, #tpu.memory_space<vmem>>
    %dma_wait3A_129 = arith.constant 0 : i32
    %dma_wait3A_130 = arith.constant 0 : i32
    %dma_wait3A_131 = tpu.memref_slice %arg11[%dma_wait3A_129, %dma_wait3A_130] : memref<10240x32xf32, #tpu.memory_space<vmem_shared>> -> memref<10240x32xf32, #tpu.memory_space<vmem_shared>>
    tpu.wait_indirect_dma semaphore(%arg19 : memref<!tpu.dma_semaphore, #tpu.memory_space<semaphore_mem>>) src(%dma_wait3A_125 : memref<125x32xf32, #tpu.memory_space<vmem>>) dst(%dma_wait3A_131 : memref<10240x32xf32, #tpu.memory_space<vmem_shared>>)
    %barrier3A_132 = arith.constant 0 : index
    tpu.barrier barrier_id(%barrier3A_132)
    %mul3A_133 = arith.constant 640 : i32
    %mul3A_134 = arith.muli %arg1, %mul3A_133 : i32
    %mul3A_135 = arith.constant 640 : i32
    %mul3A_136 = arith.muli %arg1, %mul3A_135 : i32
    "tpu.region"() ({
      %run_scoped3A = tpu.sem_alloc : memref<!tpu.dma_semaphore, #tpu.memory_space<semaphore_mem>>
      %dma_start3A_137 = arith.constant 0 : i32
      %dma_start3A_138 = tpu.memref_slice %arg5[%arg0, %mul3A_136, %dma_start3A_137] : memref<2x10240x32xf32, #tpu.memory_space<hbm>> -> memref<1x640x32xf32, #tpu.memory_space<hbm>>
      %dma_start3A_139 = tpu.memref_squeeze %dma_start3A_138 : memref<1x640x32xf32, #tpu.memory_space<hbm>> -> memref<640x32xf32, #tpu.memory_space<hbm>>
      %dma_start3A_140 = arith.constant 0 : i32
      %dma_start3A_141 = tpu.memref_slice %arg11[%mul3A_134, %dma_start3A_140] : memref<10240x32xf32, #tpu.memory_space<vmem_shared>> -> memref<640x32xf32, #tpu.memory_space<vmem_shared>>
      tpu.enqueue_dma source(%dma_start3A_141 : memref<640x32xf32, #tpu.memory_space<vmem_shared>>) target(%dma_start3A_139 : memref<640x32xf32, #tpu.memory_space<hbm>>) target_semaphore(%run_scoped3A : memref<!tpu.dma_semaphore, #tpu.memory_space<semaphore_mem>>)
      %dma_wait3A_142 = arith.constant 0 : i32
      %dma_wait3A_143 = tpu.memref_slice %arg5[%arg0, %mul3A_136, %dma_wait3A_142] : memref<2x10240x32xf32, #tpu.memory_space<hbm>> -> memref<1x640x32xf32, #tpu.memory_space<hbm>>
      %dma_wait3A_144 = tpu.memref_squeeze %dma_wait3A_143 : memref<1x640x32xf32, #tpu.memory_space<hbm>> -> memref<640x32xf32, #tpu.memory_space<hbm>>
      %dma_wait3A_145 = arith.constant 0 : i32
      %dma_wait3A_146 = tpu.memref_slice %arg11[%mul3A_134, %dma_wait3A_145] : memref<10240x32xf32, #tpu.memory_space<vmem_shared>> -> memref<640x32xf32, #tpu.memory_space<vmem_shared>>
      tpu.wait_dma2 semaphore(%run_scoped3A : memref<!tpu.dma_semaphore, #tpu.memory_space<semaphore_mem>>) src(%dma_wait3A_146 : memref<640x32xf32, #tpu.memory_space<vmem_shared>>) dst(%dma_wait3A_144 : memref<640x32xf32, #tpu.memory_space<hbm>>)
      tpu.yield
    }) : () -> ()
    return
  }
}

module attributes {stable_mosaic.version = 14 : i64} {
  func.func @_proj_body(%arg0: i32, %arg1: memref<2x640x16xf32, #tpu.memory_space<vmem>>, %arg2: memref<640x128xf32, #tpu.memory_space<vmem>>, %arg3: memref<64x128xf32, #tpu.memory_space<vmem>>, %arg4: memref<2x640x32xf32, #tpu.memory_space<vmem>>) attributes {dimension_semantics = [#tpu.dimension_semantics<arbitrary>], iteration_bounds = array<i64: 16>, scalar_prefetch = 0 : i64, scratch_operands = 0 : i64, tpu.core_type = #tpu.core_type<tc>, window_params = [{transform_indices = @transform_0, window_bounds = array<i64: 2, 640, 16>}, {transform_indices = @transform_1, window_bounds = array<i64: 640, 128>}, {pipeline_mode = #tpu.pipeline_mode<synchronous>, transform_indices = @transform_2, window_bounds = array<i64: 64, 128>}, {transform_indices = @transform_3, window_bounds = array<i64: 2, 640, 32>}]} {
    %get3A = arith.constant 0 : index
    %get3A_0 = arith.constant 0 : index
    %get3A_1 = arith.constant 0 : index
    %get3A_2 = vector.load %arg1[%get3A, %get3A_0, %get3A_1] : memref<2x640x16xf32, #tpu.memory_space<vmem>>, vector<1x640x1xf32>
    %get3A_3 = vector.shape_cast %get3A_2 : vector<1x640x1xf32> to vector<640x1xf32>
    %get3A_4 = arith.constant 1 : index
    %get3A_5 = arith.constant 0 : index
    %get3A_6 = arith.constant 0 : index
    %get3A_7 = vector.load %arg1[%get3A_4, %get3A_5, %get3A_6] : memref<2x640x16xf32, #tpu.memory_space<vmem>>, vector<1x640x1xf32>
    %get3A_8 = vector.shape_cast %get3A_7 : vector<1x640x1xf32> to vector<640x1xf32>
    %add3A = arith.addf %get3A_3, %get3A_8 : vector<640x1xf32>
    %add3A_9 = arith.constant 1.000000e+00 : f32
    %add3A_10 = vector.broadcast %add3A_9 : f32 to vector<640x1xf32>
    %add3A_11 = arith.addf %add3A, %add3A_10 : vector<640x1xf32>
    %rsqrt3A = math.rsqrt %add3A_11 : vector<640x1xf32>
    %get3A_12 = arith.constant 0 : index
    %get3A_13 = arith.constant 0 : index
    %get3A_14 = vector.load %arg2[%get3A_12, %get3A_13] : memref<640x128xf32, #tpu.memory_space<vmem>>, vector<640x128xf32>
    %get3A_15 = arith.constant 0 : index
    %get3A_16 = arith.constant 0 : index
    %get3A_17 = vector.load %arg3[%get3A_15, %get3A_16] : memref<64x128xf32, #tpu.memory_space<vmem>>, vector<64x128xf32>
    %dot_general3A = arith.constant dense<0.000000e+00> : vector<640x64xf32>
    %dot_general3A_18 = tpu.matmul %get3A_14, %get3A_17, %dot_general3A {dimension_numbers = #tpu.dot_dimension_numbers<[1], [1], [0], [0], [0, 0, 1, 0], [], []>, transpose_lhs_hint = false} : vector<640x128xf32>, vector<64x128xf32>, vector<640x64xf32> -> vector<640x64xf32>
    %mul3A = vector.broadcast %rsqrt3A : vector<640x1xf32> to vector<640x64xf32>
    %mul3A_19 = arith.mulf %mul3A, %dot_general3A_18 : vector<640x64xf32>
    %slice3A = vector.extract_strided_slice %mul3A_19 {offsets = [0, 0], sizes = [640, 32], strides = [1, 1]} : vector<640x64xf32> to vector<640x32xf32>
    %swap3A = arith.constant 0 : index
    %swap3A_20 = arith.constant 0 : index
    %swap3A_21 = arith.constant 0 : index
    %swap3A_22 = vector.load %arg4[%swap3A, %swap3A_20, %swap3A_21] : memref<2x640x32xf32, #tpu.memory_space<vmem>>, vector<1x640x32xf32>
    %swap3A_23 = vector.shape_cast %swap3A_22 : vector<1x640x32xf32> to vector<640x32xf32>
    %swap3A_24 = vector.shape_cast %slice3A : vector<640x32xf32> to vector<1x640x32xf32>
    tpu.vector_store %arg4[%swap3A, %swap3A_20, %swap3A_21], %swap3A_24 {strides = array<i32>} : memref<2x640x32xf32, #tpu.memory_space<vmem>>, vector<1x640x32xf32>,
    %slice3A_25 = vector.extract_strided_slice %mul3A_19 {offsets = [0, 32], sizes = [640, 32], strides = [1, 1]} : vector<640x64xf32> to vector<640x32xf32>
    %swap3A_26 = arith.constant 1 : index
    %swap3A_27 = arith.constant 0 : index
    %swap3A_28 = arith.constant 0 : index
    %swap3A_29 = vector.load %arg4[%swap3A_26, %swap3A_27, %swap3A_28] : memref<2x640x32xf32, #tpu.memory_space<vmem>>, vector<1x640x32xf32>
    %swap3A_30 = vector.shape_cast %swap3A_29 : vector<1x640x32xf32> to vector<640x32xf32>
    %swap3A_31 = vector.shape_cast %slice3A_25 : vector<640x32xf32> to vector<1x640x32xf32>
    tpu.vector_store %arg4[%swap3A_26, %swap3A_27, %swap3A_28], %swap3A_31 {strides = array<i32>} : memref<2x640x32xf32, #tpu.memory_space<vmem>>, vector<1x640x32xf32>,
    return
  }
  func.func @transform_0(%arg0: i32) -> (i32, i32, i32) {
    %c0_i32 = arith.constant 0 : i32
    %c0_i32_0 = arith.constant 0 : i32
    %c0_i32_1 = arith.constant 0 : i32
    return %c0_i32, %arg0, %c0_i32_0 : i32, i32, i32
  }
  func.func @transform_1(%arg0: i32) -> (i32, i32) {
    %c0_i32 = arith.constant 0 : i32
    %c0_i32_0 = arith.constant 0 : i32
    return %arg0, %c0_i32 : i32, i32
  }
  func.func @transform_2(%arg0: i32) -> (i32, i32) {
    %c0_i32 = arith.constant 0 : i32
    %c0_i32_0 = arith.constant 0 : i32
    %c0_i32_1 = arith.constant 0 : i32
    return %c0_i32, %c0_i32_0 : i32, i32
  }
  func.func @transform_3(%arg0: i32) -> (i32, i32, i32) {
    %c0_i32 = arith.constant 0 : i32
    %c0_i32_0 = arith.constant 0 : i32
    %c0_i32_1 = arith.constant 0 : i32
    return %c0_i32, %arg0, %c0_i32_0 : i32, i32, i32
  }
}

module attributes {stable_mosaic.version = 14 : i64} {
  func.func @_mid_body(%arg0: i32, %arg1: memref<2x640x16xf32, #tpu.memory_space<vmem>>, %arg2: memref<2x640x32xf32, #tpu.memory_space<vmem>>, %arg3: memref<2x640x32xf32, #tpu.memory_space<vmem>>, %arg4: memref<2x640x32xf32, #tpu.memory_space<vmem>>) attributes {dimension_semantics = [#tpu.dimension_semantics<arbitrary>], iteration_bounds = array<i64: 16>, scalar_prefetch = 0 : i64, scratch_operands = 0 : i64, tpu.core_type = #tpu.core_type<tc>, window_params = [{transform_indices = @transform_0, window_bounds = array<i64: 2, 640, 16>}, {transform_indices = @transform_1, window_bounds = array<i64: 2, 640, 32>}, {transform_indices = @transform_2, window_bounds = array<i64: 2, 640, 32>}, {transform_indices = @transform_3, window_bounds = array<i64: 2, 640, 32>}]} {
    %get3A = arith.constant 0 : index
    %get3A_0 = arith.constant 0 : index
    %get3A_1 = arith.constant 0 : index
    %get3A_2 = vector.load %arg1[%get3A, %get3A_0, %get3A_1] : memref<2x640x16xf32, #tpu.memory_space<vmem>>, vector<1x640x1xf32>
    %get3A_3 = vector.shape_cast %get3A_2 : vector<1x640x1xf32> to vector<640x1xf32>
    %get3A_4 = arith.constant 1 : index
    %get3A_5 = arith.constant 0 : index
    %get3A_6 = arith.constant 0 : index
    %get3A_7 = vector.load %arg1[%get3A_4, %get3A_5, %get3A_6] : memref<2x640x16xf32, #tpu.memory_space<vmem>>, vector<1x640x1xf32>
    %get3A_8 = vector.shape_cast %get3A_7 : vector<1x640x1xf32> to vector<640x1xf32>
    %add3A = arith.addf %get3A_3, %get3A_8 : vector<640x1xf32>
    %add3A_9 = arith.constant 1.000000e+00 : f32
    %add3A_10 = vector.broadcast %add3A_9 : f32 to vector<640x1xf32>
    %add3A_11 = arith.addf %add3A, %add3A_10 : vector<640x1xf32>
    %get3A_12 = arith.constant 0 : index
    %get3A_13 = arith.constant 0 : index
    %get3A_14 = arith.constant 0 : index
    %get3A_15 = vector.load %arg2[%get3A_12, %get3A_13, %get3A_14] : memref<2x640x32xf32, #tpu.memory_space<vmem>>, vector<2x640x32xf32>
    %get3A_16 = arith.constant 0 : index
    %get3A_17 = arith.constant 0 : index
    %get3A_18 = arith.constant 0 : index
    %get3A_19 = vector.load %arg3[%get3A_16, %get3A_17, %get3A_18] : memref<2x640x32xf32, #tpu.memory_space<vmem>>, vector<2x640x32xf32>
    %add3A_20 = arith.addf %get3A_15, %get3A_19 : vector<2x640x32xf32>
    %broadcast_in_dim3A = vector.shape_cast %add3A_11 : vector<640x1xf32> to vector<1x640x1xf32>
    %div3A = vector.broadcast %broadcast_in_dim3A : vector<1x640x1xf32> to vector<2x640x32xf32>
    %div3A_21 = arith.divf %add3A_20, %div3A : vector<2x640x32xf32>
    %swap3A = arith.constant 0 : index
    %swap3A_22 = arith.constant 0 : index
    %swap3A_23 = arith.constant 0 : index
    %swap3A_24 = vector.load %arg4[%swap3A, %swap3A_22, %swap3A_23] : memref<2x640x32xf32, #tpu.memory_space<vmem>>, vector<2x640x32xf32>
    tpu.vector_store %arg4[%swap3A, %swap3A_22, %swap3A_23], %div3A_21 {strides = array<i32>} : memref<2x640x32xf32, #tpu.memory_space<vmem>>, vector<2x640x32xf32>,
    return
  }
  func.func @transform_0(%arg0: i32) -> (i32, i32, i32) {
    %c0_i32 = arith.constant 0 : i32
    %c0_i32_0 = arith.constant 0 : i32
    %c0_i32_1 = arith.constant 0 : i32
    return %c0_i32, %arg0, %c0_i32_0 : i32, i32, i32
  }
  func.func @transform_1(%arg0: i32) -> (i32, i32, i32) {
    %c0_i32 = arith.constant 0 : i32
    %c0_i32_0 = arith.constant 0 : i32
    %c0_i32_1 = arith.constant 0 : i32
    return %c0_i32, %arg0, %c0_i32_0 : i32, i32, i32
  }
  func.func @transform_2(%arg0: i32) -> (i32, i32, i32) {
    %c0_i32 = arith.constant 0 : i32
    %c0_i32_0 = arith.constant 0 : i32
    %c0_i32_1 = arith.constant 0 : i32
    return %c0_i32, %arg0, %c0_i32_0 : i32, i32, i32
  }
  func.func @transform_3(%arg0: i32) -> (i32, i32, i32) {
    %c0_i32 = arith.constant 0 : i32
    %c0_i32_0 = arith.constant 0 : i32
    %c0_i32_1 = arith.constant 0 : i32
    return %c0_i32, %arg0, %c0_i32_0 : i32, i32, i32
  }
}

module attributes {stable_mosaic.version = 14 : i64} {
  func.func @_final_body(%arg0: i32, %arg1: memref<2x640x16xf32, #tpu.memory_space<vmem>>, %arg2: memref<2x640x32xf32, #tpu.memory_space<vmem>>, %arg3: memref<2x640x32xf32, #tpu.memory_space<vmem>>, %arg4: memref<1x64xf32, #tpu.memory_space<vmem>>, %arg5: memref<640x64xf32, #tpu.memory_space<vmem>>) attributes {dimension_semantics = [#tpu.dimension_semantics<arbitrary>], iteration_bounds = array<i64: 16>, scalar_prefetch = 0 : i64, scratch_operands = 0 : i64, tpu.core_type = #tpu.core_type<tc>, window_params = [{transform_indices = @transform_0, window_bounds = array<i64: 2, 640, 16>}, {transform_indices = @transform_1, window_bounds = array<i64: 2, 640, 32>}, {transform_indices = @transform_2, window_bounds = array<i64: 2, 640, 32>}, {pipeline_mode = #tpu.pipeline_mode<synchronous>, transform_indices = @transform_3, window_bounds = array<i64: 1, 64>}, {transform_indices = @transform_4, window_bounds = array<i64: 640, 64>}]} {
    %get3A = arith.constant 0 : index
    %get3A_0 = arith.constant 0 : index
    %get3A_1 = arith.constant 0 : index
    %get3A_2 = vector.load %arg1[%get3A, %get3A_0, %get3A_1] : memref<2x640x16xf32, #tpu.memory_space<vmem>>, vector<1x640x1xf32>
    %get3A_3 = vector.shape_cast %get3A_2 : vector<1x640x1xf32> to vector<640x1xf32>
    %get3A_4 = arith.constant 1 : index
    %get3A_5 = arith.constant 0 : index
    %get3A_6 = arith.constant 0 : index
    %get3A_7 = vector.load %arg1[%get3A_4, %get3A_5, %get3A_6] : memref<2x640x16xf32, #tpu.memory_space<vmem>>, vector<1x640x1xf32>
    %get3A_8 = vector.shape_cast %get3A_7 : vector<1x640x1xf32> to vector<640x1xf32>
    %add3A = arith.addf %get3A_3, %get3A_8 : vector<640x1xf32>
    %add3A_9 = arith.constant 1.000000e+00 : f32
    %add3A_10 = vector.broadcast %add3A_9 : f32 to vector<640x1xf32>
    %add3A_11 = arith.addf %add3A, %add3A_10 : vector<640x1xf32>
    %rsqrt3A = math.rsqrt %add3A_11 : vector<640x1xf32>
    %get3A_12 = arith.constant 0 : index
    %get3A_13 = arith.constant 0 : index
    %get3A_14 = arith.constant 0 : index
    %get3A_15 = vector.load %arg2[%get3A_12, %get3A_13, %get3A_14] : memref<2x640x32xf32, #tpu.memory_space<vmem>>, vector<1x640x32xf32>
    %get3A_16 = vector.shape_cast %get3A_15 : vector<1x640x32xf32> to vector<640x32xf32>
    %get3A_17 = arith.constant 0 : index
    %get3A_18 = arith.constant 0 : index
    %get3A_19 = arith.constant 0 : index
    %get3A_20 = vector.load %arg3[%get3A_17, %get3A_18, %get3A_19] : memref<2x640x32xf32, #tpu.memory_space<vmem>>, vector<1x640x32xf32>
    %get3A_21 = vector.shape_cast %get3A_20 : vector<1x640x32xf32> to vector<640x32xf32>
    %add3A_22 = arith.addf %get3A_16, %get3A_21 : vector<640x32xf32>
    %mul3A = vector.broadcast %rsqrt3A : vector<640x1xf32> to vector<640x32xf32>
    %mul3A_23 = arith.mulf %add3A_22, %mul3A : vector<640x32xf32>
    %get3A_24 = arith.constant 0 : index
    %get3A_25 = arith.constant 0 : index
    %get3A_26 = vector.load %arg4[%get3A_24, %get3A_25] : memref<1x64xf32, #tpu.memory_space<vmem>>, vector<1x32xf32>
    %add3A_27 = vector.broadcast %get3A_26 : vector<1x32xf32> to vector<640x32xf32>
    %add3A_28 = arith.addf %mul3A_23, %add3A_27 : vector<640x32xf32>
    %get3A_29 = arith.constant 1 : index
    %get3A_30 = arith.constant 0 : index
    %get3A_31 = arith.constant 0 : index
    %get3A_32 = vector.load %arg2[%get3A_29, %get3A_30, %get3A_31] : memref<2x640x32xf32, #tpu.memory_space<vmem>>, vector<1x640x32xf32>
    %get3A_33 = vector.shape_cast %get3A_32 : vector<1x640x32xf32> to vector<640x32xf32>
    %get3A_34 = arith.constant 1 : index
    %get3A_35 = arith.constant 0 : index
    %get3A_36 = arith.constant 0 : index
    %get3A_37 = vector.load %arg3[%get3A_34, %get3A_35, %get3A_36] : memref<2x640x32xf32, #tpu.memory_space<vmem>>, vector<1x640x32xf32>
    %get3A_38 = vector.shape_cast %get3A_37 : vector<1x640x32xf32> to vector<640x32xf32>
    %add3A_39 = arith.addf %get3A_33, %get3A_38 : vector<640x32xf32>
    %mul3A_40 = vector.broadcast %rsqrt3A : vector<640x1xf32> to vector<640x32xf32>
    %mul3A_41 = arith.mulf %add3A_39, %mul3A_40 : vector<640x32xf32>
    %get3A_42 = arith.constant 0 : index
    %get3A_43 = arith.constant 32 : index
    %get3A_44 = vector.load %arg4[%get3A_42, %get3A_43] : memref<1x64xf32, #tpu.memory_space<vmem>>, vector<1x32xf32>
    %add3A_45 = vector.broadcast %get3A_44 : vector<1x32xf32> to vector<640x32xf32>
    %add3A_46 = arith.addf %mul3A_41, %add3A_45 : vector<640x32xf32>
    %concatenate3A = tpu.concatenate %add3A_28, %add3A_46 in 1 : vector<640x32xf32>, vector<640x32xf32> -> vector<640x64xf32>
    %reduce_max3A = arith.constant dense<0xFF800000> : vector<640xf32>
    %reduce_max3A_47 = vector.multi_reduction <maximumf>, %concatenate3A, %reduce_max3A [1] : vector<640x64xf32> to vector<640xf32>
    %broadcast_in_dim3A = vector.shape_cast %reduce_max3A_47 : vector<640xf32> to vector<640x1xf32>
    %sub3A = vector.broadcast %broadcast_in_dim3A : vector<640x1xf32> to vector<640x64xf32>
    %sub3A_48 = arith.subf %concatenate3A, %sub3A : vector<640x64xf32>
    %exp3A = math.exp %sub3A_48 : vector<640x64xf32>
    %reduce_sum3A = arith.constant dense<0.000000e+00> : vector<640xf32>
    %reduce_sum3A_49 = vector.multi_reduction <add>, %exp3A, %reduce_sum3A [1] : vector<640x64xf32> to vector<640xf32>
    %broadcast_in_dim3A_50 = vector.shape_cast %reduce_sum3A_49 : vector<640xf32> to vector<640x1xf32>
    %log3A = math.log %broadcast_in_dim3A_50 : vector<640x1xf32>
    %sub3A_51 = vector.broadcast %log3A : vector<640x1xf32> to vector<640x64xf32>
    %sub3A_52 = arith.subf %sub3A_48, %sub3A_51 : vector<640x64xf32>
    %swap3A = arith.constant 0 : index
    %swap3A_53 = arith.constant 0 : index
    %swap3A_54 = vector.load %arg5[%swap3A, %swap3A_53] : memref<640x64xf32, #tpu.memory_space<vmem>>, vector<640x64xf32>
    tpu.vector_store %arg5[%swap3A, %swap3A_53], %sub3A_52 {strides = array<i32>} : memref<640x64xf32, #tpu.memory_space<vmem>>, vector<640x64xf32>,
    return
  }
  func.func @transform_0(%arg0: i32) -> (i32, i32, i32) {
    %c0_i32 = arith.constant 0 : i32
    %c0_i32_0 = arith.constant 0 : i32
    %c0_i32_1 = arith.constant 0 : i32
    return %c0_i32, %arg0, %c0_i32_0 : i32, i32, i32
  }
  func.func @transform_1(%arg0: i32) -> (i32, i32, i32) {
    %c0_i32 = arith.constant 0 : i32
    %c0_i32_0 = arith.constant 0 : i32
    %c0_i32_1 = arith.constant 0 : i32
    return %c0_i32, %arg0, %c0_i32_0 : i32, i32, i32
  }
  func.func @transform_2(%arg0: i32) -> (i32, i32, i32) {
    %c0_i32 = arith.constant 0 : i32
    %c0_i32_0 = arith.constant 0 : i32
    %c0_i32_1 = arith.constant 0 : i32
    return %c0_i32, %arg0, %c0_i32_0 : i32, i32, i32
  }
  func.func @transform_3(%arg0: i32) -> (i32, i32) {
    %c0_i32 = arith.constant 0 : i32
    %c0_i32_0 = arith.constant 0 : i32
    %c0_i32_1 = arith.constant 0 : i32
    return %c0_i32, %c0_i32_0 : i32, i32
  }
  func.func @transform_4(%arg0: i32) -> (i32, i32) {
    %c0_i32 = arith.constant 0 : i32
    %c0_i32_0 = arith.constant 0 : i32
    return %arg0, %c0_i32 : i32, i32
  }
}

</mosaic_0001>

<sc_bundles>
// kernel: kernel.11.cloned.1.call-start
scs
__scs_entry_jumppad:
0x0: {  	(pc) =	sbr.rel $0x88, $3  }
0x1: {  	(tag) =	ssettag $0x0;
	lr =	simm.s32 $0x1  }
0x2: {  	[smem:$0x3F9D] =	sst lr;
	_ =	strace $0xD0000000  }
0x3: {  	_ = 	snop  }
0x4: {  	_ = 	snop  }
0x5: {  	_ = 	snop  }
0x6: {  	_ = 	snop  }
0x7: {  	_ = 	snop  }
__scs_overlays_trampoline_lowered:
0x8: {  	[smem:$0x3FAC] =	sst s0  }
0x9: {  	[smem:$0x3FAD] =	sst s1  }
0xa: {  	[smem:$0x3FAE] =	sst s2  }
0xb: {  	[smem:$0x3FAF] =	sst s3  }
0xc: {  	[smem:$0x3FB0] =	sst s4  }
0xd: {  	[smem:$0x3FB1] =	sst s5  }
0xe: {  	[smem:$0x3FB2] =	sst s6  }
0xf: {  	[smem:$0x3FB3] =	sst s7  }
0x10: {  	[smem:$0x3FB4] =	sst s8  }
0x11: {  	[smem:$0x3FB5] =	sst s9;
	s0 =	simm.s32 @!p0 $0x0  }
0x12: {  	s1 =	sld [smem:$0x3F9B];
	s0 =	simm.s32 @p0 $0x1  }
0x13: {  	[smem:$0x3FB6] =	sst s0;
	s0 =	simm.s32 @!p1 $0x0  }
0x14: {  	s2 =	sld [smem:$0x3F9A];
	s0 =	simm.s32 @p1 $0x1  }
0x15: {  	[smem:$0x3FB7] =	sst s0;
	s0 =	simm.s32 @!p2 $0x0  }
0x16: {  	s3 =	sld [smem:$0x3FDB];
	s0 =	simm.s32 @p2 $0x1  }
0x17: {  	s4 =	simm.s32 $0x1BF5;
	[smem:$0x3FB9] =	sst s0  }
0x18: {  	s0 =	sld [smem:$0x3F9C];
	_ =	swait.ge [sflag:s4], $0x0  }
0x19: {  	s7 =	sld [smem:$0x3F9D]  }
0x1a: {  	s8 =	sadd.s32 $0xFFFFE003, lr  }
0x1b: {  	s9 =	sadd.s32 $0xFFFFFEF7, lr;
	s5 =	simm.s32 $0xFFFFFFFF;
	p2 =	slt.u32 s8, $0xFFFFF086  }
0x1c: {  	p1 =	slt.u32 s9, $0xF7A;
	s5 =	simm.s32 @!p2 $0x0  }
0x1d: {  	s5 =	simm.s32 @p1 $0x1;
	p0 =	seq.s32 s7, s2  }
0x1e: {  	s7 =	smul.u32 @!p0 $0xF7A, s2;
	p2 =	seq.s32 @!p0 s5, $0x0  }
0x1f: {  	s9 =	smul.u32 $0xF7A, s1;
	s8 =	simm.s32 @!p0 $0x1BF5;
	p2 =	por !p2, p0  }
0x20: {  	[sflag:s8] =	ssyncset.s32 @!p0 $0xFFFFF086;
	s6 =	sadd.s32 @!p0 s3, s7;
	s7 =	simm.s32 @!p0 $0x108  }
0x21: {  	s3 =	sadd.s32 s3, s9;
	s6 =	sadd.s32 @!p0 $0x88, s6;
	s7 =	simm.s32 @p2 $0x1082  }
0x22: {  	[simem:s7], [sflag:s8] =	dma.local @!p0 [hbm:s6], $0xF7A  }
0x23: {  	s9 =	sor.u32 $0xD0000000, s2;
	s6 =	simm.s32 $0x108;
	_ =	swait.ge @!p0 [sflag:s8], $0x0  }
0x24: {  	s3 =	sadd.s32 $0x88, s3;
	s6 =	simm.s32 @!p1 $0x1082;
	[sflag:s4] =	ssyncset.s32 $0xFFFFF086  }
0x25: {  	[simem:s6], [sflag:s4] =	dma.local [hbm:s3], $0xF7A  }
0x26: {  	[smem:$0x3F9D] =	sst s1;
	(tag) =	ssettag s2;
	_ =	strace s9  }
0x27: {  	s1 =	sld [smem:$0x3FAD]  }
0x28: {  	s2 =	sld [smem:$0x3FAE]  }
0x29: {  	s4 =	sld [smem:$0x3FB0]  }
0x2a: {  	p0 =	seq.s32 s5, $0x0;
	s5 =	sld [smem:$0x3FB1]  }
0x2b: {  	s6 =	sld [smem:$0x3FB2]  }
0x2c: {  	s7 =	sld [smem:$0x3FB3]  }
0x2d: {  	s3 =	simm.s32 $0x108;
	s8 =	sld [smem:$0x3FB4]  }
0x2e: {  	s3 =	simm.s32 @!p0 $0x1082;
	s9 =	sld [smem:$0x3FB5]  }
0x2f: {  	lr =	sadd.s32 s0, s3;
	s0 =	sld [smem:$0x3FAC]  }
0x30: {  	s3 =	sld [smem:$0x3FAF]  }
0x31: {  	[smem:$0x3FB8] =	sst s10  }
0x32: {  	s10 =	sld [smem:$0x3FB6];
	_ =	sdelay $0x3  }
0x33: {  	p0 =	seq.s32 s10, $0x1;
	s10 =	sld [smem:$0x3FB8];
	_ =	sdelay $0x3  }
0x34: {  	[smem:$0x3FB8] =	sst s10  }
0x35: {  	s10 =	sld [smem:$0x3FB7];
	_ =	sdelay $0x3  }
0x36: {  	p1 =	seq.s32 s10, $0x1;
	s10 =	sld [smem:$0x3FB8];
	_ =	sdelay $0x3  }
0x37: {  	[smem:$0x3FB8] =	sst s10  }
0x38: {  	s10 =	sld [smem:$0x3FB9]  }
0x39: {  	_ = 	snop;
	(pc) =	sbr.ind lr, $3  }
0x3a: {  	_ = 	snop  }
0x3b: {  	_ = 	snop  }
0x3c: {  	p2 =	seq.s32 s10, $0x1;
	s10 =	sld [smem:$0x3FB8]  }
0x3d: {  	_ =	shalt  }
0x3e: {  	_ =	shalt  }
0x3f: {  	_ =	shalt  }
0x40: {  	_ =	shalt  }
0x41: {  	_ =	shalt  }
0x42: {  	_ =	shalt  }
0x43: {  	_ =	shalt  }
0x44: {  	_ =	shalt  }
0x45: {  	_ =	shalt  }
0x46: {  	_ =	shalt  }
0x47: {  	_ =	shalt  }
0x48: {  	_ =	shalt  }
0x49: {  	_ =	shalt  }
0x4a: {  	_ =	shalt  }
0x4b: {  	_ =	shalt  }
0x4c: {  	_ =	shalt  }
0x4d: {  	_ =	shalt  }
0x4e: {  	_ =	shalt  }
0x4f: {  	_ =	shalt  }
0x50: {  	_ =	shalt  }
0x51: {  	_ =	shalt  }
0x52: {  	_ =	shalt  }
0x53: {  	_ =	shalt  }
0x54: {  	_ =	shalt  }
0x55: {  	_ =	shalt  }
0x56: {  	_ =	shalt  }
0x57: {  	_ =	shalt  }
0x58: {  	_ =	shalt  }
0x59: {  	_ =	shalt  }
0x5a: {  	_ =	shalt  }
0x5b: {  	_ =	shalt  }
0x5c: {  	_ =	shalt  }
0x5d: {  	_ =	shalt  }
0x5e: {  	_ =	shalt  }
0x5f: {  	_ =	shalt  }
0x60: {  	_ =	shalt  }
0x61: {  	_ =	shalt  }
0x62: {  	_ =	shalt  }
0x63: {  	_ =	shalt  }
0x64: {  	_ =	shalt  }
0x65: {  	_ =	shalt  }
0x66: {  	_ =	shalt  }
0x67: {  	_ =	shalt  }
0x68: {  	_ =	shalt  }
0x69: {  	_ =	shalt  }
0x6a: {  	_ =	shalt  }
0x6b: {  	_ =	shalt  }
0x6c: {  	_ =	shalt  }
0x6d: {  	_ =	shalt  }
0x6e: {  	_ =	shalt  }
0x6f: {  	_ =	shalt  }
0x70: {  	_ =	shalt  }
0x71: {  	_ =	shalt  }
0x72: {  	_ =	shalt  }
0x73: {  	_ =	shalt  }
0x74: {  	_ =	shalt  }
0x75: {  	_ =	shalt  }
0x76: {  	_ =	shalt  }
0x77: {  	_ =	shalt  }
0x78: {  	_ =	shalt  }
0x79: {  	_ =	shalt  }
0x7a: {  	_ =	shalt  }
0x7b: {  	_ =	shalt  }
0x7c: {  	_ =	shalt  }
0x7d: {  	_ =	shalt  }
0x7e: {  	_ =	shalt  }
0x7f: {  	_ =	shalt  }
0x80: {  	_ =	shalt  }
0x81: {  	_ =	shalt  }
0x82: {  	_ =	shalt  }
0x83: {  	_ =	shalt  }
0x84: {  	_ =	shalt  }
0x85: {  	_ =	shalt  }
0x86: {  	_ =	shalt  }
0x87: {  	_ =	shalt  }
.Lfunc_end0:
.L_simem_size_0:
called_computation.1_lowered:
.L_overlay_start_0:
0x88: {  	s2 =	sld [smem:$0x3FD9]  }
0x89: {  	s3 =	sld [smem:$0x3FFE];
	_ =	sdelay $0x1  }
0x8a: {  	s1 =	srdreg.scid  }
0x8b: {  	s0 =	sand.u32 $0x1, s1  }
0x8c: {  	s17 =	sshll.u32 s0, $0xA;
	s2 =	sadd.s32 s3, s2  }
0x8d: {  	s2 =	sadd.s32 s2, s17  }
0x8e: {  	[smem:$0x3FC4] =	sst s2  }
0x8f: {  	_ = 	snop  }
0x90: {  	s2 =	sld [smem:$0x3FD0];
	(tm) =	ssettm $0x1  }
0x91: {  	s18 =	sld [smem:$0x3FFB];
	_ =	sdelay $0x3  }
0x92: {  	_ =	strace s18  }
0x93: {  	s3 =	sld [smem:$0x3FFC];
	_ =	sdelay $0x3  }
0x94: {  	_ =	strace s3  }
0x95: {  	s3 =	sld [smem:$0x3FFD];
	_ =	sdelay $0x3  }
0x96: {  	_ =	strace s3  }
0x97: {  	_ =	strace $0x8FFFFFFF  }
0x98: {  	s19 =	sld [smem:$0x3FDB];
	_ =	sdelay $0x1  }
0x99: {  	s4 =	simm.s32 $_scs_section_size  }
0x9a: {  	s5 =	simm.s32 $_size__tile_overlayer_lowered;
	s6 =	simm.s32 $_tile_overlayer_lowered  }
0x9b: {  	s22 =	simm.s32 $0x1BFF;
	s21 =	sshll.u32 s6, $0x1;
	s3 =	sadd.s32 s4, s19  }
0x9c: {  	s7 =	simm.s32 $0x0;
	s20 =	sshll.u32 s5, $0x1;
	s5 =	sadd.s32 s21, s3  }
0x9d: {  	[timem:s7], [sflag:s22] =	dma.local [hbm:s5], s20  }
0x9e: {  	_ =	swait.ge [sflag:s22], s20  }
0x9f: {  	s4 =	ssub.s32 $0x0, s20;
	[sflag:s22] =	ssyncset.done $0x0  }
0xa0: {  	[sflag:s22] =	ssyncadd.s32 s4;
	_ =	sdelay $0x1  }
0xa1: {  	s23 =	simm.s32 $0x1B8B  }
0xa2: {  	_ =	swait.ge [sflag:s23], $0x1  }
0xa3: {  	[sflag:s23] =	ssyncset.done $0x0  }
0xa4: {  	s25 =	simm.s32 $0x1B8E;
	s24 =	sld [smem:$0x3FFE];
	[sflag:s23] =	ssyncadd.s32 $0xFFFFFFFF  }
0xa5: {  	s26 =	simm.s32 $execute0_lowered;
	[smem:$0x3FD2] =	sst s25  }
0xa6: {  	s5 =	sshll.u32 s26, $0x1;
	_ =	strace $0x80000049;
	[dreg:$0x1] =	wrdreg $0xFFFFFFFF  }
0xa7: {  	s28 =	simm.s32 $_size_execute0_lowered;
	s3 =	sadd.s32 s3, s5;
	[dreg:$0x0] =	wrdreg $0x0  }
0xa8: {  	s5 =	sshll.u32 s28, $0x1;
	[dreg:$0x2] =	wrdreg s3  }
0xa9: {  	[dreg:$0x3] =	wrdreg s5  }
0xaa: {  	[dreg:$0x4] =	wrdreg $0xC0  }
0xab: {  	_ =	task [dreg:s7], $0x5FFFF  }
0xac: {  	[dreg:$0x1] =	wrdreg $0xFFFFFFFF  }
0xad: {  	[dreg:$0x0] =	wrdreg $0x60  }
0xae: {  	[dreg:$0x2] =	wrdreg s24  }
0xaf: {  	[dreg:$0x3] =	wrdreg s2  }
0xb0: {  	[dreg:$0x4] =	wrdreg $0xEE800  }
0xb1: {  	[dreg:$0x5] =	wrdreg $0x13E800  }
0xb2: {  	[dreg:$0x6] =	wrdreg $0x9  }
0xb3: {  	_ =	task.clear_ibuf [dreg:s7], $0x7FFFF;
	_ =	strace $0x90000049  }
0xb4: {  	s29 =	simm.s32 $0x9;
	_ =	strace $0x8000004B  }
0xb5: {  	_ =	swait.ge [sflag:s29], $0x1  }
0xb6: {  	[sflag:s29] =	ssyncadd.s32 $0xFFFFFFFF  }
0xb7: {  	_ =	strace $0x9000004B  }
0xb8: {  	_ =	sfence  }
0xb9: {  	s30 =	sld [smem:$0x0];
	_ =	sdelay $0x2  }
0xba: {  	s31 =	sshll.u32 s1, $0xD;
	s1 =	sshrl.u32 s1, $0x2  }
0xbb: {  	s3 =	sand.u32 $0x4000, s31;
	s1 =	sadd.s32 s1, s30  }
0xbc: {  	s0 =	sor.u32 s3, s0;
	s1 =	sshll.u32 s1, $0x11  }
0xbd: {  	s0 =	sor.u32 s1, s0  }
0xbe: {  	s0 =	sadd.s32 $0x8F2B, s0  }
0xbf: {  	[sflag:s0] =	ssyncadd.remote.s32 $0x1  }
0xc0: {  	_ =	sfence.sel $0xFFFF  }
0xc1: {  	[dreg:$0x0] =	wrdreg $0xFFFFFFFF;
	(pc) =	sbr.abs _section_cstart, $3  }
0xc2: {  	[dreg:$0x1] =	wrdreg $0xFFFFFFFF  }
0xc3: {  	_ =	task.clear_ibuf [dreg:s7], $0x2FFFF;
	_ =	strace $0x9FFFFFFF  }
0xc4: {  	(tm) =	ssettm $0x7FFFFFFF  }
0xc5: {  	_ =	shalt  }
tec
execute0_lowered:
.L_overlay_start_1:
0x0: {  	(tag) =	ssettag $0x1  }
0x1: {  	s0 =	rddreg [dreg:$0x0]  }
0x2: {  	s3 =	rddreg [dreg:$0x1]  }
0x3: {  	s1 =	rddreg [dreg:$0x2]  }
0x4: {  	s2 =	rddreg [dreg:$0x3]  }
0x5: {  	s4 =	srdreg.scid;
	s17 =	stileid.u32  }
0x6: {  	s15 =	simm.s32 $0x9;
	s19 =	simm.s32 $0xDE80;
	s20 =	simm.s32 $0x7D  }
0x7: {  	s21 =	simm.s32 $0xA000;
	s23 =	simm.s32 $0xAFA0;
	s28 =	simm.s32 $0xCEE0  }
0x8: {  	s29 =	simm.s32 $0x1;
	s30 =	simm.s32 $0x2;
	s8 =	smul.u32 $0x5000, s17  }
0x9: {  	s31 =	simm.s32 $0x3;
	s22 =	simm.s32 $0x7;
	s7 =	smul.u32 $0xA00, s17  }
0xa: {  	s5 =	sand.u32 $0x1, s4;
	s4 =	simm.s32 $0x0;
	s10 =	smul.u32 $0x14000, s17  }
0xb: {  	s26 =	sshll.u32 s17, $0x6;
	s6 =	smul.u32 $0x50000, s5;
	[smem:$0x7FF] =	sst s4  }
0xc: {  	s5 =	ssub.s32 $0x2, s5;
	s17 =	sor.u32 $0x1C09, s26;
	_ =	strace $0x8000004A  }
0xd: {  	s9 =	sshrl.u32 s5, $0x1;
	s11 =	sadd.s32 s7, s0;
	s3 =	sadd.s32 s3, s7  }
0xe: {  	s25 =	sshrl.u32 s10, $0x2;
	s16 =	sadd.s32 s8, s1;
	s6 =	sadd.s32 s8, s6  }
0xf: {  	s5 =	ssub.s32 s5, s9;
	s24 =	sadd.s32 $0xC000, s11;
	[dreg:$0x6] =	wrdreg s3  }
0x10: {  	s3 =	sadd.s32 s25, s2;
	s8 =	sadd.s32 s8, s2;
	s18 =	sshrl.u32 s16, $0x3  }
0x11: {  	s25 =	simm.s32 $0xBF40;
	s16 =	simm.s32 $0x6;
	s6 =	sshrl.u32 s6, $0x3  }
0x12: {  	[dreg:$0x5] =	wrdreg s24;
	s9 =	sadd.s32 $0x1000, s3;
	s10 =	sadd.s32 $0x2000, s3  }
0x13: {  	s11 =	sadd.s32 $0x3000, s3;
	s12 =	sadd.s32 $0x4000, s3;
	s14 =	smax.u32 s5, $0x1  }
0x14: {  	s3 =	simm.s32 $0x5;
	s24 =	simm.s32 $0x8;
	s0 =	sadd.s32 s6, s0  }
0x15: {  	v0 =	vimm.f32 $0.0e+00;
	s7 =	sadd.s32 $0xB6000, s0;
	s13 =	sadd.s32 $0xCA000, s0;
	s0 =	simm.s32 $0x4  }
.LBB2_1:
0x16: {  	s5 =	simm.s32 $0x80;
	s26 =	simm.s32 $0x0  }
.LBB2_2:
0x17: {  	p0 =	sne.s32 s5, $0x3F80;
	[tilespmem:s26+$0xDE80] =	vst v0;
	s6 =	smov.u32 s5;
	s5 =	sadd.s32 $0x80, s5  }
.Ltmp0:
0x18: {  	[tilespmem:s26+$0xDE90] =	vst v0;
	(pc) =	sbr.rel @p0 .LBB2_2-.Ltmp0, $2  }
0x19: {  	_ =	sdelay $0x2  }
0x1a: {  	s26 =	sshra.s32 s6, $0x2  }
0x1b: {  	[tilespmem:s26+$0xDE80] =	vst v0  }
0x1c: {  	[tilespmem:s26+$0xDE90] =	vst v0;
	s5 =	simm.s32 $0x0;
	s6 =	rddreg [dreg:$0x5]  }
0x1d: {  	[tilespmem:s5], [sflag:$0x9] =	stream.linear.gather [hbm4b:s6+s5], $0x5000, $0x38;
	[tilespmem:$0x18E80] =	vst v63  }
0x1e: {  	_ =	swait.ge [sflag:s15], $0x5000  }
0x1f: {  	[sflag:s15] =	ssyncset.done $0x0  }
0x20: {  	s26 =	simm.s32 $0x5000;
	s6 =	rddreg [dreg:$0x6];
	[sflag:s15] =	ssyncadd.s32 $0xFFFFB000  }
0x21: {  	[tilespmem:s26], [sflag:$0x9] =	stream.linear.gather [hbm4b:s6+s5], $0x5000, $0x38;
	[tilespmem:$0x18E80] =	vst v63  }
0x22: {  	_ =	swait.ge [sflag:s15], $0x5000  }
0x23: {  	[sflag:s15] =	ssyncset.done $0x0  }
0x24: {  	[sflag:s15] =	ssyncadd.s32 $0xFFFFB000  }
0x25: {  	[spmem:s18], [sflag:s17] =	dma.local [hbm:s7], $0xA00  }
0x26: {  	_ =	swait.ge [sflag:s15], $0xA00  }
0x27: {  	[sflag:s15] =	ssyncset.done $0x0  }
0x28: {  	[sflag:s15] =	ssyncadd.s32 $0xFFFFF600  }
0x29: {  	[spmem:s8] =	stream.linear.scatter [tilespmem:s19], [sflag:$0x9], $0x1000, $0x38;
	[tilespmem:$0x18E80] =	vst v63  }
0x2a: {  	_ =	swait.ge [sflag:s15], $0x1000  }
0x2b: {  	[sflag:s15] =	ssyncset.done $0x0  }
0x2c: {  	[sflag:s15] =	ssyncadd.s32 $0xFFFFF000  }
0x2d: {  	[spmem:s9] =	stream.linear.scatter [tilespmem:s19], [sflag:$0x9], $0x1000, $0x38;
	[tilespmem:$0x18E80] =	vst v63  }
0x2e: {  	_ =	swait.ge [sflag:s15], $0x1000  }
0x2f: {  	[sflag:s15] =	ssyncset.done $0x0  }
0x30: {  	[sflag:s15] =	ssyncadd.s32 $0xFFFFF000  }
0x31: {  	[spmem:s10] =	stream.linear.scatter [tilespmem:s19], [sflag:$0x9], $0x1000, $0x38;
	[tilespmem:$0x18E80] =	vst v63  }
0x32: {  	_ =	swait.ge [sflag:s15], $0x1000  }
0x33: {  	[sflag:s15] =	ssyncset.done $0x0  }
0x34: {  	[sflag:s15] =	ssyncadd.s32 $0xFFFFF000  }
0x35: {  	[spmem:s11] =	stream.linear.scatter [tilespmem:s19], [sflag:$0x9], $0x1000, $0x38;
	[tilespmem:$0x18E80] =	vst v63  }
0x36: {  	_ =	swait.ge [sflag:s15], $0x1000  }
0x37: {  	[sflag:s15] =	ssyncset.done $0x0  }
0x38: {  	[sflag:s15] =	ssyncadd.s32 $0xFFFFF000  }
0x39: {  	[spmem:s12] =	stream.linear.scatter [tilespmem:s19], [sflag:$0x9], $0x1000, $0x38;
	[tilespmem:$0x18E80] =	vst v63  }
0x3a: {  	_ =	swait.ge [sflag:s15], $0x1000  }
0x3b: {  	[sflag:s15] =	ssyncset.done $0x0  }
0x3c: {  	[sflag:s15] =	ssyncadd.s32 $0xFFFFF000  }
0x3d: {  	[bflag:$0x0] =	sbarrier.arrive $0xFFFF  }
0x3e: {  	[tilespmem:s21], [sflag:$0x1] =	stream.indirect.gather [spmem:s1], $0x20, s5, s20, $0xb8;
	[tilespmem:$0x18E80] =	vst v63  }
0x3f: {  	s6 =	simm.s32 $0x80  }
0x40: {  	[tilespmem:s23], [sflag:$0x2] =	stream.indirect.gather [spmem:s1], $0x20, s6, s20, $0xb8;
	[tilespmem:$0x18E80] =	vst v63  }
0x41: {  	s26 =	simm.s32 $0x100  }
0x42: {  	[tilespmem:s25], [sflag:$0x3] =	stream.indirect.gather [spmem:s1], $0x20, s26, s20, $0xb8;
	[tilespmem:$0x18E80] =	vst v63  }
0x43: {  	s6 =	simm.s32 $0x180  }
0x44: {  	[tilespmem:s28], [sflag:$0x4] =	stream.indirect.gather [spmem:s1], $0x20, s6, s20, $0xb8;
	[tilespmem:$0x18E80] =	vst v63  }
0x45: {  	_ =	swait.ge [sflag:s29], $0xFA0  }
0x46: {  	[sflag:s29] =	ssyncset.done $0x0  }
0x47: {  	s26 =	simm.s32 $0x5000;
	[sflag:s29] =	ssyncadd.s32 $0xFFFFF060  }
0x48: {  	[spmem:s2] =	stream.indirect.scatter.add.f32 [tilespmem:s21], [sflag:$0x5], $0x20, s26, s20, $0xb8;
	[tilespmem:$0x18E80] =	vst v63  }
0x49: {  	_ =	swait.ge [sflag:s30], $0xFA0  }
0x4a: {  	[sflag:s30] =	ssyncset.done $0x0  }
0x4b: {  	s6 =	simm.s32 $0x5080;
	[sflag:s30] =	ssyncadd.s32 $0xFFFFF060  }
0x4c: {  	[spmem:s2] =	stream.indirect.scatter.add.f32 [tilespmem:s23], [sflag:$0x6], $0x20, s6, s20, $0xb8;
	[tilespmem:$0x18E80] =	vst v63  }
0x4d: {  	_ =	swait.ge [sflag:s31], $0xFA0  }
0x4e: {  	[sflag:s31] =	ssyncset.done $0x0  }
0x4f: {  	s26 =	simm.s32 $0x5100;
	[sflag:s31] =	ssyncadd.s32 $0xFFFFF060  }
0x50: {  	[spmem:s2] =	stream.indirect.scatter.add.f32 [tilespmem:s25], [sflag:$0x7], $0x20, s26, s20, $0xb8;
	[tilespmem:$0x18E80] =	vst v63  }
0x51: {  	_ =	swait.ge [sflag:s0], $0xFA0  }
0x52: {  	[sflag:s0] =	ssyncset.done $0x0  }
0x53: {  	s6 =	simm.s32 $0x5180;
	[sflag:s0] =	ssyncadd.s32 $0xFFFFF060  }
0x54: {  	[spmem:s2] =	stream.indirect.scatter.add.f32 [tilespmem:s28], [sflag:$0x8], $0x20, s6, s20, $0xb8;
	[tilespmem:$0x18E80] =	vst v63  }
0x55: {  	_ =	swait.ge [sflag:s3], $0xFA0  }
0x56: {  	[sflag:s3] =	ssyncset.done $0x0  }
0x57: {  	s26 =	simm.s32 $0x200;
	[sflag:s3] =	ssyncadd.s32 $0xFFFFF060  }
0x58: {  	[tilespmem:s21], [sflag:$0x1] =	stream.indirect.gather [spmem:s1], $0x20, s26, s20, $0xb8;
	[tilespmem:$0x18E80] =	vst v63  }
0x59: {  	_ =	swait.ge [sflag:s16], $0xFA0  }
0x5a: {  	[sflag:s16] =	ssyncset.done $0x0  }
0x5b: {  	s6 =	simm.s32 $0x280;
	[sflag:s16] =	ssyncadd.s32 $0xFFFFF060  }
0x5c: {  	[tilespmem:s23], [sflag:$0x2] =	stream.indirect.gather [spmem:s1], $0x20, s6, s20, $0xb8;
	[tilespmem:$0x18E80] =	vst v63  }
0x5d: {  	_ =	swait.ge [sflag:s22], $0xFA0  }
0x5e: {  	[sflag:s22] =	ssyncset.done $0x0  }
0x5f: {  	s26 =	simm.s32 $0x300;
	[sflag:s22] =	ssyncadd.s32 $0xFFFFF060  }
0x60: {  	[tilespmem:s25], [sflag:$0x3] =	stream.indirect.gather [spmem:s1], $0x20, s26, s20, $0xb8;
	[tilespmem:$0x18E80] =	vst v63  }
0x61: {  	_ =	swait.ge [sflag:s24], $0xFA0  }
0x62: {  	[sflag:s24] =	ssyncset.done $0x0  }
0x63: {  	s5 =	simm.s32 $0x380;
	s26 =	simm.s32 $0x800;
	[sflag:s24] =	ssyncadd.s32 $0xFFFFF060  }
.LBB2_4:
0x64: {  	[tilespmem:s28], [sflag:$0x4] =	stream.indirect.gather [spmem:s1], $0x20, s5, s20, $0xb8;
	[tilespmem:$0x18E80] =	vst v63  }
0x65: {  	s5 =	smov.u32 s26  }
0x66: {  	p0 =	sne.s32 s26, $0x13000;
	s26 =	sadd.s32 $0x800, s26;
	_ =	swait.ge [sflag:s29], $0xFA0  }
0x67: {  	s5 =	sshra.s32 s5, $0x2;
	[sflag:s29] =	ssyncset.done $0x0  }
0x68: {  	s6 =	sadd.s32 $0x5000, s5;
	[sflag:s29] =	ssyncadd.s32 $0xFFFFF060  }
0x69: {  	[spmem:s2] =	stream.indirect.scatter.add.f32 [tilespmem:s21], [sflag:$0x5], $0x20, s6, s20, $0xb8;
	[tilespmem:$0x18E80] =	vst v63  }
0x6a: {  	_ =	swait.ge [sflag:s30], $0xFA0  }
0x6b: {  	[sflag:s30] =	ssyncset.done $0x0  }
0x6c: {  	s6 =	sadd.s32 $0x5080, s5;
	[sflag:s30] =	ssyncadd.s32 $0xFFFFF060  }
0x6d: {  	[spmem:s2] =	stream.indirect.scatter.add.f32 [tilespmem:s23], [sflag:$0x6], $0x20, s6, s20, $0xb8;
	[tilespmem:$0x18E80] =	vst v63  }
0x6e: {  	_ =	swait.ge [sflag:s31], $0xFA0  }
0x6f: {  	[sflag:s31] =	ssyncset.done $0x0  }
0x70: {  	s6 =	sadd.s32 $0x5100, s5;
	[sflag:s31] =	ssyncadd.s32 $0xFFFFF060  }
0x71: {  	[spmem:s2] =	stream.indirect.scatter.add.f32 [tilespmem:s25], [sflag:$0x7], $0x20, s6, s20, $0xb8;
	[tilespmem:$0x18E80] =	vst v63  }
0x72: {  	_ =	swait.ge [sflag:s0], $0xFA0  }
0x73: {  	[sflag:s0] =	ssyncset.done $0x0  }
0x74: {  	s6 =	sadd.s32 $0x5180, s5;
	[sflag:s0] =	ssyncadd.s32 $0xFFFFF060  }
0x75: {  	[spmem:s2] =	stream.indirect.scatter.add.f32 [tilespmem:s28], [sflag:$0x8], $0x20, s6, s20, $0xb8;
	[tilespmem:$0x18E80] =	vst v63  }
0x76: {  	_ =	swait.ge [sflag:s3], $0xFA0  }
0x77: {  	[sflag:s3] =	ssyncset.done $0x0  }
0x78: {  	s6 =	sadd.s32 $0x200, s5;
	[sflag:s3] =	ssyncadd.s32 $0xFFFFF060  }
0x79: {  	[tilespmem:s21], [sflag:$0x1] =	stream.indirect.gather [spmem:s1], $0x20, s6, s20, $0xb8;
	[tilespmem:$0x18E80] =	vst v63  }
0x7a: {  	_ =	swait.ge [sflag:s16], $0xFA0  }
0x7b: {  	[sflag:s16] =	ssyncset.done $0x0  }
0x7c: {  	s6 =	sadd.s32 $0x280, s5;
	[sflag:s16] =	ssyncadd.s32 $0xFFFFF060  }
0x7d: {  	[tilespmem:s23], [sflag:$0x2] =	stream.indirect.gather [spmem:s1], $0x20, s6, s20, $0xb8;
	[tilespmem:$0x18E80] =	vst v63  }
0x7e: {  	_ =	swait.ge [sflag:s22], $0xFA0  }
0x7f: {  	[sflag:s22] =	ssyncset.done $0x0  }
.Ltmp1:
0x80: {  	s6 =	sadd.s32 $0x300, s5;
	[sflag:s22] =	ssyncadd.s32 $0xFFFFF060;
	(pc) =	sbr.rel @p0 .LBB2_4-.Ltmp1, $4  }
0x81: {  	[tilespmem:s25], [sflag:$0x3] =	stream.indirect.gather [spmem:s1], $0x20, s6, s20, $0xb8;
	[tilespmem:$0x18E80] =	vst v63  }
0x82: {  	_ =	swait.ge [sflag:s24], $0xFA0  }
0x83: {  	[sflag:s24] =	ssyncset.done $0x0  }
0x84: {  	s5 =	sadd.s32 $0x380, s5;
	[sflag:s24] =	ssyncadd.s32 $0xFFFFF060  }
0x85: {  	[tilespmem:s28], [sflag:$0x4] =	stream.indirect.gather [spmem:s1], $0x20, s5, s20, $0xb8;
	[tilespmem:$0x18E80] =	vst v63  }
0x86: {  	_ =	swait.ge [sflag:s29], $0xFA0  }
0x87: {  	[sflag:s29] =	ssyncset.done $0x0  }
0x88: {  	s26 =	simm.s32 $0x9E00;
	[sflag:s29] =	ssyncadd.s32 $0xFFFFF060  }
0x89: {  	[spmem:s2] =	stream.indirect.scatter.add.f32 [tilespmem:s21], [sflag:$0x5], $0x20, s26, s20, $0xb8;
	[tilespmem:$0x18E80] =	vst v63  }
0x8a: {  	_ =	swait.ge [sflag:s30], $0xFA0  }
0x8b: {  	[sflag:s30] =	ssyncset.done $0x0  }
0x8c: {  	s6 =	simm.s32 $0x9E80;
	[sflag:s30] =	ssyncadd.s32 $0xFFFFF060  }
0x8d: {  	[spmem:s2] =	stream.indirect.scatter.add.f32 [tilespmem:s23], [sflag:$0x6], $0x20, s6, s20, $0xb8;
	[tilespmem:$0x18E80] =	vst v63  }
0x8e: {  	_ =	swait.ge [sflag:s31], $0xFA0  }
0x8f: {  	[sflag:s31] =	ssyncset.done $0x0  }
0x90: {  	s26 =	simm.s32 $0x9F00;
	[sflag:s31] =	ssyncadd.s32 $0xFFFFF060  }
0x91: {  	[spmem:s2] =	stream.indirect.scatter.add.f32 [tilespmem:s25], [sflag:$0x7], $0x20, s26, s20, $0xb8;
	[tilespmem:$0x18E80] =	vst v63  }
0x92: {  	_ =	swait.ge [sflag:s0], $0xFA0  }
0x93: {  	[sflag:s0] =	ssyncset.done $0x0  }
0x94: {  	s6 =	simm.s32 $0x9F80;
	[sflag:s0] =	ssyncadd.s32 $0xFFFFF060  }
0x95: {  	[spmem:s2] =	stream.indirect.scatter.add.f32 [tilespmem:s28], [sflag:$0x8], $0x20, s6, s20, $0xb8;
	[tilespmem:$0x18E80] =	vst v63  }
0x96: {  	_ =	swait.ge [sflag:s3], $0xFA0  }
0x97: {  	[sflag:s3] =	ssyncset.done $0x0  }
0x98: {  	[sflag:s3] =	ssyncadd.s32 $0xFFFFF060  }
0x99: {  	_ =	swait.ge [sflag:s16], $0xFA0  }
0x9a: {  	[sflag:s16] =	ssyncset.done $0x0  }
0x9b: {  	[sflag:s16] =	ssyncadd.s32 $0xFFFFF060  }
0x9c: {  	_ =	swait.ge [sflag:s22], $0xFA0  }
0x9d: {  	[sflag:s22] =	ssyncset.done $0x0  }
0x9e: {  	[sflag:s22] =	ssyncadd.s32 $0xFFFFF060  }
0x9f: {  	_ =	swait.ge [sflag:s24], $0xFA0  }
0xa0: {  	s4 =	sadd.s32 $0x1, s4;
	[sflag:s24] =	ssyncset.done $0x0  }
0xa1: {  	p0 =	sne.s32 s4, s14;
	[sflag:s24] =	ssyncadd.s32 $0xFFFFF060  }
.Ltmp2:
0xa2: {  	s26 =	sshrl.u32 s8, $0x3;
	[bflag:$0x0] =	sbarrier.arrive $0xFFFF;
	(pc) =	sbr.rel @p0 .LBB2_1-.Ltmp2, $4  }
0xa3: {  	[hbm:s13], [sflag:s17] =	dma.local [spmem:s26], $0xA00  }
0xa4: {  	_ =	swait.ge [sflag:s15], $0xA00  }
0xa5: {  	[sflag:s15] =	ssyncset.done $0x0  }
0xa6: {  	[sflag:s15] =	ssyncadd.s32 $0xFFFFF600  }
0xa7: {  	_ =	sfence.sel $0x180000  }
0xa8: {  	[bflag:$0x0] =	sbarrier.arrive $0xFFFF  }
0xa9: {  	_ =	strace $0x9000004A  }
0xaa: {  	s0 =	stileid.u32;
	[bflag:$0x2] =	sbarrier.arrive $0xFFFF  }
0xab: {  	p0 =	sne.s32 s0, $0x0;
	s0 =	rddreg [dreg:$0x4]  }
0xac: {  	s0 =	sadd.s32 @!p0 $0x100000, s0  }
0xad: {  	[sflag:s0] =	ssyncadd.tile.s32 @!p0 $0x1;
	_ =	shalt  }
.Lfunc_end2:
_tile_overlayer_lowered:
.L_overlay_start_2:
0xae: {  	(tag) =	ssettag $0x2  }
0xaf: {  	s0 =	rddreg [dreg:$0x0];
	s2 =	stileid.u32  }
0xb0: {  	s1 =	rddreg [dreg:$0x1];
	p0 =	sne.s32 s2, $0x0  }
0xb1: {  	s3 =	rddreg [dreg:$0x2];
	[bflag:$0x3] =	sbarrier.arrive $0xFFFF;
	s2 =	simm.s32 @!p0 $0x1C09  }
0xb2: {  	[timem:s3], [sflag:s2] =	dma.local @!p0 [hbm:s0], s1  }
0xb3: {  	s0 =	simm.s32 @!p0 $0x9  }
0xb4: {  	_ =	swait.ge @!p0 [sflag:s0], s1  }
0xb5: {  	s1 =	ssub.s32 @!p0 $0x0, s1;
	[sflag:s0] =	ssyncset.done @!p0 $0x0  }
0xb6: {  	[sflag:s0] =	ssyncadd.s32 @!p0 s1  }
0xb7: {  	[bflag:$0x3] =	sbarrier.arrive $0xFFFF  }
0xb8: {  	_ =	shalt  }

// kernel: kernel.14.cloned.1.call-start
scs
__scs_entry_jumppad:
0x0: {  	(pc) =	sbr.rel $0x88, $3  }
0x1: {  	(tag) =	ssettag $0x0;
	lr =	simm.s32 $0x1  }
0x2: {  	[smem:$0x3F9D] =	sst lr;
	_ =	strace $0xD0000000  }
0x3: {  	_ = 	snop  }
0x4: {  	_ = 	snop  }
0x5: {  	_ = 	snop  }
0x6: {  	_ = 	snop  }
0x7: {  	_ = 	snop  }
__scs_overlays_trampoline_lowered:
0x8: {  	[smem:$0x3FAC] =	sst s0  }
0x9: {  	[smem:$0x3FAD] =	sst s1  }
0xa: {  	[smem:$0x3FAE] =	sst s2  }
0xb: {  	[smem:$0x3FAF] =	sst s3  }
0xc: {  	[smem:$0x3FB0] =	sst s4  }
0xd: {  	[smem:$0x3FB1] =	sst s5  }
0xe: {  	[smem:$0x3FB2] =	sst s6  }
0xf: {  	[smem:$0x3FB3] =	sst s7  }
0x10: {  	[smem:$0x3FB4] =	sst s8  }
0x11: {  	[smem:$0x3FB5] =	sst s9;
	s0 =	simm.s32 @!p0 $0x0  }
0x12: {  	s1 =	sld [smem:$0x3F9B];
	s0 =	simm.s32 @p0 $0x1  }
0x13: {  	[smem:$0x3FB6] =	sst s0;
	s0 =	simm.s32 @!p1 $0x0  }
0x14: {  	s2 =	sld [smem:$0x3F9A];
	s0 =	simm.s32 @p1 $0x1  }
0x15: {  	[smem:$0x3FB7] =	sst s0;
	s0 =	simm.s32 @!p2 $0x0  }
0x16: {  	s3 =	sld [smem:$0x3FDB];
	s0 =	simm.s32 @p2 $0x1  }
0x17: {  	s4 =	simm.s32 $0x1BF5;
	[smem:$0x3FB9] =	sst s0  }
0x18: {  	s0 =	sld [smem:$0x3F9C];
	_ =	swait.ge [sflag:s4], $0x0  }
0x19: {  	s7 =	sld [smem:$0x3F9D]  }
0x1a: {  	s8 =	sadd.s32 $0xFFFFE003, lr  }
0x1b: {  	s9 =	sadd.s32 $0xFFFFFEF7, lr;
	s5 =	simm.s32 $0xFFFFFFFF;
	p2 =	slt.u32 s8, $0xFFFFF086  }
0x1c: {  	p1 =	slt.u32 s9, $0xF7A;
	s5 =	simm.s32 @!p2 $0x0  }
0x1d: {  	s5 =	simm.s32 @p1 $0x1;
	p0 =	seq.s32 s7, s2  }
0x1e: {  	s7 =	smul.u32 @!p0 $0xF7A, s2;
	p2 =	seq.s32 @!p0 s5, $0x0  }
0x1f: {  	s9 =	smul.u32 $0xF7A, s1;
	s8 =	simm.s32 @!p0 $0x1BF5;
	p2 =	por !p2, p0  }
0x20: {  	[sflag:s8] =	ssyncset.s32 @!p0 $0xFFFFF086;
	s6 =	sadd.s32 @!p0 s3, s7;
	s7 =	simm.s32 @!p0 $0x108  }
0x21: {  	s3 =	sadd.s32 s3, s9;
	s6 =	sadd.s32 @!p0 $0x88, s6;
	s7 =	simm.s32 @p2 $0x1082  }
0x22: {  	[simem:s7], [sflag:s8] =	dma.local @!p0 [hbm:s6], $0xF7A  }
0x23: {  	s9 =	sor.u32 $0xD0000000, s2;
	s6 =	simm.s32 $0x108;
	_ =	swait.ge @!p0 [sflag:s8], $0x0  }
0x24: {  	s3 =	sadd.s32 $0x88, s3;
	s6 =	simm.s32 @!p1 $0x1082;
	[sflag:s4] =	ssyncset.s32 $0xFFFFF086  }
0x25: {  	[simem:s6], [sflag:s4] =	dma.local [hbm:s3], $0xF7A  }
0x26: {  	[smem:$0x3F9D] =	sst s1;
	(tag) =	ssettag s2;
	_ =	strace s9  }
0x27: {  	s1 =	sld [smem:$0x3FAD]  }
0x28: {  	s2 =	sld [smem:$0x3FAE]  }
0x29: {  	s4 =	sld [smem:$0x3FB0]  }
0x2a: {  	p0 =	seq.s32 s5, $0x0;
	s5 =	sld [smem:$0x3FB1]  }
0x2b: {  	s6 =	sld [smem:$0x3FB2]  }
0x2c: {  	s7 =	sld [smem:$0x3FB3]  }
0x2d: {  	s3 =	simm.s32 $0x108;
	s8 =	sld [smem:$0x3FB4]  }
0x2e: {  	s3 =	simm.s32 @!p0 $0x1082;
	s9 =	sld [smem:$0x3FB5]  }
0x2f: {  	lr =	sadd.s32 s0, s3;
	s0 =	sld [smem:$0x3FAC]  }
0x30: {  	s3 =	sld [smem:$0x3FAF]  }
0x31: {  	[smem:$0x3FB8] =	sst s10  }
0x32: {  	s10 =	sld [smem:$0x3FB6];
	_ =	sdelay $0x3  }
0x33: {  	p0 =	seq.s32 s10, $0x1;
	s10 =	sld [smem:$0x3FB8];
	_ =	sdelay $0x3  }
0x34: {  	[smem:$0x3FB8] =	sst s10  }
0x35: {  	s10 =	sld [smem:$0x3FB7];
	_ =	sdelay $0x3  }
0x36: {  	p1 =	seq.s32 s10, $0x1;
	s10 =	sld [smem:$0x3FB8];
	_ =	sdelay $0x3  }
0x37: {  	[smem:$0x3FB8] =	sst s10  }
0x38: {  	s10 =	sld [smem:$0x3FB9]  }
0x39: {  	_ = 	snop;
	(pc) =	sbr.ind lr, $3  }
0x3a: {  	_ = 	snop  }
0x3b: {  	_ = 	snop  }
0x3c: {  	p2 =	seq.s32 s10, $0x1;
	s10 =	sld [smem:$0x3FB8]  }
0x3d: {  	_ =	shalt  }
0x3e: {  	_ =	shalt  }
0x3f: {  	_ =	shalt  }
0x40: {  	_ =	shalt  }
0x41: {  	_ =	shalt  }
0x42: {  	_ =	shalt  }
0x43: {  	_ =	shalt  }
0x44: {  	_ =	shalt  }
0x45: {  	_ =	shalt  }
0x46: {  	_ =	shalt  }
0x47: {  	_ =	shalt  }
0x48: {  	_ =	shalt  }
0x49: {  	_ =	shalt  }
0x4a: {  	_ =	shalt  }
0x4b: {  	_ =	shalt  }
0x4c: {  	_ =	shalt  }
0x4d: {  	_ =	shalt  }
0x4e: {  	_ =	shalt  }
0x4f: {  	_ =	shalt  }
0x50: {  	_ =	shalt  }
0x51: {  	_ =	shalt  }
0x52: {  	_ =	shalt  }
0x53: {  	_ =	shalt  }
0x54: {  	_ =	shalt  }
0x55: {  	_ =	shalt  }
0x56: {  	_ =	shalt  }
0x57: {  	_ =	shalt  }
0x58: {  	_ =	shalt  }
0x59: {  	_ =	shalt  }
0x5a: {  	_ =	shalt  }
0x5b: {  	_ =	shalt  }
0x5c: {  	_ =	shalt  }
0x5d: {  	_ =	shalt  }
0x5e: {  	_ =	shalt  }
0x5f: {  	_ =	shalt  }
0x60: {  	_ =	shalt  }
0x61: {  	_ =	shalt  }
0x62: {  	_ =	shalt  }
0x63: {  	_ =	shalt  }
0x64: {  	_ =	shalt  }
0x65: {  	_ =	shalt  }
0x66: {  	_ =	shalt  }
0x67: {  	_ =	shalt  }
0x68: {  	_ =	shalt  }
0x69: {  	_ =	shalt  }
0x6a: {  	_ =	shalt  }
0x6b: {  	_ =	shalt  }
0x6c: {  	_ =	shalt  }
0x6d: {  	_ =	shalt  }
0x6e: {  	_ =	shalt  }
0x6f: {  	_ =	shalt  }
0x70: {  	_ =	shalt  }
0x71: {  	_ =	shalt  }
0x72: {  	_ =	shalt  }
0x73: {  	_ =	shalt  }
0x74: {  	_ =	shalt  }
0x75: {  	_ =	shalt  }
0x76: {  	_ =	shalt  }
0x77: {  	_ =	shalt  }
0x78: {  	_ =	shalt  }
0x79: {  	_ =	shalt  }
0x7a: {  	_ =	shalt  }
0x7b: {  	_ =	shalt  }
0x7c: {  	_ =	shalt  }
0x7d: {  	_ =	shalt  }
0x7e: {  	_ =	shalt  }
0x7f: {  	_ =	shalt  }
0x80: {  	_ =	shalt  }
0x81: {  	_ =	shalt  }
0x82: {  	_ =	shalt  }
0x83: {  	_ =	shalt  }
0x84: {  	_ =	shalt  }
0x85: {  	_ =	shalt  }
0x86: {  	_ =	shalt  }
0x87: {  	_ =	shalt  }
.Lfunc_end0:
.L_simem_size_0:
called_computation.2_lowered:
.L_overlay_start_0:
0x88: {  	s2 =	sld [smem:$0x3FD9]  }
0x89: {  	s3 =	sld [smem:$0x3FFE];
	_ =	sdelay $0x1  }
0x8a: {  	s1 =	srdreg.scid  }
0x8b: {  	s0 =	sand.u32 $0x1, s1  }
0x8c: {  	s17 =	sshll.u32 s0, $0xA;
	s2 =	sadd.s32 s3, s2  }
0x8d: {  	s2 =	sadd.s32 s2, s17  }
0x8e: {  	[smem:$0x3FC4] =	sst s2  }
0x8f: {  	_ = 	snop  }
0x90: {  	s2 =	sld [smem:$0x3FD0];
	(tm) =	ssettm $0x1  }
0x91: {  	s18 =	sld [smem:$0x3FFB];
	_ =	sdelay $0x3  }
0x92: {  	_ =	strace s18  }
0x93: {  	s3 =	sld [smem:$0x3FFC];
	_ =	sdelay $0x3  }
0x94: {  	_ =	strace s3  }
0x95: {  	s3 =	sld [smem:$0x3FFD];
	_ =	sdelay $0x3  }
0x96: {  	_ =	strace s3  }
0x97: {  	_ =	strace $0x8FFFFFFF  }
0x98: {  	s19 =	sld [smem:$0x3FDB];
	_ =	sdelay $0x1  }
0x99: {  	s4 =	simm.s32 $_scs_section_size  }
0x9a: {  	s5 =	simm.s32 $_size__tile_overlayer_lowered;
	s6 =	simm.s32 $_tile_overlayer_lowered  }
0x9b: {  	s22 =	simm.s32 $0x1BFF;
	s21 =	sshll.u32 s6, $0x1;
	s3 =	sadd.s32 s4, s19  }
0x9c: {  	s7 =	simm.s32 $0x0;
	s20 =	sshll.u32 s5, $0x1;
	s5 =	sadd.s32 s21, s3  }
0x9d: {  	[timem:s7], [sflag:s22] =	dma.local [hbm:s5], s20  }
0x9e: {  	_ =	swait.ge [sflag:s22], s20  }
0x9f: {  	s4 =	ssub.s32 $0x0, s20;
	[sflag:s22] =	ssyncset.done $0x0  }
0xa0: {  	[sflag:s22] =	ssyncadd.s32 s4;
	_ =	sdelay $0x1  }
0xa1: {  	s23 =	simm.s32 $0x1B8B  }
0xa2: {  	_ =	swait.ge [sflag:s23], $0x1  }
0xa3: {  	[sflag:s23] =	ssyncset.done $0x0  }
0xa4: {  	s25 =	simm.s32 $0x1B8E;
	s24 =	sld [smem:$0x3FFE];
	[sflag:s23] =	ssyncadd.s32 $0xFFFFFFFF  }
0xa5: {  	s26 =	simm.s32 $execute0_lowered;
	[smem:$0x3FD2] =	sst s25  }
0xa6: {  	s5 =	sshll.u32 s26, $0x1;
	_ =	strace $0x8000004C;
	[dreg:$0x1] =	wrdreg $0xFFFFFFFF  }
0xa7: {  	s28 =	simm.s32 $_size_execute0_lowered;
	s3 =	sadd.s32 s3, s5;
	[dreg:$0x0] =	wrdreg $0x0  }
0xa8: {  	s5 =	sshll.u32 s28, $0x1;
	[dreg:$0x2] =	wrdreg s3  }
0xa9: {  	[dreg:$0x3] =	wrdreg s5  }
0xaa: {  	[dreg:$0x4] =	wrdreg $0xC0  }
0xab: {  	_ =	task [dreg:s7], $0x5FFFF  }
0xac: {  	[dreg:$0x1] =	wrdreg $0xFFFFFFFF  }
0xad: {  	[dreg:$0x0] =	wrdreg $0x60  }
0xae: {  	[dreg:$0x2] =	wrdreg s24  }
0xaf: {  	[dreg:$0x3] =	wrdreg s2  }
0xb0: {  	[dreg:$0x4] =	wrdreg $0xEE800  }
0xb1: {  	[dreg:$0x5] =	wrdreg $0x13E800  }
0xb2: {  	[dreg:$0x6] =	wrdreg $0x9  }
0xb3: {  	_ =	task.clear_ibuf [dreg:s7], $0x7FFFF;
	_ =	strace $0x9000004C  }
0xb4: {  	s29 =	simm.s32 $0x9;
	_ =	strace $0x8000004E  }
0xb5: {  	_ =	swait.ge [sflag:s29], $0x1  }
0xb6: {  	[sflag:s29] =	ssyncadd.s32 $0xFFFFFFFF  }
0xb7: {  	_ =	strace $0x9000004E  }
0xb8: {  	_ =	sfence  }
0xb9: {  	s30 =	sld [smem:$0x0];
	_ =	sdelay $0x2  }
0xba: {  	s31 =	sshll.u32 s1, $0xD;
	s1 =	sshrl.u32 s1, $0x2  }
0xbb: {  	s3 =	sand.u32 $0x4000, s31;
	s1 =	sadd.s32 s1, s30  }
0xbc: {  	s0 =	sor.u32 s3, s0;
	s1 =	sshll.u32 s1, $0x11  }
0xbd: {  	s0 =	sor.u32 s1, s0  }
0xbe: {  	s0 =	sadd.s32 $0x8F2B, s0  }
0xbf: {  	[sflag:s0] =	ssyncadd.remote.s32 $0x1  }
0xc0: {  	_ =	sfence.sel $0xFFFF  }
0xc1: {  	[dreg:$0x0] =	wrdreg $0xFFFFFFFF;
	(pc) =	sbr.abs _section_cstart, $3  }
0xc2: {  	[dreg:$0x1] =	wrdreg $0xFFFFFFFF  }
0xc3: {  	_ =	task.clear_ibuf [dreg:s7], $0x2FFFF;
	_ =	strace $0x9FFFFFFF  }
0xc4: {  	(tm) =	ssettm $0x7FFFFFFF  }
0xc5: {  	_ =	shalt  }
tec
execute0_lowered:
.L_overlay_start_1:
0x0: {  	(tag) =	ssettag $0x1  }
0x1: {  	s0 =	rddreg [dreg:$0x0]  }
0x2: {  	s3 =	rddreg [dreg:$0x1]  }
0x3: {  	s1 =	rddreg [dreg:$0x2]  }
0x4: {  	s2 =	rddreg [dreg:$0x3]  }
0x5: {  	s4 =	srdreg.scid;
	s17 =	stileid.u32  }
0x6: {  	s15 =	simm.s32 $0x9;
	s19 =	simm.s32 $0xDE80;
	s20 =	simm.s32 $0x7D  }
0x7: {  	s21 =	simm.s32 $0xA000;
	s23 =	simm.s32 $0xAFA0;
	s28 =	simm.s32 $0xCEE0  }
0x8: {  	s29 =	simm.s32 $0x1;
	s30 =	simm.s32 $0x2;
	s8 =	smul.u32 $0x5000, s17  }
0x9: {  	s31 =	simm.s32 $0x3;
	s22 =	simm.s32 $0x7;
	s7 =	smul.u32 $0xA00, s17  }
0xa: {  	s5 =	sand.u32 $0x1, s4;
	s4 =	simm.s32 $0x0;
	s10 =	smul.u32 $0x14000, s17  }
0xb: {  	s26 =	sshll.u32 s17, $0x6;
	s6 =	smul.u32 $0x50000, s5;
	[smem:$0x7FF] =	sst s4  }
0xc: {  	s5 =	ssub.s32 $0x2, s5;
	s17 =	sor.u32 $0x1C09, s26;
	_ =	strace $0x8000004D  }
0xd: {  	s9 =	sshrl.u32 s5, $0x1;
	s11 =	sadd.s32 s7, s0;
	s3 =	sadd.s32 s3, s7  }
0xe: {  	s25 =	sshrl.u32 s10, $0x2;
	s16 =	sadd.s32 s8, s1;
	s6 =	sadd.s32 s8, s6  }
0xf: {  	s5 =	ssub.s32 s5, s9;
	s24 =	sadd.s32 $0xC000, s11;
	[dreg:$0x6] =	wrdreg s3  }
0x10: {  	s3 =	sadd.s32 s25, s2;
	s8 =	sadd.s32 s8, s2;
	s18 =	sshrl.u32 s16, $0x3  }
0x11: {  	s25 =	simm.s32 $0xBF40;
	s16 =	simm.s32 $0x6;
	s6 =	sshrl.u32 s6, $0x3  }
0x12: {  	[dreg:$0x5] =	wrdreg s24;
	s9 =	sadd.s32 $0x1000, s3;
	s10 =	sadd.s32 $0x2000, s3  }
0x13: {  	s11 =	sadd.s32 $0x3000, s3;
	s12 =	sadd.s32 $0x4000, s3;
	s14 =	smax.u32 s5, $0x1  }
0x14: {  	s3 =	simm.s32 $0x5;
	s24 =	simm.s32 $0x8;
	s0 =	sadd.s32 s6, s0  }
0x15: {  	v0 =	vimm.f32 $0.0e+00;
	s7 =	sadd.s32 $0x66000, s0;
	s13 =	sadd.s32 $0x7A000, s0;
	s0 =	simm.s32 $0x4  }
.LBB2_1:
0x16: {  	s5 =	simm.s32 $0x80;
	s26 =	simm.s32 $0x0  }
.LBB2_2:
0x17: {  	p0 =	sne.s32 s5, $0x3F80;
	[tilespmem:s26+$0xDE80] =	vst v0;
	s6 =	smov.u32 s5;
	s5 =	sadd.s32 $0x80, s5  }
.Ltmp0:
0x18: {  	[tilespmem:s26+$0xDE90] =	vst v0;
	(pc) =	sbr.rel @p0 .LBB2_2-.Ltmp0, $2  }
0x19: {  	_ =	sdelay $0x2  }
0x1a: {  	s26 =	sshra.s32 s6, $0x2  }
0x1b: {  	[tilespmem:s26+$0xDE80] =	vst v0  }
0x1c: {  	[tilespmem:s26+$0xDE90] =	vst v0;
	s5 =	simm.s32 $0x0;
	s6 =	rddreg [dreg:$0x5]  }
0x1d: {  	[tilespmem:s5], [sflag:$0x9] =	stream.linear.gather [hbm4b:s6+s5], $0x5000, $0x38;
	[tilespmem:$0x18E80] =	vst v63  }
0x1e: {  	_ =	swait.ge [sflag:s15], $0x5000  }
0x1f: {  	[sflag:s15] =	ssyncset.done $0x0  }
0x20: {  	s26 =	simm.s32 $0x5000;
	s6 =	rddreg [dreg:$0x6];
	[sflag:s15] =	ssyncadd.s32 $0xFFFFB000  }
0x21: {  	[tilespmem:s26], [sflag:$0x9] =	stream.linear.gather [hbm4b:s6+s5], $0x5000, $0x38;
	[tilespmem:$0x18E80] =	vst v63  }
0x22: {  	_ =	swait.ge [sflag:s15], $0x5000  }
0x23: {  	[sflag:s15] =	ssyncset.done $0x0  }
0x24: {  	[sflag:s15] =	ssyncadd.s32 $0xFFFFB000  }
0x25: {  	[spmem:s18], [sflag:s17] =	dma.local [hbm:s7], $0xA00  }
0x26: {  	_ =	swait.ge [sflag:s15], $0xA00  }
0x27: {  	[sflag:s15] =	ssyncset.done $0x0  }
0x28: {  	[sflag:s15] =	ssyncadd.s32 $0xFFFFF600  }
0x29: {  	[spmem:s8] =	stream.linear.scatter [tilespmem:s19], [sflag:$0x9], $0x1000, $0x38;
	[tilespmem:$0x18E80] =	vst v63  }
0x2a: {  	_ =	swait.ge [sflag:s15], $0x1000  }
0x2b: {  	[sflag:s15] =	ssyncset.done $0x0  }
0x2c: {  	[sflag:s15] =	ssyncadd.s32 $0xFFFFF000  }
0x2d: {  	[spmem:s9] =	stream.linear.scatter [tilespmem:s19], [sflag:$0x9], $0x1000, $0x38;
	[tilespmem:$0x18E80] =	vst v63  }
0x2e: {  	_ =	swait.ge [sflag:s15], $0x1000  }
0x2f: {  	[sflag:s15] =	ssyncset.done $0x0  }
0x30: {  	[sflag:s15] =	ssyncadd.s32 $0xFFFFF000  }
0x31: {  	[spmem:s10] =	stream.linear.scatter [tilespmem:s19], [sflag:$0x9], $0x1000, $0x38;
	[tilespmem:$0x18E80] =	vst v63  }
0x32: {  	_ =	swait.ge [sflag:s15], $0x1000  }
0x33: {  	[sflag:s15] =	ssyncset.done $0x0  }
0x34: {  	[sflag:s15] =	ssyncadd.s32 $0xFFFFF000  }
0x35: {  	[spmem:s11] =	stream.linear.scatter [tilespmem:s19], [sflag:$0x9], $0x1000, $0x38;
	[tilespmem:$0x18E80] =	vst v63  }
0x36: {  	_ =	swait.ge [sflag:s15], $0x1000  }
0x37: {  	[sflag:s15] =	ssyncset.done $0x0  }
0x38: {  	[sflag:s15] =	ssyncadd.s32 $0xFFFFF000  }
0x39: {  	[spmem:s12] =	stream.linear.scatter [tilespmem:s19], [sflag:$0x9], $0x1000, $0x38;
	[tilespmem:$0x18E80] =	vst v63  }
0x3a: {  	_ =	swait.ge [sflag:s15], $0x1000  }
0x3b: {  	[sflag:s15] =	ssyncset.done $0x0  }
0x3c: {  	[sflag:s15] =	ssyncadd.s32 $0xFFFFF000  }
0x3d: {  	[bflag:$0x0] =	sbarrier.arrive $0xFFFF  }
0x3e: {  	[tilespmem:s21], [sflag:$0x1] =	stream.indirect.gather [spmem:s1], $0x20, s5, s20, $0xb8;
	[tilespmem:$0x18E80] =	vst v63  }
0x3f: {  	s6 =	simm.s32 $0x80  }
0x40: {  	[tilespmem:s23], [sflag:$0x2] =	stream.indirect.gather [spmem:s1], $0x20, s6, s20, $0xb8;
	[tilespmem:$0x18E80] =	vst v63  }
0x41: {  	s26 =	simm.s32 $0x100  }
0x42: {  	[tilespmem:s25], [sflag:$0x3] =	stream.indirect.gather [spmem:s1], $0x20, s26, s20, $0xb8;
	[tilespmem:$0x18E80] =	vst v63  }
0x43: {  	s6 =	simm.s32 $0x180  }
0x44: {  	[tilespmem:s28], [sflag:$0x4] =	stream.indirect.gather [spmem:s1], $0x20, s6, s20, $0xb8;
	[tilespmem:$0x18E80] =	vst v63  }
0x45: {  	_ =	swait.ge [sflag:s29], $0xFA0  }
0x46: {  	[sflag:s29] =	ssyncset.done $0x0  }
0x47: {  	s26 =	simm.s32 $0x5000;
	[sflag:s29] =	ssyncadd.s32 $0xFFFFF060  }
0x48: {  	[spmem:s2] =	stream.indirect.scatter.add.f32 [tilespmem:s21], [sflag:$0x5], $0x20, s26, s20, $0xb8;
	[tilespmem:$0x18E80] =	vst v63  }
0x49: {  	_ =	swait.ge [sflag:s30], $0xFA0  }
0x4a: {  	[sflag:s30] =	ssyncset.done $0x0  }
0x4b: {  	s6 =	simm.s32 $0x5080;
	[sflag:s30] =	ssyncadd.s32 $0xFFFFF060  }
0x4c: {  	[spmem:s2] =	stream.indirect.scatter.add.f32 [tilespmem:s23], [sflag:$0x6], $0x20, s6, s20, $0xb8;
	[tilespmem:$0x18E80] =	vst v63  }
0x4d: {  	_ =	swait.ge [sflag:s31], $0xFA0  }
0x4e: {  	[sflag:s31] =	ssyncset.done $0x0  }
0x4f: {  	s26 =	simm.s32 $0x5100;
	[sflag:s31] =	ssyncadd.s32 $0xFFFFF060  }
0x50: {  	[spmem:s2] =	stream.indirect.scatter.add.f32 [tilespmem:s25], [sflag:$0x7], $0x20, s26, s20, $0xb8;
	[tilespmem:$0x18E80] =	vst v63  }
0x51: {  	_ =	swait.ge [sflag:s0], $0xFA0  }
0x52: {  	[sflag:s0] =	ssyncset.done $0x0  }
0x53: {  	s6 =	simm.s32 $0x5180;
	[sflag:s0] =	ssyncadd.s32 $0xFFFFF060  }
0x54: {  	[spmem:s2] =	stream.indirect.scatter.add.f32 [tilespmem:s28], [sflag:$0x8], $0x20, s6, s20, $0xb8;
	[tilespmem:$0x18E80] =	vst v63  }
0x55: {  	_ =	swait.ge [sflag:s3], $0xFA0  }
0x56: {  	[sflag:s3] =	ssyncset.done $0x0  }
0x57: {  	s26 =	simm.s32 $0x200;
	[sflag:s3] =	ssyncadd.s32 $0xFFFFF060  }
0x58: {  	[tilespmem:s21], [sflag:$0x1] =	stream.indirect.gather [spmem:s1], $0x20, s26, s20, $0xb8;
	[tilespmem:$0x18E80] =	vst v63  }
0x59: {  	_ =	swait.ge [sflag:s16], $0xFA0  }
0x5a: {  	[sflag:s16] =	ssyncset.done $0x0  }
0x5b: {  	s6 =	simm.s32 $0x280;
	[sflag:s16] =	ssyncadd.s32 $0xFFFFF060  }
0x5c: {  	[tilespmem:s23], [sflag:$0x2] =	stream.indirect.gather [spmem:s1], $0x20, s6, s20, $0xb8;
	[tilespmem:$0x18E80] =	vst v63  }
0x5d: {  	_ =	swait.ge [sflag:s22], $0xFA0  }
0x5e: {  	[sflag:s22] =	ssyncset.done $0x0  }
0x5f: {  	s26 =	simm.s32 $0x300;
	[sflag:s22] =	ssyncadd.s32 $0xFFFFF060  }
0x60: {  	[tilespmem:s25], [sflag:$0x3] =	stream.indirect.gather [spmem:s1], $0x20, s26, s20, $0xb8;
	[tilespmem:$0x18E80] =	vst v63  }
0x61: {  	_ =	swait.ge [sflag:s24], $0xFA0  }
0x62: {  	[sflag:s24] =	ssyncset.done $0x0  }
0x63: {  	s5 =	simm.s32 $0x380;
	s26 =	simm.s32 $0x800;
	[sflag:s24] =	ssyncadd.s32 $0xFFFFF060  }
.LBB2_4:
0x64: {  	[tilespmem:s28], [sflag:$0x4] =	stream.indirect.gather [spmem:s1], $0x20, s5, s20, $0xb8;
	[tilespmem:$0x18E80] =	vst v63  }
0x65: {  	s5 =	smov.u32 s26  }
0x66: {  	p0 =	sne.s32 s26, $0x13000;
	s26 =	sadd.s32 $0x800, s26;
	_ =	swait.ge [sflag:s29], $0xFA0  }
0x67: {  	s5 =	sshra.s32 s5, $0x2;
	[sflag:s29] =	ssyncset.done $0x0  }
0x68: {  	s6 =	sadd.s32 $0x5000, s5;
	[sflag:s29] =	ssyncadd.s32 $0xFFFFF060  }
0x69: {  	[spmem:s2] =	stream.indirect.scatter.add.f32 [tilespmem:s21], [sflag:$0x5], $0x20, s6, s20, $0xb8;
	[tilespmem:$0x18E80] =	vst v63  }
0x6a: {  	_ =	swait.ge [sflag:s30], $0xFA0  }
0x6b: {  	[sflag:s30] =	ssyncset.done $0x0  }
0x6c: {  	s6 =	sadd.s32 $0x5080, s5;
	[sflag:s30] =	ssyncadd.s32 $0xFFFFF060  }
0x6d: {  	[spmem:s2] =	stream.indirect.scatter.add.f32 [tilespmem:s23], [sflag:$0x6], $0x20, s6, s20, $0xb8;
	[tilespmem:$0x18E80] =	vst v63  }
0x6e: {  	_ =	swait.ge [sflag:s31], $0xFA0  }
0x6f: {  	[sflag:s31] =	ssyncset.done $0x0  }
0x70: {  	s6 =	sadd.s32 $0x5100, s5;
	[sflag:s31] =	ssyncadd.s32 $0xFFFFF060  }
0x71: {  	[spmem:s2] =	stream.indirect.scatter.add.f32 [tilespmem:s25], [sflag:$0x7], $0x20, s6, s20, $0xb8;
	[tilespmem:$0x18E80] =	vst v63  }
0x72: {  	_ =	swait.ge [sflag:s0], $0xFA0  }
0x73: {  	[sflag:s0] =	ssyncset.done $0x0  }
0x74: {  	s6 =	sadd.s32 $0x5180, s5;
	[sflag:s0] =	ssyncadd.s32 $0xFFFFF060  }
0x75: {  	[spmem:s2] =	stream.indirect.scatter.add.f32 [tilespmem:s28], [sflag:$0x8], $0x20, s6, s20, $0xb8;
	[tilespmem:$0x18E80] =	vst v63  }
0x76: {  	_ =	swait.ge [sflag:s3], $0xFA0  }
0x77: {  	[sflag:s3] =	ssyncset.done $0x0  }
0x78: {  	s6 =	sadd.s32 $0x200, s5;
	[sflag:s3] =	ssyncadd.s32 $0xFFFFF060  }
0x79: {  	[tilespmem:s21], [sflag:$0x1] =	stream.indirect.gather [spmem:s1], $0x20, s6, s20, $0xb8;
	[tilespmem:$0x18E80] =	vst v63  }
0x7a: {  	_ =	swait.ge [sflag:s16], $0xFA0  }
0x7b: {  	[sflag:s16] =	ssyncset.done $0x0  }
0x7c: {  	s6 =	sadd.s32 $0x280, s5;
	[sflag:s16] =	ssyncadd.s32 $0xFFFFF060  }
0x7d: {  	[tilespmem:s23], [sflag:$0x2] =	stream.indirect.gather [spmem:s1], $0x20, s6, s20, $0xb8;
	[tilespmem:$0x18E80] =	vst v63  }
0x7e: {  	_ =	swait.ge [sflag:s22], $0xFA0  }
0x7f: {  	[sflag:s22] =	ssyncset.done $0x0  }
.Ltmp1:
0x80: {  	s6 =	sadd.s32 $0x300, s5;
	[sflag:s22] =	ssyncadd.s32 $0xFFFFF060;
	(pc) =	sbr.rel @p0 .LBB2_4-.Ltmp1, $4  }
0x81: {  	[tilespmem:s25], [sflag:$0x3] =	stream.indirect.gather [spmem:s1], $0x20, s6, s20, $0xb8;
	[tilespmem:$0x18E80] =	vst v63  }
0x82: {  	_ =	swait.ge [sflag:s24], $0xFA0  }
0x83: {  	[sflag:s24] =	ssyncset.done $0x0  }
0x84: {  	s5 =	sadd.s32 $0x380, s5;
	[sflag:s24] =	ssyncadd.s32 $0xFFFFF060  }
0x85: {  	[tilespmem:s28], [sflag:$0x4] =	stream.indirect.gather [spmem:s1], $0x20, s5, s20, $0xb8;
	[tilespmem:$0x18E80] =	vst v63  }
0x86: {  	_ =	swait.ge [sflag:s29], $0xFA0  }
0x87: {  	[sflag:s29] =	ssyncset.done $0x0  }
0x88: {  	s26 =	simm.s32 $0x9E00;
	[sflag:s29] =	ssyncadd.s32 $0xFFFFF060  }
0x89: {  	[spmem:s2] =	stream.indirect.scatter.add.f32 [tilespmem:s21], [sflag:$0x5], $0x20, s26, s20, $0xb8;
	[tilespmem:$0x18E80] =	vst v63  }
0x8a: {  	_ =	swait.ge [sflag:s30], $0xFA0  }
0x8b: {  	[sflag:s30] =	ssyncset.done $0x0  }
0x8c: {  	s6 =	simm.s32 $0x9E80;
	[sflag:s30] =	ssyncadd.s32 $0xFFFFF060  }
0x8d: {  	[spmem:s2] =	stream.indirect.scatter.add.f32 [tilespmem:s23], [sflag:$0x6], $0x20, s6, s20, $0xb8;
	[tilespmem:$0x18E80] =	vst v63  }
0x8e: {  	_ =	swait.ge [sflag:s31], $0xFA0  }
0x8f: {  	[sflag:s31] =	ssyncset.done $0x0  }
0x90: {  	s26 =	simm.s32 $0x9F00;
	[sflag:s31] =	ssyncadd.s32 $0xFFFFF060  }
0x91: {  	[spmem:s2] =	stream.indirect.scatter.add.f32 [tilespmem:s25], [sflag:$0x7], $0x20, s26, s20, $0xb8;
	[tilespmem:$0x18E80] =	vst v63  }
0x92: {  	_ =	swait.ge [sflag:s0], $0xFA0  }
0x93: {  	[sflag:s0] =	ssyncset.done $0x0  }
0x94: {  	s6 =	simm.s32 $0x9F80;
	[sflag:s0] =	ssyncadd.s32 $0xFFFFF060  }
0x95: {  	[spmem:s2] =	stream.indirect.scatter.add.f32 [tilespmem:s28], [sflag:$0x8], $0x20, s6, s20, $0xb8;
	[tilespmem:$0x18E80] =	vst v63  }
0x96: {  	_ =	swait.ge [sflag:s3], $0xFA0  }
0x97: {  	[sflag:s3] =	ssyncset.done $0x0  }
0x98: {  	[sflag:s3] =	ssyncadd.s32 $0xFFFFF060  }
0x99: {  	_ =	swait.ge [sflag:s16], $0xFA0  }
0x9a: {  	[sflag:s16] =	ssyncset.done $0x0  }
0x9b: {  	[sflag:s16] =	ssyncadd.s32 $0xFFFFF060  }
0x9c: {  	_ =	swait.ge [sflag:s22], $0xFA0  }
0x9d: {  	[sflag:s22] =	ssyncset.done $0x0  }
0x9e: {  	[sflag:s22] =	ssyncadd.s32 $0xFFFFF060  }
0x9f: {  	_ =	swait.ge [sflag:s24], $0xFA0  }
0xa0: {  	s4 =	sadd.s32 $0x1, s4;
	[sflag:s24] =	ssyncset.done $0x0  }
0xa1: {  	p0 =	sne.s32 s4, s14;
	[sflag:s24] =	ssyncadd.s32 $0xFFFFF060  }
.Ltmp2:
0xa2: {  	s26 =	sshrl.u32 s8, $0x3;
	[bflag:$0x0] =	sbarrier.arrive $0xFFFF;
	(pc) =	sbr.rel @p0 .LBB2_1-.Ltmp2, $4  }
0xa3: {  	[hbm:s13], [sflag:s17] =	dma.local [spmem:s26], $0xA00  }
0xa4: {  	_ =	swait.ge [sflag:s15], $0xA00  }
0xa5: {  	[sflag:s15] =	ssyncset.done $0x0  }
0xa6: {  	[sflag:s15] =	ssyncadd.s32 $0xFFFFF600  }
0xa7: {  	_ =	sfence.sel $0x180000  }
0xa8: {  	[bflag:$0x0] =	sbarrier.arrive $0xFFFF  }
0xa9: {  	_ =	strace $0x9000004D  }
0xaa: {  	s0 =	stileid.u32;
	[bflag:$0x2] =	sbarrier.arrive $0xFFFF  }
0xab: {  	p0 =	sne.s32 s0, $0x0;
	s0 =	rddreg [dreg:$0x4]  }
0xac: {  	s0 =	sadd.s32 @!p0 $0x100000, s0  }
0xad: {  	[sflag:s0] =	ssyncadd.tile.s32 @!p0 $0x1;
	_ =	shalt  }
.Lfunc_end2:
_tile_overlayer_lowered:
.L_overlay_start_2:
0xae: {  	(tag) =	ssettag $0x2  }
0xaf: {  	s0 =	rddreg [dreg:$0x0];
	s2 =	stileid.u32  }
0xb0: {  	s1 =	rddreg [dreg:$0x1];
	p0 =	sne.s32 s2, $0x0  }
0xb1: {  	s3 =	rddreg [dreg:$0x2];
	[bflag:$0x3] =	sbarrier.arrive $0xFFFF;
	s2 =	simm.s32 @!p0 $0x1C09  }
0xb2: {  	[timem:s3], [sflag:s2] =	dma.local @!p0 [hbm:s0], s1  }
0xb3: {  	s0 =	simm.s32 @!p0 $0x9  }
0xb4: {  	_ =	swait.ge @!p0 [sflag:s0], s1  }
0xb5: {  	s1 =	ssub.s32 @!p0 $0x0, s1;
	[sflag:s0] =	ssyncset.done @!p0 $0x0  }
0xb6: {  	[sflag:s0] =	ssyncadd.s32 @!p0 s1  }
0xb7: {  	[bflag:$0x3] =	sbarrier.arrive $0xFFFF  }
0xb8: {  	_ =	shalt  }

// kernel: kernel.8.cloned.1.call-start
scs
__scs_entry_jumppad:
0x0: {  	(pc) =	sbr.rel $0x88, $3  }
0x1: {  	(tag) =	ssettag $0x0;
	lr =	simm.s32 $0x1  }
0x2: {  	[smem:$0x3F9D] =	sst lr;
	_ =	strace $0xD0000000  }
0x3: {  	_ = 	snop  }
0x4: {  	_ = 	snop  }
0x5: {  	_ = 	snop  }
0x6: {  	_ = 	snop  }
0x7: {  	_ = 	snop  }
__scs_overlays_trampoline_lowered:
0x8: {  	[smem:$0x3FAC] =	sst s0  }
0x9: {  	[smem:$0x3FAD] =	sst s1  }
0xa: {  	[smem:$0x3FAE] =	sst s2  }
0xb: {  	[smem:$0x3FAF] =	sst s3  }
0xc: {  	[smem:$0x3FB0] =	sst s4  }
0xd: {  	[smem:$0x3FB1] =	sst s5  }
0xe: {  	[smem:$0x3FB2] =	sst s6  }
0xf: {  	[smem:$0x3FB3] =	sst s7  }
0x10: {  	[smem:$0x3FB4] =	sst s8  }
0x11: {  	[smem:$0x3FB5] =	sst s9;
	s0 =	simm.s32 @!p0 $0x0  }
0x12: {  	s1 =	sld [smem:$0x3F9B];
	s0 =	simm.s32 @p0 $0x1  }
0x13: {  	[smem:$0x3FB6] =	sst s0;
	s0 =	simm.s32 @!p1 $0x0  }
0x14: {  	s2 =	sld [smem:$0x3F9A];
	s0 =	simm.s32 @p1 $0x1  }
0x15: {  	[smem:$0x3FB7] =	sst s0;
	s0 =	simm.s32 @!p2 $0x0  }
0x16: {  	s3 =	sld [smem:$0x3FDB];
	s0 =	simm.s32 @p2 $0x1  }
0x17: {  	s4 =	simm.s32 $0x1BF5;
	[smem:$0x3FB9] =	sst s0  }
0x18: {  	s0 =	sld [smem:$0x3F9C];
	_ =	swait.ge [sflag:s4], $0x0  }
0x19: {  	s7 =	sld [smem:$0x3F9D]  }
0x1a: {  	s8 =	sadd.s32 $0xFFFFE003, lr  }
0x1b: {  	s9 =	sadd.s32 $0xFFFFFEF7, lr;
	s5 =	simm.s32 $0xFFFFFFFF;
	p2 =	slt.u32 s8, $0xFFFFF086  }
0x1c: {  	p1 =	slt.u32 s9, $0xF7A;
	s5 =	simm.s32 @!p2 $0x0  }
0x1d: {  	s5 =	simm.s32 @p1 $0x1;
	p0 =	seq.s32 s7, s2  }
0x1e: {  	s7 =	smul.u32 @!p0 $0xF7A, s2;
	p2 =	seq.s32 @!p0 s5, $0x0  }
0x1f: {  	s9 =	smul.u32 $0xF7A, s1;
	s8 =	simm.s32 @!p0 $0x1BF5;
	p2 =	por !p2, p0  }
0x20: {  	[sflag:s8] =	ssyncset.s32 @!p0 $0xFFFFF086;
	s6 =	sadd.s32 @!p0 s3, s7;
	s7 =	simm.s32 @!p0 $0x108  }
0x21: {  	s3 =	sadd.s32 s3, s9;
	s6 =	sadd.s32 @!p0 $0x88, s6;
	s7 =	simm.s32 @p2 $0x1082  }
0x22: {  	[simem:s7], [sflag:s8] =	dma.local @!p0 [hbm:s6], $0xF7A  }
0x23: {  	s9 =	sor.u32 $0xD0000000, s2;
	s6 =	simm.s32 $0x108;
	_ =	swait.ge @!p0 [sflag:s8], $0x0  }
0x24: {  	s3 =	sadd.s32 $0x88, s3;
	s6 =	simm.s32 @!p1 $0x1082;
	[sflag:s4] =	ssyncset.s32 $0xFFFFF086  }
0x25: {  	[simem:s6], [sflag:s4] =	dma.local [hbm:s3], $0xF7A  }
0x26: {  	[smem:$0x3F9D] =	sst s1;
	(tag) =	ssettag s2;
	_ =	strace s9  }
0x27: {  	s1 =	sld [smem:$0x3FAD]  }
0x28: {  	s2 =	sld [smem:$0x3FAE]  }
0x29: {  	s4 =	sld [smem:$0x3FB0]  }
0x2a: {  	p0 =	seq.s32 s5, $0x0;
	s5 =	sld [smem:$0x3FB1]  }
0x2b: {  	s6 =	sld [smem:$0x3FB2]  }
0x2c: {  	s7 =	sld [smem:$0x3FB3]  }
0x2d: {  	s3 =	simm.s32 $0x108;
	s8 =	sld [smem:$0x3FB4]  }
0x2e: {  	s3 =	simm.s32 @!p0 $0x1082;
	s9 =	sld [smem:$0x3FB5]  }
0x2f: {  	lr =	sadd.s32 s0, s3;
	s0 =	sld [smem:$0x3FAC]  }
0x30: {  	s3 =	sld [smem:$0x3FAF]  }
0x31: {  	[smem:$0x3FB8] =	sst s10  }
0x32: {  	s10 =	sld [smem:$0x3FB6];
	_ =	sdelay $0x3  }
0x33: {  	p0 =	seq.s32 s10, $0x1;
	s10 =	sld [smem:$0x3FB8];
	_ =	sdelay $0x3  }
0x34: {  	[smem:$0x3FB8] =	sst s10  }
0x35: {  	s10 =	sld [smem:$0x3FB7];
	_ =	sdelay $0x3  }
0x36: {  	p1 =	seq.s32 s10, $0x1;
	s10 =	sld [smem:$0x3FB8];
	_ =	sdelay $0x3  }
0x37: {  	[smem:$0x3FB8] =	sst s10  }
0x38: {  	s10 =	sld [smem:$0x3FB9]  }
0x39: {  	_ = 	snop;
	(pc) =	sbr.ind lr, $3  }
0x3a: {  	_ = 	snop  }
0x3b: {  	_ = 	snop  }
0x3c: {  	p2 =	seq.s32 s10, $0x1;
	s10 =	sld [smem:$0x3FB8]  }
0x3d: {  	_ =	shalt  }
0x3e: {  	_ =	shalt  }
0x3f: {  	_ =	shalt  }
0x40: {  	_ =	shalt  }
0x41: {  	_ =	shalt  }
0x42: {  	_ =	shalt  }
0x43: {  	_ =	shalt  }
0x44: {  	_ =	shalt  }
0x45: {  	_ =	shalt  }
0x46: {  	_ =	shalt  }
0x47: {  	_ =	shalt  }
0x48: {  	_ =	shalt  }
0x49: {  	_ =	shalt  }
0x4a: {  	_ =	shalt  }
0x4b: {  	_ =	shalt  }
0x4c: {  	_ =	shalt  }
0x4d: {  	_ =	shalt  }
0x4e: {  	_ =	shalt  }
0x4f: {  	_ =	shalt  }
0x50: {  	_ =	shalt  }
0x51: {  	_ =	shalt  }
0x52: {  	_ =	shalt  }
0x53: {  	_ =	shalt  }
0x54: {  	_ =	shalt  }
0x55: {  	_ =	shalt  }
0x56: {  	_ =	shalt  }
0x57: {  	_ =	shalt  }
0x58: {  	_ =	shalt  }
0x59: {  	_ =	shalt  }
0x5a: {  	_ =	shalt  }
0x5b: {  	_ =	shalt  }
0x5c: {  	_ =	shalt  }
0x5d: {  	_ =	shalt  }
0x5e: {  	_ =	shalt  }
0x5f: {  	_ =	shalt  }
0x60: {  	_ =	shalt  }
0x61: {  	_ =	shalt  }
0x62: {  	_ =	shalt  }
0x63: {  	_ =	shalt  }
0x64: {  	_ =	shalt  }
0x65: {  	_ =	shalt  }
0x66: {  	_ =	shalt  }
0x67: {  	_ =	shalt  }
0x68: {  	_ =	shalt  }
0x69: {  	_ =	shalt  }
0x6a: {  	_ =	shalt  }
0x6b: {  	_ =	shalt  }
0x6c: {  	_ =	shalt  }
0x6d: {  	_ =	shalt  }
0x6e: {  	_ =	shalt  }
0x6f: {  	_ =	shalt  }
0x70: {  	_ =	shalt  }
0x71: {  	_ =	shalt  }
0x72: {  	_ =	shalt  }
0x73: {  	_ =	shalt  }
0x74: {  	_ =	shalt  }
0x75: {  	_ =	shalt  }
0x76: {  	_ =	shalt  }
0x77: {  	_ =	shalt  }
0x78: {  	_ =	shalt  }
0x79: {  	_ =	shalt  }
0x7a: {  	_ =	shalt  }
0x7b: {  	_ =	shalt  }
0x7c: {  	_ =	shalt  }
0x7d: {  	_ =	shalt  }
0x7e: {  	_ =	shalt  }
0x7f: {  	_ =	shalt  }
0x80: {  	_ =	shalt  }
0x81: {  	_ =	shalt  }
0x82: {  	_ =	shalt  }
0x83: {  	_ =	shalt  }
0x84: {  	_ =	shalt  }
0x85: {  	_ =	shalt  }
0x86: {  	_ =	shalt  }
0x87: {  	_ =	shalt  }
.Lfunc_end0:
.L_simem_size_0:
called_computation_lowered:
.L_overlay_start_0:
0x88: {  	s2 =	sld [smem:$0x3FD9]  }
0x89: {  	s3 =	sld [smem:$0x3FFE];
	_ =	sdelay $0x1  }
0x8a: {  	s1 =	srdreg.scid  }
0x8b: {  	s0 =	sand.u32 $0x1, s1  }
0x8c: {  	s17 =	sshll.u32 s0, $0xA;
	s2 =	sadd.s32 s3, s2  }
0x8d: {  	s2 =	sadd.s32 s2, s17  }
0x8e: {  	[smem:$0x3FC4] =	sst s2  }
0x8f: {  	_ = 	snop  }
0x90: {  	s2 =	sld [smem:$0x3FD0];
	(tm) =	ssettm $0x1  }
0x91: {  	s18 =	sld [smem:$0x3FFB];
	_ =	sdelay $0x3  }
0x92: {  	_ =	strace s18  }
0x93: {  	s3 =	sld [smem:$0x3FFC];
	_ =	sdelay $0x3  }
0x94: {  	_ =	strace s3  }
0x95: {  	s3 =	sld [smem:$0x3FFD];
	_ =	sdelay $0x3  }
0x96: {  	_ =	strace s3  }
0x97: {  	_ =	strace $0x8FFFFFFF  }
0x98: {  	s19 =	sld [smem:$0x3FDB];
	_ =	sdelay $0x1  }
0x99: {  	s4 =	simm.s32 $_scs_section_size  }
0x9a: {  	s5 =	simm.s32 $_size__tile_overlayer_lowered;
	s6 =	simm.s32 $_tile_overlayer_lowered  }
0x9b: {  	s22 =	simm.s32 $0x1BFF;
	s21 =	sshll.u32 s6, $0x1;
	s3 =	sadd.s32 s4, s19  }
0x9c: {  	s7 =	simm.s32 $0x0;
	s20 =	sshll.u32 s5, $0x1;
	s5 =	sadd.s32 s21, s3  }
0x9d: {  	[timem:s7], [sflag:s22] =	dma.local [hbm:s5], s20  }
0x9e: {  	_ =	swait.ge [sflag:s22], s20  }
0x9f: {  	s4 =	ssub.s32 $0x0, s20;
	[sflag:s22] =	ssyncset.done $0x0  }
0xa0: {  	[sflag:s22] =	ssyncadd.s32 s4;
	_ =	sdelay $0x1  }
0xa1: {  	s23 =	simm.s32 $0x1B8B  }
0xa2: {  	_ =	swait.ge [sflag:s23], $0x1  }
0xa3: {  	[sflag:s23] =	ssyncset.done $0x0  }
0xa4: {  	s25 =	simm.s32 $0x1B8E;
	s24 =	sld [smem:$0x3FFE];
	[sflag:s23] =	ssyncadd.s32 $0xFFFFFFFF  }
0xa5: {  	s26 =	simm.s32 $execute0_lowered;
	[smem:$0x3FD2] =	sst s25  }
0xa6: {  	s5 =	sshll.u32 s26, $0x1;
	_ =	strace $0x80000046;
	[dreg:$0x1] =	wrdreg $0xFFFFFFFF  }
0xa7: {  	s28 =	simm.s32 $_size_execute0_lowered;
	s3 =	sadd.s32 s3, s5;
	[dreg:$0x0] =	wrdreg $0x0  }
0xa8: {  	s5 =	sshll.u32 s28, $0x1;
	[dreg:$0x2] =	wrdreg s3  }
0xa9: {  	[dreg:$0x3] =	wrdreg s5  }
0xaa: {  	[dreg:$0x4] =	wrdreg $0xC0  }
0xab: {  	_ =	task [dreg:s7], $0x5FFFF  }
0xac: {  	[dreg:$0x1] =	wrdreg $0xFFFFFFFF  }
0xad: {  	[dreg:$0x0] =	wrdreg $0x60  }
0xae: {  	[dreg:$0x2] =	wrdreg s2  }
0xaf: {  	[dreg:$0x3] =	wrdreg s24  }
0xb0: {  	[dreg:$0x4] =	wrdreg $0x57D00  }
0xb1: {  	[dreg:$0x5] =	wrdreg $0x9  }
0xb2: {  	_ =	task.clear_ibuf [dreg:s7], $0x6FFFF;
	_ =	strace $0x90000046  }
0xb3: {  	s29 =	simm.s32 $0x9;
	_ =	strace $0x80000048  }
0xb4: {  	_ =	swait.ge [sflag:s29], $0x1  }
0xb5: {  	[sflag:s29] =	ssyncadd.s32 $0xFFFFFFFF  }
0xb6: {  	_ =	strace $0x90000048  }
0xb7: {  	_ =	sfence  }
0xb8: {  	s30 =	sld [smem:$0x0];
	_ =	sdelay $0x2  }
0xb9: {  	s31 =	sshll.u32 s1, $0xD;
	s1 =	sshrl.u32 s1, $0x2  }
0xba: {  	s3 =	sand.u32 $0x4000, s31;
	s1 =	sadd.s32 s1, s30  }
0xbb: {  	s0 =	sor.u32 s3, s0;
	s1 =	sshll.u32 s1, $0x11  }
0xbc: {  	s0 =	sor.u32 s1, s0  }
0xbd: {  	s0 =	sadd.s32 $0x8F2B, s0  }
0xbe: {  	[sflag:s0] =	ssyncadd.remote.s32 $0x1  }
0xbf: {  	_ =	sfence.sel $0xFFFF  }
0xc0: {  	[dreg:$0x0] =	wrdreg $0xFFFFFFFF;
	(pc) =	sbr.abs _section_cstart, $3  }
0xc1: {  	[dreg:$0x1] =	wrdreg $0xFFFFFFFF  }
0xc2: {  	_ =	task.clear_ibuf [dreg:s7], $0x2FFFF;
	_ =	strace $0x9FFFFFFF  }
0xc3: {  	(tm) =	ssettm $0x7FFFFFFF  }
tec
execute0_lowered:
.L_overlay_start_1:
0x0: {  	(tag) =	ssettag $0x1  }
0x1: {  	s4 =	rddreg [dreg:$0x0]  }
0x2: {  	s1 =	srdreg.scid;
	s5 =	rddreg [dreg:$0x1]  }
0x3: {  	s0 =	stileid.u32;
	s2 =	rddreg [dreg:$0x2]  }
0x4: {  	s3 =	simm.s32 $0x0;
	s11 =	simm.s32 $0x2800;
	s6 =	sand.u32 $0x1, s1  }
0x5: {  	s7 =	smul.u32 $0x2800, s0;
	s1 =	rddreg [dreg:$0x3];
	s9 =	sshll.u32 s0, $0x1  }
0x6: {  	[smem:$0x7FF] =	sst s3;
	s12 =	sshll.u32 s0, $0x6;
	s8 =	smul.u32 $0x28000, s6  }
0x7: {  	s9 =	sor.u32 s6, s9;
	s6 =	ssub.s32 $0x2, s6;
	_ =	strace $0x80000047  }
0x8: {  	s9 =	smul.u32 $0x500, s9;
	s31 =	sshrl.u32 s6, $0x1;
	s8 =	sadd.s32 s7, s8  }
0x9: {  	s12 =	sor.u32 $0x1C01, s12;
	s10 =	ssub.s32 s6, s31;
	s8 =	sshrl.u32 s8, $0x3  }
0xa: {  	s4 =	sadd.s32 s4, s9;
	s9 =	simm.s32 $0x2FD0;
	s8 =	sadd.s32 s8, s5  }
0xb: {  	s5 =	sadd.s32 s7, s2;
	s7 =	smax.u32 s10, $0x1;
	s10 =	simm.s32 $0x7D  }
0xc: {  	v0 =	vimm.f32 $1.000000000e+00;
	v1 =	vimm.f32 $0.0e+00;
	s6 =	sadd.s32 $0x2000, s8;
	s8 =	simm.s32 $0x1;
	s13 =	sshrl.u32 s5, $0x3  }
.LBB2_1:
0xd: {  	s14 =	simm.s32 $0x0  }
.LBB2_2:
0xe: {  	p0 =	sne.s32 s14, $0x1F00  }
.Ltmp0:
0xf: {  	_ = 	snop;
	(pc) =	sbr.rel @p0 .LBB2_2-.Ltmp0, $3  }
0x10: {  	_ =	sdelay $0x1  }
0x11: {  	s15 =	sshra.s32 s14, $0x2  }
0x12: {  	s14 =	sadd.s32 $0x40, s14;
	[tilespmem:s15+$0x2800] =	vst v0  }
0x13: {  	s14 =	simm.s32 $0x40;
	s15 =	simm.s32 $0x0  }
.LBB2_4:
0x14: {  	p0 =	sne.s32 s14, $0x9FC0;
	[tilespmem:s15+$0x2FD0] =	vst v1;
	s15 =	smov.u32 s14;
	s14 =	sadd.s32 $0x40, s14  }
.Ltmp1:
0x15: {  	(pc) =	sbr.rel @p0 .LBB2_4-.Ltmp1, $2  }
0x16: {  	_ =	sdelay $0x2  }
0x17: {  	s15 =	sshra.s32 s15, $0x2  }
0x18: {  	[tilespmem:s15+$0x2FD0] =	vst v1;
	s14 =	simm.s32 $0x0  }
0x19: {  	[tilespmem:s14], [sflag:$0x1] =	stream.linear.gather [hbm4b:s4+s14], $0x2800, $0x38;
	[tilespmem:$0x7FD0] =	vst v63  }
0x1a: {  	_ =	swait.ge [sflag:s8], $0x2800  }
0x1b: {  	[sflag:s8] =	ssyncset.done $0x0  }
0x1c: {  	[sflag:s8] =	ssyncadd.s32 $0xFFFFD800  }
0x1d: {  	[spmem:s5] =	stream.linear.scatter [tilespmem:s9], [sflag:$0x1], $0x2800, $0x38;
	[tilespmem:$0x7FD0] =	vst v63  }
0x1e: {  	_ =	swait.ge [sflag:s8], $0x2800  }
0x1f: {  	[sflag:s8] =	ssyncset.done $0x0  }
0x20: {  	[sflag:s8] =	ssyncadd.s32 $0xFFFFD800  }
0x21: {  	s31 =	simm.s32 $0x0;
	[bflag:$0x0] =	sbarrier.arrive $0xFFFF  }
0x22: {  	[spmem:s2] =	stream.indirect.scatter.add.f32 [tilespmem:s11], [sflag:$0x1], $0x10, s31, s10, $0xb8;
	[tilespmem:$0x7FD0] =	vst v63  }
0x23: {  	_ =	swait.ge [sflag:s8], $0x7D0  }
0x24: {  	s14 =	simm.s32 $0x200;
	[sflag:s8] =	ssyncset.done $0x0  }
.LBB2_6:
0x25: {  	s15 =	sshra.s32 s14, $0x2;
	[sflag:s8] =	ssyncadd.s32 $0xFFFFF830;
	p0 =	sne.s32 s14, $0x9E00  }
0x26: {  	[spmem:s2] =	stream.indirect.scatter.add.f32 [tilespmem:s11], [sflag:$0x1], $0x10, s15, s10, $0xb8;
	[tilespmem:$0x7FD0] =	vst v63  }
.Ltmp2:
0x27: {  	_ = 	snop;
	(pc) =	sbr.rel @p0 .LBB2_6-.Ltmp2, $4  }
0x28: {  	_ = 	snop  }
0x29: {  	s14 =	sadd.s32 $0x200, s14  }
0x2a: {  	_ =	swait.ge [sflag:s8], $0x7D0  }
0x2b: {  	[sflag:s8] =	ssyncset.done $0x0  }
0x2c: {  	s3 =	sadd.s32 $0x1, s3  }
0x2d: {  	[sflag:s8] =	ssyncadd.s32 $0xFFFFF830;
	p0 =	sne.s32 s3, s7  }
.Ltmp3:
0x2e: {  	[bflag:$0x0] =	sbarrier.arrive $0xFFFF;
	(pc) =	sbr.rel @p0 .LBB2_1-.Ltmp3, $4  }
0x2f: {  	[hbm:s6], [sflag:s12] =	dma.local [spmem:s13], $0x500  }
0x30: {  	_ =	swait.ge [sflag:s8], $0x500  }
0x31: {  	[sflag:s8] =	ssyncset.done $0x0  }
0x32: {  	[sflag:s8] =	ssyncadd.s32 $0xFFFFFB00  }
0x33: {  	_ =	sfence.sel $0x180000  }
0x34: {  	[bflag:$0x0] =	sbarrier.arrive $0xFFFF  }
0x35: {  	p0 =	sne.s32 s0, $0x0;
	_ =	strace $0x90000047  }
0x36: {  	s0 =	sadd.s32 @!p0 $0x100000, s1;
	[bflag:$0x2] =	sbarrier.arrive $0xFFFF  }
0x37: {  	[sflag:s0] =	ssyncadd.tile.s32 @!p0 $0x1;
	_ =	shalt  }
.Lfunc_end2:
_tile_overlayer_lowered:
.L_overlay_start_2:
0x38: {  	(tag) =	ssettag $0x2  }
0x39: {  	s0 =	rddreg [dreg:$0x0];
	s2 =	stileid.u32  }
0x3a: {  	s1 =	rddreg [dreg:$0x1];
	p0 =	sne.s32 s2, $0x0  }
0x3b: {  	s3 =	rddreg [dreg:$0x2];
	[bflag:$0x3] =	sbarrier.arrive $0xFFFF;
	s2 =	simm.s32 @!p0 $0x1C01  }
0x3c: {  	[timem:s3], [sflag:s2] =	dma.local @!p0 [hbm:s0], s1  }
0x3d: {  	s0 =	simm.s32 @!p0 $0x1  }
0x3e: {  	_ =	swait.ge @!p0 [sflag:s0], s1  }
0x3f: {  	s1 =	ssub.s32 @!p0 $0x0, s1;
	[sflag:s0] =	ssyncset.done @!p0 $0x0  }
0x40: {  	[sflag:s0] =	ssyncadd.s32 @!p0 s1  }
0x41: {  	[bflag:$0x3] =	sbarrier.arrive $0xFFFF  }
0x42: {  	_ =	shalt  }

</sc_bundles>
